<compile_context>
chip_gen: v7x
topology: tpu7x:2x2x1
jax: 0.10.2.dev20260603
libtpu: 0.0.44.dev20260713+nightly
codegen_flags: <defaults>
</compile_context>

<pallas_src>
import functools

import jax
import jax.numpy as jnp
from jax import lax
from jax.experimental import pallas as pl
from jax.experimental.pallas import tpu as pltpu
from jax.experimental.pallas import tpu_sc as plsc

_MAP = 8000
_DS = 8
_GRID = _MAP // _DS
_L = 32
_B = 16384
_E = 16
_OUT = 128

_NCORES = 2
_NSUB = 16
_NW = _NCORES * _NSUB
_BPW = _B // _NW
_NC = 64
_NCHUNK = _BPW // _NC
_GCHUNK = 128
_NP = _L * _E // 128


_TOKP = 100008


def _sc_gather(obs4, my_id, pos_wide, token_wide):
  mesh = plsc.VectorSubcoreMesh(core_axis_name="c", subcore_axis_name="s")

  @functools.partial(
      pl.kernel,
      out_type=(
          jax.ShapeDtypeStruct((_B, _E), jnp.float32),
          jax.ShapeDtypeStruct((_NP, _B * 8, _E), jnp.float32),
          jax.ShapeDtypeStruct((_NP, _B * 8, _E), jnp.float32),
      ),
      mesh=mesh,
      compiler_params=pltpu.CompilerParams(
          needs_layout_passes=False, use_tc_tiling_on_sc=False),
      scratch_types=[
          pltpu.VMEM((_L, 4, _NC), jnp.int32),
          pltpu.VMEM((_NC,), jnp.int32),
          pltpu.VMEM((_NC * _L,), jnp.int32),
          pltpu.VMEM((_NC * _L,), jnp.int32),
          pltpu.VMEM((_NC,), jnp.int32),
          pltpu.VMEM((_NC * _L, _E), jnp.float32),
          pltpu.VMEM((_NC * _L, _E), jnp.float32),
          pltpu.VMEM((_NC, _E), jnp.float32),
          pltpu.SemaphoreType.DMA,
      ],
  )
  def k(obs_hbm, myid_hbm, pos_tab, tok_tab, my_out, pos_out, tok_out,
        obs_v, myid_v, pidx_v, tidx_v, midx_v, posw_v, tokw_v, myr_v, sem):
    wid = lax.axis_index("s") * _NCORES + lax.axis_index("c")

    def chunk(ci, carry):
      base = wid * _BPW + ci * _NC
      bt = base // 128
      off = base % 128
      pltpu.sync_copy(obs_hbm.at[:, bt, :, pl.ds(off, _NC)], obs_v)
      pltpu.sync_copy(myid_hbm.at[pl.ds(base, _NC)], myid_v)

      def grp(g, c2):
        l = g // (_NC // 16)
        b0 = (g % (_NC // 16)) * 16
        bloc = b0 + lax.broadcasted_iota(jnp.int32, (16,), 0)
        r = obs_v[l, 1, pl.ds(b0, 16)]
        c = obs_v[l, 2, pl.ds(b0, 16)]
        tk = obs_v[l, 3, pl.ds(b0, 16)]
        dest = (l // 8) * (_NC * 8) + bloc * 8 + l % 8
        plsc.store_scatter(pidx_v, [dest], (r // _DS) * _GRID + (c // _DS))
        plsc.store_scatter(tidx_v, [dest], tk)
        return c2

      lax.fori_loop(0, _L * (_NC // 16), grp, 0)

      def bgrp(gb, c2):
        b0 = gb * 16
        bloc = b0 + lax.broadcasted_iota(jnp.int32, (16,), 0)
        myv = myid_v[pl.ds(b0, 16)]
        sel = jnp.zeros((16,), jnp.int32)
        found = jnp.zeros((16,), jnp.bool_)
        for l in range(_L):
          ag = obs_v[l, 0, pl.ds(b0, 16)]
          m = (ag == myv) & (ag != 0)
          sel = jnp.where(m & (~found), jnp.full((16,), l, jnp.int32), sel)
          found = found | m
        dsel = (sel // 8) * (_NC * 8) + bloc * 8 + sel % 8
        midx_v[pl.ds(b0, 16)] = plsc.load_gather(pidx_v, [dsel])
        return c2

      lax.fori_loop(0, _NC // 16, bgrp, 0)

      copies = []
      for k0 in range(0, _NC * _L, _GCHUNK):
        copies.append(pltpu.async_copy(
            pos_tab.at[pidx_v.at[pl.ds(k0, _GCHUNK)]],
            posw_v.at[pl.ds(k0, _GCHUNK)], sem))
        copies.append(pltpu.async_copy(
            tok_tab.at[tidx_v.at[pl.ds(k0, _GCHUNK)]],
            tokw_v.at[pl.ds(k0, _GCHUNK)], sem))
      copies.append(pltpu.async_copy(pos_tab.at[midx_v], myr_v, sem))
      for cp in copies:
        cp.wait()

      for j in range(_NP):
        pltpu.sync_copy(posw_v.at[pl.ds(j * _NC * 8, _NC * 8)],
                        pos_out.at[j, pl.ds(base * 8, _NC * 8)])
        pltpu.sync_copy(tokw_v.at[pl.ds(j * _NC * 8, _NC * 8)],
                        tok_out.at[j, pl.ds(base * 8, _NC * 8)])
      pltpu.sync_copy(myr_v, my_out.at[pl.ds(base, _NC)])
      return carry

    lax.fori_loop(0, _NCHUNK, chunk, 0)

  return k(obs4, my_id, pos_wide, token_wide)


def _tc_relayout(table_t, rows):
  bn = 4096
  grid = (pl.cdiv(rows, bn),)

  def body(x_ref, o_ref):
    o_ref[...] = x_ref[...].T.reshape(bn // 8, 8, _E)

  return pl.pallas_call(
      body,
      grid=grid,
      in_specs=[pl.BlockSpec((_E, bn), lambda i: (0, i))],
      out_specs=pl.BlockSpec((bn // 8, 8, _E), lambda i: (i, 0, 0)),
      out_shape=jax.ShapeDtypeStruct((rows // 8, 8, _E), jnp.float32),
  )(table_t)


def _tc_linear(myr, posr, tokr, wmy, wp, wt, bias):
  bm = 1024

  def body(my_ref, p_ref, t_ref, wmy_ref, wp_ref, wt_ref, b_ref, o_ref):
    acc = jnp.dot(my_ref[...], wmy_ref[...],
                  preferred_element_type=jnp.float32)
    for j in range(_NP):
      acc = acc + jnp.dot(p_ref[j], wp_ref[j],
                          preferred_element_type=jnp.float32)
      acc = acc + jnp.dot(t_ref[j], wt_ref[j],
                          preferred_element_type=jnp.float32)
    o_ref[...] = acc + b_ref[...]

  return pl.pallas_call(
      body,
      grid=(_B // bm,),
      in_specs=[
          pl.BlockSpec((bm, _E), lambda i: (i, 0)),
          pl.BlockSpec((_NP, bm, 128), lambda i: (0, i, 0)),
          pl.BlockSpec((_NP, bm, 128), lambda i: (0, i, 0)),
          pl.BlockSpec((_E, _OUT), lambda i: (0, 0)),
          pl.BlockSpec((_NP, 128, _OUT), lambda i: (0, 0, 0)),
          pl.BlockSpec((_NP, 128, _OUT), lambda i: (0, 0, 0)),
          pl.BlockSpec((1, _OUT), lambda i: (0, 0)),
      ],
      out_specs=pl.BlockSpec((bm, _OUT), lambda i: (i, 0)),
      out_shape=jax.ShapeDtypeStruct((_B, _OUT), jnp.float32),
  )(myr, posr, tokr, wmy, wp, wt, bias)


def kernel(comm_obs, my_id, pos_table, token_table, W, b):
  obs4 = (comm_obs.astype(jnp.int32)
          .transpose(1, 2, 0)
          .reshape(_L, 4, _B // 128, 128)
          .transpose(0, 2, 1, 3))
  pos_lin = _tc_relayout(pos_table.T, _GRID * _GRID)
  tok_pad = jnp.pad(token_table, ((0, _TOKP - token_table.shape[0]), (0, 0)))
  tok_lin = _tc_relayout(tok_pad.T, _TOKP)
  myr, posr, tokr = _sc_gather(obs4, my_id.astype(jnp.int32),
                               pos_lin.reshape(-1, _E),
                               tok_lin.reshape(-1, _E))
  posr = posr.reshape(_NP, _B, 128)
  tokr = tokr.reshape(_NP, _B, 128)
  wmy = W[:, :_E].T
  wr = W[:, _E:].reshape(_OUT, _L, 2, _E)
  wp = wr[:, :, 0, :].reshape(_OUT, _NP, 8 * _E).transpose(1, 2, 0)
  wt = wr[:, :, 1, :].reshape(_OUT, _NP, 8 * _E).transpose(1, 2, 0)
  return _tc_linear(myr, posr, tokr, wmy, wp, wt, b.reshape(1, _OUT))

# --- scband reference (transcript-rebuilt; emitter-appended) ---
"""Pipeline reference for scband-comm-embed-encoder-43731357008035 (READ-ONLY COPY).

The authoritative reference and input builder live on the scoring server;
editing this copy changes nothing except your own understanding.
"""

import jax, jax.numpy as jnp
import numpy as np

MAP_SIZE = 8000
DS = 8
TOKEN_NUM = 100000
EMBED = 16
L = 32
B = 16384
INPUT_SIZE = 128
POS_VOCAB = (MAP_SIZE // DS) ** 2
FC_IN = EMBED * (2 * L + 1)


def setup_inputs(seed: int = 0) -> dict:
    key = jax.random.key(seed)
    k1, k2, k3, k4, k5 = jax.random.split(key, 5)
    comm_obs = jax.random.randint(k1, (B, L, 4), 0, MAP_SIZE, dtype=jnp.int32)
    my_id = jax.random.randint(k2, (B,), 0, MAP_SIZE, dtype=jnp.int32)
    pos_table = jax.random.normal(k3, (POS_VOCAB, EMBED), dtype=jnp.float32) * 0.02
    token_table = jax.random.normal(k4, (TOKEN_NUM + 1, EMBED), dtype=jnp.float32) * 0.02
    W = jax.random.normal(k5, (INPUT_SIZE, FC_IN), dtype=jnp.float32) * (1.0 / np.sqrt(FC_IN))
    b = jnp.zeros((INPUT_SIZE,), dtype=jnp.float32)
    return {"comm_obs": comm_obs, "my_id": my_id, "pos_table": pos_table, "token_table": token_table, "W": W, "b": b}


def reference(comm_obs, my_id, pos_table, token_table, W, b):
    comm_obs = comm_obs.astype(jnp.int32)
    agent_ids = comm_obs[:, :, 0]
    row_indices = comm_obs[:, :, 1] // DS
    col_indices = comm_obs[:, :, 2] // DS
    tokens = comm_obs[:, :, 3]
    pos_idx = row_indices * (MAP_SIZE // DS) + col_indices
    pos_embeddings = jnp.take(pos_table, pos_idx, axis=0)
    token_embeddings = jnp.take(token_table, tokens, axis=0)
    mask = (agent_ids == my_id[:, None]) & (agent_ids != 0)
    mask_i = mask.astype(jnp.int32)
    row_sel = jnp.where(mask_i.any(axis=1), jnp.argmax(mask_i, axis=1), jnp.zeros_like(mask_i.sum(axis=1)))
    my_pos_embeddings = pos_embeddings[jnp.arange(comm_obs.shape[0]), row_sel]
    embeddings = jnp.concatenate((pos_embeddings, token_embeddings), axis=2)
    embeddings = embeddings.reshape(embeddings.shape[0], -1)
    embeddings = jnp.concatenate([my_pos_embeddings, embeddings], axis=1)
    return embeddings @ W.T + b

if __name__ == "__main__":
    import jax
    _d = setup_inputs()
    print(jax.jit(kernel)(*tuple(_d.values())))

</pallas_src>

<mosaic_0001>
#map = affine_map<(d0, d1) -> (0, 0, 0, 0)>
#map1 = affine_map<(d0, d1) -> (0)>
#map2 = affine_map<(d0, d1) -> (0, 0)>
#map3 = affine_map<(d0, d1) -> (0, 0, 0)>
module attributes {stable_mosaic.version = 14 : i64} {
  func.func @k(%arg0: i32, %arg1: i32, %arg2: memref<32x128x4x128xi32, #tpu.memory_space<hbm>>, %arg3: memref<16384xi32, #tpu.memory_space<hbm>>, %arg4: memref<1000000x16xf32, #tpu.memory_space<hbm>>, %arg5: memref<100008x16xf32, #tpu.memory_space<hbm>>, %arg6: memref<16384x16xf32, #tpu.memory_space<hbm>>, %arg7: memref<4x131072x16xf32, #tpu.memory_space<hbm>>, %arg8: memref<4x131072x16xf32, #tpu.memory_space<hbm>>, %arg9: memref<32x4x64xi32, #tpu.memory_space<vmem>>, %arg10: memref<64xi32, #tpu.memory_space<vmem>>, %arg11: memref<2048xi32, #tpu.memory_space<vmem>>, %arg12: memref<2048xi32, #tpu.memory_space<vmem>>, %arg13: memref<64xi32, #tpu.memory_space<vmem>>, %arg14: memref<2048x16xf32, #tpu.memory_space<vmem>>, %arg15: memref<2048x16xf32, #tpu.memory_space<vmem>>, %arg16: memref<64x16xf32, #tpu.memory_space<vmem>>, %arg17: memref<!tpu.dma_semaphore, #tpu.memory_space<semaphore_mem>>) attributes {dimension_semantics = [#tpu.dimension_semantics<core_parallel>, #tpu.dimension_semantics<subcore_parallel>], iteration_bounds = array<i64: 2, 16>, scalar_prefetch = 0 : i64, scratch_operands = 9 : i64, tpu.core_type = #tpu.core_type<sc_vector_subcore>, window_params = [{transform_indices = #map}, {transform_indices = #map1}, {transform_indices = #map2}, {transform_indices = #map2}, {transform_indices = #map2}, {transform_indices = #map3}, {transform_indices = #map3}]} {
    %mul3A = arith.constant 2 : i32
    %mul3A_0 = arith.muli %arg1, %mul3A : i32
    %add3A = arith.addi %mul3A_0, %arg0 : i32
    %scan3A = arith.constant 0 : i32
    %scan3A_1 = arith.constant 0 : i32
    %scan3A_2 = arith.constant 8 : i32
    %scan3A_3 = arith.addi %scan3A_1, %scan3A_2 : i32
    %scan3A_4 = arith.constant 1 : i32
    scf.for %scan3A_6 = %scan3A_1 to %scan3A_3 step %scan3A_4  : i32 {
      %mul3A_7 = arith.constant 512 : i32
      %mul3A_8 = arith.muli %add3A, %mul3A_7 : i32
      %mul3A_9 = arith.constant 64 : i32
      %mul3A_10 = arith.muli %scan3A_6, %mul3A_9 : i32
      %add3A_11 = arith.addi %mul3A_8, %mul3A_10 : i32
      %jit3A = arith.constant 128 : i32
      %div3A = arith.divsi %add3A_11, %jit3A : i32
      %sign3A = arith.constant 0 : i32
      %sign3A_12 = arith.cmpi sgt, %add3A_11, %sign3A : i32
      %sign3A_13 = arith.extui %sign3A_12 : i1 to i32
      %sign3A_14 = arith.constant 0 : i32
      %sign3A_15 = arith.cmpi slt, %add3A_11, %sign3A_14 : i32
      %sign3A_16 = arith.extui %sign3A_15 : i1 to i32
      %sign3A_17 = arith.subi %sign3A_13, %sign3A_16 : i32
      %sign3A_18 = arith.constant 0 : i32
      %sign3A_19 = arith.cmpi sgt, %jit3A, %sign3A_18 : i32
      %sign3A_20 = arith.extui %sign3A_19 : i1 to i32
      %sign3A_21 = arith.constant 0 : i32
      %sign3A_22 = arith.cmpi slt, %jit3A, %sign3A_21 : i32
      %sign3A_23 = arith.extui %sign3A_22 : i1 to i32
      %sign3A_24 = arith.subi %sign3A_20, %sign3A_23 : i32
      %ne3A = arith.cmpi ne, %sign3A_17, %sign3A_24 : i32
      %rem3A = arith.remsi %add3A_11, %jit3A : i32
      %ne3A_25 = arith.constant 0 : i32
      %ne3A_26 = arith.cmpi ne, %rem3A, %ne3A_25 : i32
      %and3A = arith.andi %ne3A, %ne3A_26 : i1
      %sub3A = arith.constant 1 : i32
      %sub3A_27 = arith.subi %div3A, %sub3A : i32
      %select_n3A = arith.select %and3A, %sub3A_27, %div3A : i32
      %jit3A_28 = arith.constant 128 : i32
      %eq3A = arith.constant 0 : i32
      %eq3A_29 = arith.cmpi eq, %jit3A_28, %eq3A : i32
      %jit3A_30 = arith.constant 1 : i32
      %select_n3A_31 = arith.select %eq3A_29, %jit3A_30, %jit3A_28 : i32
      %rem3A_32 = arith.remsi %add3A_11, %select_n3A_31 : i32
      %ne3A_33 = arith.constant 0 : i32
      %ne3A_34 = arith.cmpi ne, %rem3A_32, %ne3A_33 : i32
      %lt3A = arith.constant 0 : i32
      %lt3A_35 = arith.cmpi slt, %rem3A_32, %lt3A : i32
      %lt3A_36 = arith.constant 0 : i32
      %lt3A_37 = arith.cmpi slt, %select_n3A_31, %lt3A_36 : i32
      %ne3A_38 = arith.xori %lt3A_35, %lt3A_37 : i1
      %and3A_39 = arith.andi %ne3A_38, %ne3A_34 : i1
      %add3A_40 = arith.addi %rem3A_32, %select_n3A_31 : i32
      %select_n3A_41 = arith.select %and3A_39, %add3A_40, %rem3A_32 : i32
      "tpu.region"() ({
        %run_scoped3A_593 = tpu.sem_alloc : memref<!tpu.dma_semaphore, #tpu.memory_space<semaphore_mem>>
        %dma_start3A_594 = arith.constant 0 : i32
        %dma_start3A_595 = arith.constant 0 : i32
        %dma_start3A_596 = tpu.memref_slice %arg2[%dma_start3A_594, %select_n3A, %dma_start3A_595, %select_n3A_41] : memref<32x128x4x128xi32, #tpu.memory_space<hbm>> -> memref<32x1x4x64xi32, #tpu.memory_space<hbm>>
        %dma_start3A_597 = tpu.memref_squeeze %dma_start3A_596 : memref<32x1x4x64xi32, #tpu.memory_space<hbm>> -> memref<32x4x64xi32, #tpu.memory_space<hbm>>
        %dma_start3A_598 = arith.constant 0 : i32
        %dma_start3A_599 = arith.constant 0 : i32
        %dma_start3A_600 = tpu.memref_slice %arg2[%dma_start3A_598, %select_n3A, %dma_start3A_599, %select_n3A_41] : memref<32x128x4x128xi32, #tpu.memory_space<hbm>> -> memref<32x1x4x64xi32, #tpu.memory_space<hbm>>
        %dma_start3A_601 = tpu.memref_squeeze %dma_start3A_600 : memref<32x1x4x64xi32, #tpu.memory_space<hbm>> -> memref<32x4x64xi32, #tpu.memory_space<hbm>>
        tpu.enqueue_dma source(%dma_start3A_601 : memref<32x4x64xi32, #tpu.memory_space<hbm>>) target(%arg9 : memref<32x4x64xi32, #tpu.memory_space<vmem>>) target_semaphore(%run_scoped3A_593 : memref<!tpu.dma_semaphore, #tpu.memory_space<semaphore_mem>>)
        %dma_wait3A_602 = arith.constant 0 : i32
        %dma_wait3A_603 = arith.constant 0 : i32
        %dma_wait3A_604 = tpu.memref_slice %arg2[%dma_wait3A_602, %select_n3A, %dma_wait3A_603, %select_n3A_41] : memref<32x128x4x128xi32, #tpu.memory_space<hbm>> -> memref<32x1x4x64xi32, #tpu.memory_space<hbm>>
        %dma_wait3A_605 = tpu.memref_squeeze %dma_wait3A_604 : memref<32x1x4x64xi32, #tpu.memory_space<hbm>> -> memref<32x4x64xi32, #tpu.memory_space<hbm>>
        %dma_wait3A_606 = arith.constant 0 : i32
        %dma_wait3A_607 = arith.constant 0 : i32
        %dma_wait3A_608 = tpu.memref_slice %arg2[%dma_wait3A_606, %select_n3A, %dma_wait3A_607, %select_n3A_41] : memref<32x128x4x128xi32, #tpu.memory_space<hbm>> -> memref<32x1x4x64xi32, #tpu.memory_space<hbm>>
        %dma_wait3A_609 = tpu.memref_squeeze %dma_wait3A_608 : memref<32x1x4x64xi32, #tpu.memory_space<hbm>> -> memref<32x4x64xi32, #tpu.memory_space<hbm>>
        tpu.wait_dma2 semaphore(%run_scoped3A_593 : memref<!tpu.dma_semaphore, #tpu.memory_space<semaphore_mem>>) src(%dma_wait3A_609 : memref<32x4x64xi32, #tpu.memory_space<hbm>>) dst(%arg9 : memref<32x4x64xi32, #tpu.memory_space<vmem>>)
        tpu.yield
      }) : () -> ()
      "tpu.region"() ({
        %run_scoped3A_593 = tpu.sem_alloc : memref<!tpu.dma_semaphore, #tpu.memory_space<semaphore_mem>>
        %dma_start3A_594 = tpu.memref_slice %arg3[%add3A_11] : memref<16384xi32, #tpu.memory_space<hbm>> -> memref<64xi32, #tpu.memory_space<hbm>>
        %dma_start3A_595 = tpu.memref_slice %arg3[%add3A_11] : memref<16384xi32, #tpu.memory_space<hbm>> -> memref<64xi32, #tpu.memory_space<hbm>>
        tpu.enqueue_dma source(%dma_start3A_595 : memref<64xi32, #tpu.memory_space<hbm>>) target(%arg10 : memref<64xi32, #tpu.memory_space<vmem>>) target_semaphore(%run_scoped3A_593 : memref<!tpu.dma_semaphore, #tpu.memory_space<semaphore_mem>>)
        %dma_wait3A_596 = tpu.memref_slice %arg3[%add3A_11] : memref<16384xi32, #tpu.memory_space<hbm>> -> memref<64xi32, #tpu.memory_space<hbm>>
        %dma_wait3A_597 = tpu.memref_slice %arg3[%add3A_11] : memref<16384xi32, #tpu.memory_space<hbm>> -> memref<64xi32, #tpu.memory_space<hbm>>
        tpu.wait_dma2 semaphore(%run_scoped3A_593 : memref<!tpu.dma_semaphore, #tpu.memory_space<semaphore_mem>>) src(%dma_wait3A_597 : memref<64xi32, #tpu.memory_space<hbm>>) dst(%arg10 : memref<64xi32, #tpu.memory_space<vmem>>)
        tpu.yield
      }) : () -> ()
      %scan3A_42 = arith.constant 0 : i32
      %scan3A_43 = arith.constant 0 : i32
      %scan3A_44 = arith.constant 128 : i32
      %scan3A_45 = arith.addi %scan3A_43, %scan3A_44 : i32
      %scan3A_46 = arith.constant 1 : i32
      scf.for %scan3A_593 = %scan3A_43 to %scan3A_45 step %scan3A_46  : i32 {
        %jit3A_594 = arith.constant 4 : i32
        %div3A_595 = arith.divsi %scan3A_593, %jit3A_594 : i32
        %sign3A_596 = arith.constant 0 : i32
        %sign3A_597 = arith.cmpi sgt, %scan3A_593, %sign3A_596 : i32
        %sign3A_598 = arith.extui %sign3A_597 : i1 to i32
        %sign3A_599 = arith.constant 0 : i32
        %sign3A_600 = arith.cmpi slt, %scan3A_593, %sign3A_599 : i32
        %sign3A_601 = arith.extui %sign3A_600 : i1 to i32
        %sign3A_602 = arith.subi %sign3A_598, %sign3A_601 : i32
        %sign3A_603 = arith.constant 0 : i32
        %sign3A_604 = arith.cmpi sgt, %jit3A_594, %sign3A_603 : i32
        %sign3A_605 = arith.extui %sign3A_604 : i1 to i32
        %sign3A_606 = arith.constant 0 : i32
        %sign3A_607 = arith.cmpi slt, %jit3A_594, %sign3A_606 : i32
        %sign3A_608 = arith.extui %sign3A_607 : i1 to i32
        %sign3A_609 = arith.subi %sign3A_605, %sign3A_608 : i32
        %ne3A_610 = arith.cmpi ne, %sign3A_602, %sign3A_609 : i32
        %rem3A_611 = arith.remsi %scan3A_593, %jit3A_594 : i32
        %ne3A_612 = arith.constant 0 : i32
        %ne3A_613 = arith.cmpi ne, %rem3A_611, %ne3A_612 : i32
        %and3A_614 = arith.andi %ne3A_610, %ne3A_613 : i1
        %sub3A_615 = arith.constant 1 : i32
        %sub3A_616 = arith.subi %div3A_595, %sub3A_615 : i32
        %select_n3A_617 = arith.select %and3A_614, %sub3A_616, %div3A_595 : i32
        %jit3A_618 = arith.constant 4 : i32
        %eq3A_619 = arith.constant 0 : i32
        %eq3A_620 = arith.cmpi eq, %jit3A_618, %eq3A_619 : i32
        %jit3A_621 = arith.constant 1 : i32
        %select_n3A_622 = arith.select %eq3A_620, %jit3A_621, %jit3A_618 : i32
        %rem3A_623 = arith.remsi %scan3A_593, %select_n3A_622 : i32
        %ne3A_624 = arith.constant 0 : i32
        %ne3A_625 = arith.cmpi ne, %rem3A_623, %ne3A_624 : i32
        %lt3A_626 = arith.constant 0 : i32
        %lt3A_627 = arith.cmpi slt, %rem3A_623, %lt3A_626 : i32
        %lt3A_628 = arith.constant 0 : i32
        %lt3A_629 = arith.cmpi slt, %select_n3A_622, %lt3A_628 : i32
        %ne3A_630 = arith.xori %lt3A_627, %lt3A_629 : i1
        %and3A_631 = arith.andi %ne3A_630, %ne3A_625 : i1
        %add3A_632 = arith.addi %rem3A_623, %select_n3A_622 : i32
        %select_n3A_633 = arith.select %and3A_631, %add3A_632, %rem3A_623 : i32
        %mul3A_634 = arith.constant 16 : i32
        %mul3A_635 = arith.muli %select_n3A_633, %mul3A_634 : i32
        %iota3A = tpu.iota {dimensions = array<i32: 0>} : vector<16xi32>
        %add3A_636 = vector.broadcast %mul3A_635 : i32 to vector<16xi32>
        %add3A_637 = arith.addi %add3A_636, %iota3A : vector<16xi32>
        %get3A = arith.constant 1 : i32
        %get3A_638 = arith.index_cast %select_n3A_617 : i32 to index
        %get3A_639 = arith.index_cast %get3A : i32 to index
        %get3A_640 = arith.index_cast %mul3A_635 : i32 to index
        %get3A_641 = tpu.vector_load %arg9[%get3A_638, %get3A_639, %get3A_640] {strides = array<i32>} : memref<32x4x64xi32, #tpu.memory_space<vmem>>, vector<16xi32>,
        %get3A_642 = arith.constant 2 : i32
        %get3A_643 = arith.index_cast %select_n3A_617 : i32 to index
        %get3A_644 = arith.index_cast %get3A_642 : i32 to index
        %get3A_645 = arith.index_cast %mul3A_635 : i32 to index
        %get3A_646 = tpu.vector_load %arg9[%get3A_643, %get3A_644, %get3A_645] {strides = array<i32>} : memref<32x4x64xi32, #tpu.memory_space<vmem>>, vector<16xi32>,
        %get3A_647 = arith.constant 3 : i32
        %get3A_648 = arith.index_cast %select_n3A_617 : i32 to index
        %get3A_649 = arith.index_cast %get3A_647 : i32 to index
        %get3A_650 = arith.index_cast %mul3A_635 : i32 to index
        %get3A_651 = tpu.vector_load %arg9[%get3A_648, %get3A_649, %get3A_650] {strides = array<i32>} : memref<32x4x64xi32, #tpu.memory_space<vmem>>, vector<16xi32>,
        %jit3A_652 = arith.constant 8 : i32
        %div3A_653 = arith.divsi %select_n3A_617, %jit3A_652 : i32
        %sign3A_654 = arith.constant 0 : i32
        %sign3A_655 = arith.cmpi sgt, %select_n3A_617, %sign3A_654 : i32
        %sign3A_656 = arith.extui %sign3A_655 : i1 to i32
        %sign3A_657 = arith.constant 0 : i32
        %sign3A_658 = arith.cmpi slt, %select_n3A_617, %sign3A_657 : i32
        %sign3A_659 = arith.extui %sign3A_658 : i1 to i32
        %sign3A_660 = arith.subi %sign3A_656, %sign3A_659 : i32
        %sign3A_661 = arith.constant 0 : i32
        %sign3A_662 = arith.cmpi sgt, %jit3A_652, %sign3A_661 : i32
        %sign3A_663 = arith.extui %sign3A_662 : i1 to i32
        %sign3A_664 = arith.constant 0 : i32
        %sign3A_665 = arith.cmpi slt, %jit3A_652, %sign3A_664 : i32
        %sign3A_666 = arith.extui %sign3A_665 : i1 to i32
        %sign3A_667 = arith.subi %sign3A_663, %sign3A_666 : i32
        %ne3A_668 = arith.cmpi ne, %sign3A_660, %sign3A_667 : i32
        %rem3A_669 = arith.remsi %select_n3A_617, %jit3A_652 : i32
        %ne3A_670 = arith.constant 0 : i32
        %ne3A_671 = arith.cmpi ne, %rem3A_669, %ne3A_670 : i32
        %and3A_672 = arith.andi %ne3A_668, %ne3A_671 : i1
        %sub3A_673 = arith.constant 1 : i32
        %sub3A_674 = arith.subi %div3A_653, %sub3A_673 : i32
        %select_n3A_675 = arith.select %and3A_672, %sub3A_674, %div3A_653 : i32
        %mul3A_676 = arith.constant 512 : i32
        %mul3A_677 = arith.muli %select_n3A_675, %mul3A_676 : i32
        %mul3A_678 = arith.constant 8 : i32
        %mul3A_679 = vector.broadcast %mul3A_678 : i32 to vector<16xi32>
        %mul3A_680 = arith.muli %add3A_637, %mul3A_679 : vector<16xi32>
        %add3A_681 = vector.broadcast %mul3A_677 : i32 to vector<16xi32>
        %add3A_682 = arith.addi %add3A_681, %mul3A_680 : vector<16xi32>
        %jit3A_683 = arith.constant 8 : i32
        %eq3A_684 = arith.constant 0 : i32
        %eq3A_685 = arith.cmpi eq, %jit3A_683, %eq3A_684 : i32
        %jit3A_686 = arith.constant 1 : i32
        %select_n3A_687 = arith.select %eq3A_685, %jit3A_686, %jit3A_683 : i32
        %rem3A_688 = arith.remsi %select_n3A_617, %select_n3A_687 : i32
        %ne3A_689 = arith.constant 0 : i32
        %ne3A_690 = arith.cmpi ne, %rem3A_688, %ne3A_689 : i32
        %lt3A_691 = arith.constant 0 : i32
        %lt3A_692 = arith.cmpi slt, %rem3A_688, %lt3A_691 : i32
        %lt3A_693 = arith.constant 0 : i32
        %lt3A_694 = arith.cmpi slt, %select_n3A_687, %lt3A_693 : i32
        %ne3A_695 = arith.xori %lt3A_692, %lt3A_694 : i1
        %and3A_696 = arith.andi %ne3A_695, %ne3A_690 : i1
        %add3A_697 = arith.addi %rem3A_688, %select_n3A_687 : i32
        %select_n3A_698 = arith.select %and3A_696, %add3A_697, %rem3A_688 : i32
        %add3A_699 = vector.broadcast %select_n3A_698 : i32 to vector<16xi32>
        %add3A_700 = arith.addi %add3A_682, %add3A_699 : vector<16xi32>
        %jit3A_701 = arith.constant 8 : i32
        %div3A_702 = vector.broadcast %jit3A_701 : i32 to vector<16xi32>
        %div3A_703 = arith.divsi %get3A_641, %div3A_702 : vector<16xi32>
        %sign3A_704 = arith.constant 0 : i32
        %sign3A_705 = vector.broadcast %sign3A_704 : i32 to vector<16xi32>
        %sign3A_706 = arith.cmpi sgt, %get3A_641, %sign3A_705 : vector<16xi32>
        %sign3A_707 = arith.extui %sign3A_706 : vector<16xi1> to vector<16xi32>
        %sign3A_708 = arith.constant 0 : i32
        %sign3A_709 = vector.broadcast %sign3A_708 : i32 to vector<16xi32>
        %sign3A_710 = arith.cmpi slt, %get3A_641, %sign3A_709 : vector<16xi32>
        %sign3A_711 = arith.extui %sign3A_710 : vector<16xi1> to vector<16xi32>
        %sign3A_712 = arith.subi %sign3A_707, %sign3A_711 : vector<16xi32>
        %sign3A_713 = arith.constant 0 : i32
        %sign3A_714 = arith.cmpi sgt, %jit3A_701, %sign3A_713 : i32
        %sign3A_715 = arith.extui %sign3A_714 : i1 to i32
        %sign3A_716 = arith.constant 0 : i32
        %sign3A_717 = arith.cmpi slt, %jit3A_701, %sign3A_716 : i32
        %sign3A_718 = arith.extui %sign3A_717 : i1 to i32
        %sign3A_719 = arith.subi %sign3A_715, %sign3A_718 : i32
        %ne3A_720 = vector.broadcast %sign3A_719 : i32 to vector<16xi32>
        %ne3A_721 = arith.cmpi ne, %sign3A_712, %ne3A_720 : vector<16xi32>
        %rem3A_722 = vector.broadcast %jit3A_701 : i32 to vector<16xi32>
        %rem3A_723 = arith.remsi %get3A_641, %rem3A_722 : vector<16xi32>
        %ne3A_724 = arith.constant 0 : i32
        %ne3A_725 = vector.broadcast %ne3A_724 : i32 to vector<16xi32>
        %ne3A_726 = arith.cmpi ne, %rem3A_723, %ne3A_725 : vector<16xi32>
        %and3A_727 = arith.andi %ne3A_721, %ne3A_726 : vector<16xi1>
        %sub3A_728 = arith.constant 1 : i32
        %sub3A_729 = vector.broadcast %sub3A_728 : i32 to vector<16xi32>
        %sub3A_730 = arith.subi %div3A_703, %sub3A_729 : vector<16xi32>
        %select_n3A_731 = arith.select %and3A_727, %sub3A_730, %div3A_703 : vector<16xi1>, vector<16xi32>
        %mul3A_732 = arith.constant 1000 : i32
        %mul3A_733 = vector.broadcast %mul3A_732 : i32 to vector<16xi32>
        %mul3A_734 = arith.muli %select_n3A_731, %mul3A_733 : vector<16xi32>
        %jit3A_735 = arith.constant 8 : i32
        %div3A_736 = vector.broadcast %jit3A_735 : i32 to vector<16xi32>
        %div3A_737 = arith.divsi %get3A_646, %div3A_736 : vector<16xi32>
        %sign3A_738 = arith.constant 0 : i32
        %sign3A_739 = vector.broadcast %sign3A_738 : i32 to vector<16xi32>
        %sign3A_740 = arith.cmpi sgt, %get3A_646, %sign3A_739 : vector<16xi32>
        %sign3A_741 = arith.extui %sign3A_740 : vector<16xi1> to vector<16xi32>
        %sign3A_742 = arith.constant 0 : i32
        %sign3A_743 = vector.broadcast %sign3A_742 : i32 to vector<16xi32>
        %sign3A_744 = arith.cmpi slt, %get3A_646, %sign3A_743 : vector<16xi32>
        %sign3A_745 = arith.extui %sign3A_744 : vector<16xi1> to vector<16xi32>
        %sign3A_746 = arith.subi %sign3A_741, %sign3A_745 : vector<16xi32>
        %sign3A_747 = arith.constant 0 : i32
        %sign3A_748 = arith.cmpi sgt, %jit3A_735, %sign3A_747 : i32
        %sign3A_749 = arith.extui %sign3A_748 : i1 to i32
        %sign3A_750 = arith.constant 0 : i32
        %sign3A_751 = arith.cmpi slt, %jit3A_735, %sign3A_750 : i32
        %sign3A_752 = arith.extui %sign3A_751 : i1 to i32
        %sign3A_753 = arith.subi %sign3A_749, %sign3A_752 : i32
        %ne3A_754 = vector.broadcast %sign3A_753 : i32 to vector<16xi32>
        %ne3A_755 = arith.cmpi ne, %sign3A_746, %ne3A_754 : vector<16xi32>
        %rem3A_756 = vector.broadcast %jit3A_735 : i32 to vector<16xi32>
        %rem3A_757 = arith.remsi %get3A_646, %rem3A_756 : vector<16xi32>
        %ne3A_758 = arith.constant 0 : i32
        %ne3A_759 = vector.broadcast %ne3A_758 : i32 to vector<16xi32>
        %ne3A_760 = arith.cmpi ne, %rem3A_757, %ne3A_759 : vector<16xi32>
        %and3A_761 = arith.andi %ne3A_755, %ne3A_760 : vector<16xi1>
        %sub3A_762 = arith.constant 1 : i32
        %sub3A_763 = vector.broadcast %sub3A_762 : i32 to vector<16xi32>
        %sub3A_764 = arith.subi %div3A_737, %sub3A_763 : vector<16xi32>
        %select_n3A_765 = arith.select %and3A_761, %sub3A_764, %div3A_737 : vector<16xi1>, vector<16xi32>
        %add3A_766 = arith.addi %mul3A_734, %select_n3A_765 : vector<16xi32>
        tpu.vector_store_idx %arg11[%add3A_700], %add3A_766 : memref<2048xi32, #tpu.memory_space<vmem>>[vector<16xi32>], vector<16xi32>,
        tpu.vector_store_idx %arg12[%add3A_700], %get3A_651 : memref<2048xi32, #tpu.memory_space<vmem>>[vector<16xi32>], vector<16xi32>,
      }
      %scan3A_47 = arith.constant 128 : i32
      %scan3A_48 = arith.constant 0 : i32
      %scan3A_49 = arith.constant 0 : i32
      %scan3A_50 = arith.constant 4 : i32
      %scan3A_51 = arith.addi %scan3A_49, %scan3A_50 : i32
      %scan3A_52 = arith.constant 1 : i32
      scf.for %scan3A_593 = %scan3A_49 to %scan3A_51 step %scan3A_52  : i32 {
        %mul3A_594 = arith.constant 16 : i32
        %mul3A_595 = arith.muli %scan3A_593, %mul3A_594 : i32
        %iota3A = tpu.iota {dimensions = array<i32: 0>} : vector<16xi32>
        %add3A_596 = vector.broadcast %mul3A_595 : i32 to vector<16xi32>
        %add3A_597 = arith.addi %add3A_596, %iota3A : vector<16xi32>
        %get3A = arith.index_cast %mul3A_595 : i32 to index
        %get3A_598 = tpu.vector_load %arg10[%get3A] {strides = array<i32>} : memref<64xi32, #tpu.memory_space<vmem>>, vector<16xi32>,
        %broadcast_in_dim3A = arith.constant 0 : i32
        %broadcast_in_dim3A_599 = vector.broadcast %broadcast_in_dim3A : i32 to vector<16xi32>
        %broadcast_in_dim3A_600 = arith.constant false
        %broadcast_in_dim3A_601 = vector.broadcast %broadcast_in_dim3A_600 : i1 to vector<16xi1>
        %get3A_602 = arith.constant 0 : i32
        %get3A_603 = arith.constant 0 : i32
        %get3A_604 = arith.index_cast %get3A_602 : i32 to index
        %get3A_605 = arith.index_cast %get3A_603 : i32 to index
        %get3A_606 = arith.index_cast %mul3A_595 : i32 to index
        %get3A_607 = tpu.vector_load %arg9[%get3A_604, %get3A_605, %get3A_606] {strides = array<i32>} : memref<32x4x64xi32, #tpu.memory_space<vmem>>, vector<16xi32>,
        %eq3A_608 = arith.cmpi eq, %get3A_607, %get3A_598 : vector<16xi32>
        %ne3A_609 = arith.constant 0 : i32
        %ne3A_610 = vector.broadcast %ne3A_609 : i32 to vector<16xi32>
        %ne3A_611 = arith.cmpi ne, %get3A_607, %ne3A_610 : vector<16xi32>
        %and3A_612 = arith.andi %eq3A_608, %ne3A_611 : vector<16xi1>
        %not3A = arith.constant dense<true> : vector<16xi1>
        %not3A_613 = arith.xori %broadcast_in_dim3A_601, %not3A : vector<16xi1>
        %and3A_614 = arith.andi %and3A_612, %not3A_613 : vector<16xi1>
        %broadcast_in_dim3A_615 = arith.constant 0 : i32
        %broadcast_in_dim3A_616 = vector.broadcast %broadcast_in_dim3A_615 : i32 to vector<16xi32>
        %select_n3A_617 = arith.select %and3A_614, %broadcast_in_dim3A_616, %broadcast_in_dim3A_599 : vector<16xi1>, vector<16xi32>
        %or3A = arith.ori %broadcast_in_dim3A_601, %and3A_612 : vector<16xi1>
        %get3A_618 = arith.constant 1 : i32
        %get3A_619 = arith.constant 0 : i32
        %get3A_620 = arith.index_cast %get3A_618 : i32 to index
        %get3A_621 = arith.index_cast %get3A_619 : i32 to index
        %get3A_622 = arith.index_cast %mul3A_595 : i32 to index
        %get3A_623 = tpu.vector_load %arg9[%get3A_620, %get3A_621, %get3A_622] {strides = array<i32>} : memref<32x4x64xi32, #tpu.memory_space<vmem>>, vector<16xi32>,
        %eq3A_624 = arith.cmpi eq, %get3A_623, %get3A_598 : vector<16xi32>
        %ne3A_625 = arith.constant 0 : i32
        %ne3A_626 = vector.broadcast %ne3A_625 : i32 to vector<16xi32>
        %ne3A_627 = arith.cmpi ne, %get3A_623, %ne3A_626 : vector<16xi32>
        %and3A_628 = arith.andi %eq3A_624, %ne3A_627 : vector<16xi1>
        %not3A_629 = arith.constant dense<true> : vector<16xi1>
        %not3A_630 = arith.xori %or3A, %not3A_629 : vector<16xi1>
        %and3A_631 = arith.andi %and3A_628, %not3A_630 : vector<16xi1>
        %broadcast_in_dim3A_632 = arith.constant 1 : i32
        %broadcast_in_dim3A_633 = vector.broadcast %broadcast_in_dim3A_632 : i32 to vector<16xi32>
        %select_n3A_634 = arith.select %and3A_631, %broadcast_in_dim3A_633, %select_n3A_617 : vector<16xi1>, vector<16xi32>
        %or3A_635 = arith.ori %or3A, %and3A_628 : vector<16xi1>
        %get3A_636 = arith.constant 2 : i32
        %get3A_637 = arith.constant 0 : i32
        %get3A_638 = arith.index_cast %get3A_636 : i32 to index
        %get3A_639 = arith.index_cast %get3A_637 : i32 to index
        %get3A_640 = arith.index_cast %mul3A_595 : i32 to index
        %get3A_641 = tpu.vector_load %arg9[%get3A_638, %get3A_639, %get3A_640] {strides = array<i32>} : memref<32x4x64xi32, #tpu.memory_space<vmem>>, vector<16xi32>,
        %eq3A_642 = arith.cmpi eq, %get3A_641, %get3A_598 : vector<16xi32>
        %ne3A_643 = arith.constant 0 : i32
        %ne3A_644 = vector.broadcast %ne3A_643 : i32 to vector<16xi32>
        %ne3A_645 = arith.cmpi ne, %get3A_641, %ne3A_644 : vector<16xi32>
        %and3A_646 = arith.andi %eq3A_642, %ne3A_645 : vector<16xi1>
        %not3A_647 = arith.constant dense<true> : vector<16xi1>
        %not3A_648 = arith.xori %or3A_635, %not3A_647 : vector<16xi1>
        %and3A_649 = arith.andi %and3A_646, %not3A_648 : vector<16xi1>
        %broadcast_in_dim3A_650 = arith.constant 2 : i32
        %broadcast_in_dim3A_651 = vector.broadcast %broadcast_in_dim3A_650 : i32 to vector<16xi32>
        %select_n3A_652 = arith.select %and3A_649, %broadcast_in_dim3A_651, %select_n3A_634 : vector<16xi1>, vector<16xi32>
        %or3A_653 = arith.ori %or3A_635, %and3A_646 : vector<16xi1>
        %get3A_654 = arith.constant 3 : i32
        %get3A_655 = arith.constant 0 : i32
        %get3A_656 = arith.index_cast %get3A_654 : i32 to index
        %get3A_657 = arith.index_cast %get3A_655 : i32 to index
        %get3A_658 = arith.index_cast %mul3A_595 : i32 to index
        %get3A_659 = tpu.vector_load %arg9[%get3A_656, %get3A_657, %get3A_658] {strides = array<i32>} : memref<32x4x64xi32, #tpu.memory_space<vmem>>, vector<16xi32>,
        %eq3A_660 = arith.cmpi eq, %get3A_659, %get3A_598 : vector<16xi32>
        %ne3A_661 = arith.constant 0 : i32
        %ne3A_662 = vector.broadcast %ne3A_661 : i32 to vector<16xi32>
        %ne3A_663 = arith.cmpi ne, %get3A_659, %ne3A_662 : vector<16xi32>
        %and3A_664 = arith.andi %eq3A_660, %ne3A_663 : vector<16xi1>
        %not3A_665 = arith.constant dense<true> : vector<16xi1>
        %not3A_666 = arith.xori %or3A_653, %not3A_665 : vector<16xi1>
        %and3A_667 = arith.andi %and3A_664, %not3A_666 : vector<16xi1>
        %broadcast_in_dim3A_668 = arith.constant 3 : i32
        %broadcast_in_dim3A_669 = vector.broadcast %broadcast_in_dim3A_668 : i32 to vector<16xi32>
        %select_n3A_670 = arith.select %and3A_667, %broadcast_in_dim3A_669, %select_n3A_652 : vector<16xi1>, vector<16xi32>
        %or3A_671 = arith.ori %or3A_653, %and3A_664 : vector<16xi1>
        %get3A_672 = arith.constant 4 : i32
        %get3A_673 = arith.constant 0 : i32
        %get3A_674 = arith.index_cast %get3A_672 : i32 to index
        %get3A_675 = arith.index_cast %get3A_673 : i32 to index
        %get3A_676 = arith.index_cast %mul3A_595 : i32 to index
        %get3A_677 = tpu.vector_load %arg9[%get3A_674, %get3A_675, %get3A_676] {strides = array<i32>} : memref<32x4x64xi32, #tpu.memory_space<vmem>>, vector<16xi32>,
        %eq3A_678 = arith.cmpi eq, %get3A_677, %get3A_598 : vector<16xi32>
        %ne3A_679 = arith.constant 0 : i32
        %ne3A_680 = vector.broadcast %ne3A_679 : i32 to vector<16xi32>
        %ne3A_681 = arith.cmpi ne, %get3A_677, %ne3A_680 : vector<16xi32>
        %and3A_682 = arith.andi %eq3A_678, %ne3A_681 : vector<16xi1>
        %not3A_683 = arith.constant dense<true> : vector<16xi1>
        %not3A_684 = arith.xori %or3A_671, %not3A_683 : vector<16xi1>
        %and3A_685 = arith.andi %and3A_682, %not3A_684 : vector<16xi1>
        %broadcast_in_dim3A_686 = arith.constant 4 : i32
        %broadcast_in_dim3A_687 = vector.broadcast %broadcast_in_dim3A_686 : i32 to vector<16xi32>
        %select_n3A_688 = arith.select %and3A_685, %broadcast_in_dim3A_687, %select_n3A_670 : vector<16xi1>, vector<16xi32>
        %or3A_689 = arith.ori %or3A_671, %and3A_682 : vector<16xi1>
        %get3A_690 = arith.constant 5 : i32
        %get3A_691 = arith.constant 0 : i32
        %get3A_692 = arith.index_cast %get3A_690 : i32 to index
        %get3A_693 = arith.index_cast %get3A_691 : i32 to index
        %get3A_694 = arith.index_cast %mul3A_595 : i32 to index
        %get3A_695 = tpu.vector_load %arg9[%get3A_692, %get3A_693, %get3A_694] {strides = array<i32>} : memref<32x4x64xi32, #tpu.memory_space<vmem>>, vector<16xi32>,
        %eq3A_696 = arith.cmpi eq, %get3A_695, %get3A_598 : vector<16xi32>
        %ne3A_697 = arith.constant 0 : i32
        %ne3A_698 = vector.broadcast %ne3A_697 : i32 to vector<16xi32>
        %ne3A_699 = arith.cmpi ne, %get3A_695, %ne3A_698 : vector<16xi32>
        %and3A_700 = arith.andi %eq3A_696, %ne3A_699 : vector<16xi1>
        %not3A_701 = arith.constant dense<true> : vector<16xi1>
        %not3A_702 = arith.xori %or3A_689, %not3A_701 : vector<16xi1>
        %and3A_703 = arith.andi %and3A_700, %not3A_702 : vector<16xi1>
        %broadcast_in_dim3A_704 = arith.constant 5 : i32
        %broadcast_in_dim3A_705 = vector.broadcast %broadcast_in_dim3A_704 : i32 to vector<16xi32>
        %select_n3A_706 = arith.select %and3A_703, %broadcast_in_dim3A_705, %select_n3A_688 : vector<16xi1>, vector<16xi32>
        %or3A_707 = arith.ori %or3A_689, %and3A_700 : vector<16xi1>
        %get3A_708 = arith.constant 6 : i32
        %get3A_709 = arith.constant 0 : i32
        %get3A_710 = arith.index_cast %get3A_708 : i32 to index
        %get3A_711 = arith.index_cast %get3A_709 : i32 to index
        %get3A_712 = arith.index_cast %mul3A_595 : i32 to index
        %get3A_713 = tpu.vector_load %arg9[%get3A_710, %get3A_711, %get3A_712] {strides = array<i32>} : memref<32x4x64xi32, #tpu.memory_space<vmem>>, vector<16xi32>,
        %eq3A_714 = arith.cmpi eq, %get3A_713, %get3A_598 : vector<16xi32>
        %ne3A_715 = arith.constant 0 : i32
        %ne3A_716 = vector.broadcast %ne3A_715 : i32 to vector<16xi32>
        %ne3A_717 = arith.cmpi ne, %get3A_713, %ne3A_716 : vector<16xi32>
        %and3A_718 = arith.andi %eq3A_714, %ne3A_717 : vector<16xi1>
        %not3A_719 = arith.constant dense<true> : vector<16xi1>
        %not3A_720 = arith.xori %or3A_707, %not3A_719 : vector<16xi1>
        %and3A_721 = arith.andi %and3A_718, %not3A_720 : vector<16xi1>
        %broadcast_in_dim3A_722 = arith.constant 6 : i32
        %broadcast_in_dim3A_723 = vector.broadcast %broadcast_in_dim3A_722 : i32 to vector<16xi32>
        %select_n3A_724 = arith.select %and3A_721, %broadcast_in_dim3A_723, %select_n3A_706 : vector<16xi1>, vector<16xi32>
        %or3A_725 = arith.ori %or3A_707, %and3A_718 : vector<16xi1>
        %get3A_726 = arith.constant 7 : i32
        %get3A_727 = arith.constant 0 : i32
        %get3A_728 = arith.index_cast %get3A_726 : i32 to index
        %get3A_729 = arith.index_cast %get3A_727 : i32 to index
        %get3A_730 = arith.index_cast %mul3A_595 : i32 to index
        %get3A_731 = tpu.vector_load %arg9[%get3A_728, %get3A_729, %get3A_730] {strides = array<i32>} : memref<32x4x64xi32, #tpu.memory_space<vmem>>, vector<16xi32>,
        %eq3A_732 = arith.cmpi eq, %get3A_731, %get3A_598 : vector<16xi32>
        %ne3A_733 = arith.constant 0 : i32
        %ne3A_734 = vector.broadcast %ne3A_733 : i32 to vector<16xi32>
        %ne3A_735 = arith.cmpi ne, %get3A_731, %ne3A_734 : vector<16xi32>
        %and3A_736 = arith.andi %eq3A_732, %ne3A_735 : vector<16xi1>
        %not3A_737 = arith.constant dense<true> : vector<16xi1>
        %not3A_738 = arith.xori %or3A_725, %not3A_737 : vector<16xi1>
        %and3A_739 = arith.andi %and3A_736, %not3A_738 : vector<16xi1>
        %broadcast_in_dim3A_740 = arith.constant 7 : i32
        %broadcast_in_dim3A_741 = vector.broadcast %broadcast_in_dim3A_740 : i32 to vector<16xi32>
        %select_n3A_742 = arith.select %and3A_739, %broadcast_in_dim3A_741, %select_n3A_724 : vector<16xi1>, vector<16xi32>
        %or3A_743 = arith.ori %or3A_725, %and3A_736 : vector<16xi1>
        %get3A_744 = arith.constant 8 : i32
        %get3A_745 = arith.constant 0 : i32
        %get3A_746 = arith.index_cast %get3A_744 : i32 to index
        %get3A_747 = arith.index_cast %get3A_745 : i32 to index
        %get3A_748 = arith.index_cast %mul3A_595 : i32 to index
        %get3A_749 = tpu.vector_load %arg9[%get3A_746, %get3A_747, %get3A_748] {strides = array<i32>} : memref<32x4x64xi32, #tpu.memory_space<vmem>>, vector<16xi32>,
        %eq3A_750 = arith.cmpi eq, %get3A_749, %get3A_598 : vector<16xi32>
        %ne3A_751 = arith.constant 0 : i32
        %ne3A_752 = vector.broadcast %ne3A_751 : i32 to vector<16xi32>
        %ne3A_753 = arith.cmpi ne, %get3A_749, %ne3A_752 : vector<16xi32>
        %and3A_754 = arith.andi %eq3A_750, %ne3A_753 : vector<16xi1>
        %not3A_755 = arith.constant dense<true> : vector<16xi1>
        %not3A_756 = arith.xori %or3A_743, %not3A_755 : vector<16xi1>
        %and3A_757 = arith.andi %and3A_754, %not3A_756 : vector<16xi1>
        %broadcast_in_dim3A_758 = arith.constant 8 : i32
        %broadcast_in_dim3A_759 = vector.broadcast %broadcast_in_dim3A_758 : i32 to vector<16xi32>
        %select_n3A_760 = arith.select %and3A_757, %broadcast_in_dim3A_759, %select_n3A_742 : vector<16xi1>, vector<16xi32>
        %or3A_761 = arith.ori %or3A_743, %and3A_754 : vector<16xi1>
        %get3A_762 = arith.constant 9 : i32
        %get3A_763 = arith.constant 0 : i32
        %get3A_764 = arith.index_cast %get3A_762 : i32 to index
        %get3A_765 = arith.index_cast %get3A_763 : i32 to index
        %get3A_766 = arith.index_cast %mul3A_595 : i32 to index
        %get3A_767 = tpu.vector_load %arg9[%get3A_764, %get3A_765, %get3A_766] {strides = array<i32>} : memref<32x4x64xi32, #tpu.memory_space<vmem>>, vector<16xi32>,
        %eq3A_768 = arith.cmpi eq, %get3A_767, %get3A_598 : vector<16xi32>
        %ne3A_769 = arith.constant 0 : i32
        %ne3A_770 = vector.broadcast %ne3A_769 : i32 to vector<16xi32>
        %ne3A_771 = arith.cmpi ne, %get3A_767, %ne3A_770 : vector<16xi32>
        %and3A_772 = arith.andi %eq3A_768, %ne3A_771 : vector<16xi1>
        %not3A_773 = arith.constant dense<true> : vector<16xi1>
        %not3A_774 = arith.xori %or3A_761, %not3A_773 : vector<16xi1>
        %and3A_775 = arith.andi %and3A_772, %not3A_774 : vector<16xi1>
        %broadcast_in_dim3A_776 = arith.constant 9 : i32
        %broadcast_in_dim3A_777 = vector.broadcast %broadcast_in_dim3A_776 : i32 to vector<16xi32>
        %select_n3A_778 = arith.select %and3A_775, %broadcast_in_dim3A_777, %select_n3A_760 : vector<16xi1>, vector<16xi32>
        %or3A_779 = arith.ori %or3A_761, %and3A_772 : vector<16xi1>
        %get3A_780 = arith.constant 10 : i32
        %get3A_781 = arith.constant 0 : i32
        %get3A_782 = arith.index_cast %get3A_780 : i32 to index
        %get3A_783 = arith.index_cast %get3A_781 : i32 to index
        %get3A_784 = arith.index_cast %mul3A_595 : i32 to index
        %get3A_785 = tpu.vector_load %arg9[%get3A_782, %get3A_783, %get3A_784] {strides = array<i32>} : memref<32x4x64xi32, #tpu.memory_space<vmem>>, vector<16xi32>,
        %eq3A_786 = arith.cmpi eq, %get3A_785, %get3A_598 : vector<16xi32>
        %ne3A_787 = arith.constant 0 : i32
        %ne3A_788 = vector.broadcast %ne3A_787 : i32 to vector<16xi32>
        %ne3A_789 = arith.cmpi ne, %get3A_785, %ne3A_788 : vector<16xi32>
        %and3A_790 = arith.andi %eq3A_786, %ne3A_789 : vector<16xi1>
        %not3A_791 = arith.constant dense<true> : vector<16xi1>
        %not3A_792 = arith.xori %or3A_779, %not3A_791 : vector<16xi1>
        %and3A_793 = arith.andi %and3A_790, %not3A_792 : vector<16xi1>
        %broadcast_in_dim3A_794 = arith.constant 10 : i32
        %broadcast_in_dim3A_795 = vector.broadcast %broadcast_in_dim3A_794 : i32 to vector<16xi32>
        %select_n3A_796 = arith.select %and3A_793, %broadcast_in_dim3A_795, %select_n3A_778 : vector<16xi1>, vector<16xi32>
        %or3A_797 = arith.ori %or3A_779, %and3A_790 : vector<16xi1>
        %get3A_798 = arith.constant 11 : i32
        %get3A_799 = arith.constant 0 : i32
        %get3A_800 = arith.index_cast %get3A_798 : i32 to index
        %get3A_801 = arith.index_cast %get3A_799 : i32 to index
        %get3A_802 = arith.index_cast %mul3A_595 : i32 to index
        %get3A_803 = tpu.vector_load %arg9[%get3A_800, %get3A_801, %get3A_802] {strides = array<i32>} : memref<32x4x64xi32, #tpu.memory_space<vmem>>, vector<16xi32>,
        %eq3A_804 = arith.cmpi eq, %get3A_803, %get3A_598 : vector<16xi32>
        %ne3A_805 = arith.constant 0 : i32
        %ne3A_806 = vector.broadcast %ne3A_805 : i32 to vector<16xi32>
        %ne3A_807 = arith.cmpi ne, %get3A_803, %ne3A_806 : vector<16xi32>
        %and3A_808 = arith.andi %eq3A_804, %ne3A_807 : vector<16xi1>
        %not3A_809 = arith.constant dense<true> : vector<16xi1>
        %not3A_810 = arith.xori %or3A_797, %not3A_809 : vector<16xi1>
        %and3A_811 = arith.andi %and3A_808, %not3A_810 : vector<16xi1>
        %broadcast_in_dim3A_812 = arith.constant 11 : i32
        %broadcast_in_dim3A_813 = vector.broadcast %broadcast_in_dim3A_812 : i32 to vector<16xi32>
        %select_n3A_814 = arith.select %and3A_811, %broadcast_in_dim3A_813, %select_n3A_796 : vector<16xi1>, vector<16xi32>
        %or3A_815 = arith.ori %or3A_797, %and3A_808 : vector<16xi1>
        %get3A_816 = arith.constant 12 : i32
        %get3A_817 = arith.constant 0 : i32
        %get3A_818 = arith.index_cast %get3A_816 : i32 to index
        %get3A_819 = arith.index_cast %get3A_817 : i32 to index
        %get3A_820 = arith.index_cast %mul3A_595 : i32 to index
        %get3A_821 = tpu.vector_load %arg9[%get3A_818, %get3A_819, %get3A_820] {strides = array<i32>} : memref<32x4x64xi32, #tpu.memory_space<vmem>>, vector<16xi32>,
        %eq3A_822 = arith.cmpi eq, %get3A_821, %get3A_598 : vector<16xi32>
        %ne3A_823 = arith.constant 0 : i32
        %ne3A_824 = vector.broadcast %ne3A_823 : i32 to vector<16xi32>
        %ne3A_825 = arith.cmpi ne, %get3A_821, %ne3A_824 : vector<16xi32>
        %and3A_826 = arith.andi %eq3A_822, %ne3A_825 : vector<16xi1>
        %not3A_827 = arith.constant dense<true> : vector<16xi1>
        %not3A_828 = arith.xori %or3A_815, %not3A_827 : vector<16xi1>
        %and3A_829 = arith.andi %and3A_826, %not3A_828 : vector<16xi1>
        %broadcast_in_dim3A_830 = arith.constant 12 : i32
        %broadcast_in_dim3A_831 = vector.broadcast %broadcast_in_dim3A_830 : i32 to vector<16xi32>
        %select_n3A_832 = arith.select %and3A_829, %broadcast_in_dim3A_831, %select_n3A_814 : vector<16xi1>, vector<16xi32>
        %or3A_833 = arith.ori %or3A_815, %and3A_826 : vector<16xi1>
        %get3A_834 = arith.constant 13 : i32
        %get3A_835 = arith.constant 0 : i32
        %get3A_836 = arith.index_cast %get3A_834 : i32 to index
        %get3A_837 = arith.index_cast %get3A_835 : i32 to index
        %get3A_838 = arith.index_cast %mul3A_595 : i32 to index
        %get3A_839 = tpu.vector_load %arg9[%get3A_836, %get3A_837, %get3A_838] {strides = array<i32>} : memref<32x4x64xi32, #tpu.memory_space<vmem>>, vector<16xi32>,
        %eq3A_840 = arith.cmpi eq, %get3A_839, %get3A_598 : vector<16xi32>
        %ne3A_841 = arith.constant 0 : i32
        %ne3A_842 = vector.broadcast %ne3A_841 : i32 to vector<16xi32>
        %ne3A_843 = arith.cmpi ne, %get3A_839, %ne3A_842 : vector<16xi32>
        %and3A_844 = arith.andi %eq3A_840, %ne3A_843 : vector<16xi1>
        %not3A_845 = arith.constant dense<true> : vector<16xi1>
        %not3A_846 = arith.xori %or3A_833, %not3A_845 : vector<16xi1>
        %and3A_847 = arith.andi %and3A_844, %not3A_846 : vector<16xi1>
        %broadcast_in_dim3A_848 = arith.constant 13 : i32
        %broadcast_in_dim3A_849 = vector.broadcast %broadcast_in_dim3A_848 : i32 to vector<16xi32>
        %select_n3A_850 = arith.select %and3A_847, %broadcast_in_dim3A_849, %select_n3A_832 : vector<16xi1>, vector<16xi32>
        %or3A_851 = arith.ori %or3A_833, %and3A_844 : vector<16xi1>
        %get3A_852 = arith.constant 14 : i32
        %get3A_853 = arith.constant 0 : i32
        %get3A_854 = arith.index_cast %get3A_852 : i32 to index
        %get3A_855 = arith.index_cast %get3A_853 : i32 to index
        %get3A_856 = arith.index_cast %mul3A_595 : i32 to index
        %get3A_857 = tpu.vector_load %arg9[%get3A_854, %get3A_855, %get3A_856] {strides = array<i32>} : memref<32x4x64xi32, #tpu.memory_space<vmem>>, vector<16xi32>,
        %eq3A_858 = arith.cmpi eq, %get3A_857, %get3A_598 : vector<16xi32>
        %ne3A_859 = arith.constant 0 : i32
        %ne3A_860 = vector.broadcast %ne3A_859 : i32 to vector<16xi32>
        %ne3A_861 = arith.cmpi ne, %get3A_857, %ne3A_860 : vector<16xi32>
        %and3A_862 = arith.andi %eq3A_858, %ne3A_861 : vector<16xi1>
        %not3A_863 = arith.constant dense<true> : vector<16xi1>
        %not3A_864 = arith.xori %or3A_851, %not3A_863 : vector<16xi1>
        %and3A_865 = arith.andi %and3A_862, %not3A_864 : vector<16xi1>
        %broadcast_in_dim3A_866 = arith.constant 14 : i32
        %broadcast_in_dim3A_867 = vector.broadcast %broadcast_in_dim3A_866 : i32 to vector<16xi32>
        %select_n3A_868 = arith.select %and3A_865, %broadcast_in_dim3A_867, %select_n3A_850 : vector<16xi1>, vector<16xi32>
        %or3A_869 = arith.ori %or3A_851, %and3A_862 : vector<16xi1>
        %get3A_870 = arith.constant 15 : i32
        %get3A_871 = arith.constant 0 : i32
        %get3A_872 = arith.index_cast %get3A_870 : i32 to index
        %get3A_873 = arith.index_cast %get3A_871 : i32 to index
        %get3A_874 = arith.index_cast %mul3A_595 : i32 to index
        %get3A_875 = tpu.vector_load %arg9[%get3A_872, %get3A_873, %get3A_874] {strides = array<i32>} : memref<32x4x64xi32, #tpu.memory_space<vmem>>, vector<16xi32>,
        %eq3A_876 = arith.cmpi eq, %get3A_875, %get3A_598 : vector<16xi32>
        %ne3A_877 = arith.constant 0 : i32
        %ne3A_878 = vector.broadcast %ne3A_877 : i32 to vector<16xi32>
        %ne3A_879 = arith.cmpi ne, %get3A_875, %ne3A_878 : vector<16xi32>
        %and3A_880 = arith.andi %eq3A_876, %ne3A_879 : vector<16xi1>
        %not3A_881 = arith.constant dense<true> : vector<16xi1>
        %not3A_882 = arith.xori %or3A_869, %not3A_881 : vector<16xi1>
        %and3A_883 = arith.andi %and3A_880, %not3A_882 : vector<16xi1>
        %broadcast_in_dim3A_884 = arith.constant 15 : i32
        %broadcast_in_dim3A_885 = vector.broadcast %broadcast_in_dim3A_884 : i32 to vector<16xi32>
        %select_n3A_886 = arith.select %and3A_883, %broadcast_in_dim3A_885, %select_n3A_868 : vector<16xi1>, vector<16xi32>
        %or3A_887 = arith.ori %or3A_869, %and3A_880 : vector<16xi1>
        %get3A_888 = arith.constant 16 : i32
        %get3A_889 = arith.constant 0 : i32
        %get3A_890 = arith.index_cast %get3A_888 : i32 to index
        %get3A_891 = arith.index_cast %get3A_889 : i32 to index
        %get3A_892 = arith.index_cast %mul3A_595 : i32 to index
        %get3A_893 = tpu.vector_load %arg9[%get3A_890, %get3A_891, %get3A_892] {strides = array<i32>} : memref<32x4x64xi32, #tpu.memory_space<vmem>>, vector<16xi32>,
        %eq3A_894 = arith.cmpi eq, %get3A_893, %get3A_598 : vector<16xi32>
        %ne3A_895 = arith.constant 0 : i32
        %ne3A_896 = vector.broadcast %ne3A_895 : i32 to vector<16xi32>
        %ne3A_897 = arith.cmpi ne, %get3A_893, %ne3A_896 : vector<16xi32>
        %and3A_898 = arith.andi %eq3A_894, %ne3A_897 : vector<16xi1>
        %not3A_899 = arith.constant dense<true> : vector<16xi1>
        %not3A_900 = arith.xori %or3A_887, %not3A_899 : vector<16xi1>
        %and3A_901 = arith.andi %and3A_898, %not3A_900 : vector<16xi1>
        %broadcast_in_dim3A_902 = arith.constant 16 : i32
        %broadcast_in_dim3A_903 = vector.broadcast %broadcast_in_dim3A_902 : i32 to vector<16xi32>
        %select_n3A_904 = arith.select %and3A_901, %broadcast_in_dim3A_903, %select_n3A_886 : vector<16xi1>, vector<16xi32>
        %or3A_905 = arith.ori %or3A_887, %and3A_898 : vector<16xi1>
        %get3A_906 = arith.constant 17 : i32
        %get3A_907 = arith.constant 0 : i32
        %get3A_908 = arith.index_cast %get3A_906 : i32 to index
        %get3A_909 = arith.index_cast %get3A_907 : i32 to index
        %get3A_910 = arith.index_cast %mul3A_595 : i32 to index
        %get3A_911 = tpu.vector_load %arg9[%get3A_908, %get3A_909, %get3A_910] {strides = array<i32>} : memref<32x4x64xi32, #tpu.memory_space<vmem>>, vector<16xi32>,
        %eq3A_912 = arith.cmpi eq, %get3A_911, %get3A_598 : vector<16xi32>
        %ne3A_913 = arith.constant 0 : i32
        %ne3A_914 = vector.broadcast %ne3A_913 : i32 to vector<16xi32>
        %ne3A_915 = arith.cmpi ne, %get3A_911, %ne3A_914 : vector<16xi32>
        %and3A_916 = arith.andi %eq3A_912, %ne3A_915 : vector<16xi1>
        %not3A_917 = arith.constant dense<true> : vector<16xi1>
        %not3A_918 = arith.xori %or3A_905, %not3A_917 : vector<16xi1>
        %and3A_919 = arith.andi %and3A_916, %not3A_918 : vector<16xi1>
        %broadcast_in_dim3A_920 = arith.constant 17 : i32
        %broadcast_in_dim3A_921 = vector.broadcast %broadcast_in_dim3A_920 : i32 to vector<16xi32>
        %select_n3A_922 = arith.select %and3A_919, %broadcast_in_dim3A_921, %select_n3A_904 : vector<16xi1>, vector<16xi32>
        %or3A_923 = arith.ori %or3A_905, %and3A_916 : vector<16xi1>
        %get3A_924 = arith.constant 18 : i32
        %get3A_925 = arith.constant 0 : i32
        %get3A_926 = arith.index_cast %get3A_924 : i32 to index
        %get3A_927 = arith.index_cast %get3A_925 : i32 to index
        %get3A_928 = arith.index_cast %mul3A_595 : i32 to index
        %get3A_929 = tpu.vector_load %arg9[%get3A_926, %get3A_927, %get3A_928] {strides = array<i32>} : memref<32x4x64xi32, #tpu.memory_space<vmem>>, vector<16xi32>,
        %eq3A_930 = arith.cmpi eq, %get3A_929, %get3A_598 : vector<16xi32>
        %ne3A_931 = arith.constant 0 : i32
        %ne3A_932 = vector.broadcast %ne3A_931 : i32 to vector<16xi32>
        %ne3A_933 = arith.cmpi ne, %get3A_929, %ne3A_932 : vector<16xi32>
        %and3A_934 = arith.andi %eq3A_930, %ne3A_933 : vector<16xi1>
        %not3A_935 = arith.constant dense<true> : vector<16xi1>
        %not3A_936 = arith.xori %or3A_923, %not3A_935 : vector<16xi1>
        %and3A_937 = arith.andi %and3A_934, %not3A_936 : vector<16xi1>
        %broadcast_in_dim3A_938 = arith.constant 18 : i32
        %broadcast_in_dim3A_939 = vector.broadcast %broadcast_in_dim3A_938 : i32 to vector<16xi32>
        %select_n3A_940 = arith.select %and3A_937, %broadcast_in_dim3A_939, %select_n3A_922 : vector<16xi1>, vector<16xi32>
        %or3A_941 = arith.ori %or3A_923, %and3A_934 : vector<16xi1>
        %get3A_942 = arith.constant 19 : i32
        %get3A_943 = arith.constant 0 : i32
        %get3A_944 = arith.index_cast %get3A_942 : i32 to index
        %get3A_945 = arith.index_cast %get3A_943 : i32 to index
        %get3A_946 = arith.index_cast %mul3A_595 : i32 to index
        %get3A_947 = tpu.vector_load %arg9[%get3A_944, %get3A_945, %get3A_946] {strides = array<i32>} : memref<32x4x64xi32, #tpu.memory_space<vmem>>, vector<16xi32>,
        %eq3A_948 = arith.cmpi eq, %get3A_947, %get3A_598 : vector<16xi32>
        %ne3A_949 = arith.constant 0 : i32
        %ne3A_950 = vector.broadcast %ne3A_949 : i32 to vector<16xi32>
        %ne3A_951 = arith.cmpi ne, %get3A_947, %ne3A_950 : vector<16xi32>
        %and3A_952 = arith.andi %eq3A_948, %ne3A_951 : vector<16xi1>
        %not3A_953 = arith.constant dense<true> : vector<16xi1>
        %not3A_954 = arith.xori %or3A_941, %not3A_953 : vector<16xi1>
        %and3A_955 = arith.andi %and3A_952, %not3A_954 : vector<16xi1>
        %broadcast_in_dim3A_956 = arith.constant 19 : i32
        %broadcast_in_dim3A_957 = vector.broadcast %broadcast_in_dim3A_956 : i32 to vector<16xi32>
        %select_n3A_958 = arith.select %and3A_955, %broadcast_in_dim3A_957, %select_n3A_940 : vector<16xi1>, vector<16xi32>
        %or3A_959 = arith.ori %or3A_941, %and3A_952 : vector<16xi1>
        %get3A_960 = arith.constant 20 : i32
        %get3A_961 = arith.constant 0 : i32
        %get3A_962 = arith.index_cast %get3A_960 : i32 to index
        %get3A_963 = arith.index_cast %get3A_961 : i32 to index
        %get3A_964 = arith.index_cast %mul3A_595 : i32 to index
        %get3A_965 = tpu.vector_load %arg9[%get3A_962, %get3A_963, %get3A_964] {strides = array<i32>} : memref<32x4x64xi32, #tpu.memory_space<vmem>>, vector<16xi32>,
        %eq3A_966 = arith.cmpi eq, %get3A_965, %get3A_598 : vector<16xi32>
        %ne3A_967 = arith.constant 0 : i32
        %ne3A_968 = vector.broadcast %ne3A_967 : i32 to vector<16xi32>
        %ne3A_969 = arith.cmpi ne, %get3A_965, %ne3A_968 : vector<16xi32>
        %and3A_970 = arith.andi %eq3A_966, %ne3A_969 : vector<16xi1>
        %not3A_971 = arith.constant dense<true> : vector<16xi1>
        %not3A_972 = arith.xori %or3A_959, %not3A_971 : vector<16xi1>
        %and3A_973 = arith.andi %and3A_970, %not3A_972 : vector<16xi1>
        %broadcast_in_dim3A_974 = arith.constant 20 : i32
        %broadcast_in_dim3A_975 = vector.broadcast %broadcast_in_dim3A_974 : i32 to vector<16xi32>
        %select_n3A_976 = arith.select %and3A_973, %broadcast_in_dim3A_975, %select_n3A_958 : vector<16xi1>, vector<16xi32>
        %or3A_977 = arith.ori %or3A_959, %and3A_970 : vector<16xi1>
        %get3A_978 = arith.constant 21 : i32
        %get3A_979 = arith.constant 0 : i32
        %get3A_980 = arith.index_cast %get3A_978 : i32 to index
        %get3A_981 = arith.index_cast %get3A_979 : i32 to index
        %get3A_982 = arith.index_cast %mul3A_595 : i32 to index
        %get3A_983 = tpu.vector_load %arg9[%get3A_980, %get3A_981, %get3A_982] {strides = array<i32>} : memref<32x4x64xi32, #tpu.memory_space<vmem>>, vector<16xi32>,
        %eq3A_984 = arith.cmpi eq, %get3A_983, %get3A_598 : vector<16xi32>
        %ne3A_985 = arith.constant 0 : i32
        %ne3A_986 = vector.broadcast %ne3A_985 : i32 to vector<16xi32>
        %ne3A_987 = arith.cmpi ne, %get3A_983, %ne3A_986 : vector<16xi32>
        %and3A_988 = arith.andi %eq3A_984, %ne3A_987 : vector<16xi1>
        %not3A_989 = arith.constant dense<true> : vector<16xi1>
        %not3A_990 = arith.xori %or3A_977, %not3A_989 : vector<16xi1>
        %and3A_991 = arith.andi %and3A_988, %not3A_990 : vector<16xi1>
        %broadcast_in_dim3A_992 = arith.constant 21 : i32
        %broadcast_in_dim3A_993 = vector.broadcast %broadcast_in_dim3A_992 : i32 to vector<16xi32>
        %select_n3A_994 = arith.select %and3A_991, %broadcast_in_dim3A_993, %select_n3A_976 : vector<16xi1>, vector<16xi32>
        %or3A_995 = arith.ori %or3A_977, %and3A_988 : vector<16xi1>
        %get3A_996 = arith.constant 22 : i32
        %get3A_997 = arith.constant 0 : i32
        %get3A_998 = arith.index_cast %get3A_996 : i32 to index
        %get3A_999 = arith.index_cast %get3A_997 : i32 to index
        %get3A_1000 = arith.index_cast %mul3A_595 : i32 to index
        %get3A_1001 = tpu.vector_load %arg9[%get3A_998, %get3A_999, %get3A_1000] {strides = array<i32>} : memref<32x4x64xi32, #tpu.memory_space<vmem>>, vector<16xi32>,
        %eq3A_1002 = arith.cmpi eq, %get3A_1001, %get3A_598 : vector<16xi32>
        %ne3A_1003 = arith.constant 0 : i32
        %ne3A_1004 = vector.broadcast %ne3A_1003 : i32 to vector<16xi32>
        %ne3A_1005 = arith.cmpi ne, %get3A_1001, %ne3A_1004 : vector<16xi32>
        %and3A_1006 = arith.andi %eq3A_1002, %ne3A_1005 : vector<16xi1>
        %not3A_1007 = arith.constant dense<true> : vector<16xi1>
        %not3A_1008 = arith.xori %or3A_995, %not3A_1007 : vector<16xi1>
        %and3A_1009 = arith.andi %and3A_1006, %not3A_1008 : vector<16xi1>
        %broadcast_in_dim3A_1010 = arith.constant 22 : i32
        %broadcast_in_dim3A_1011 = vector.broadcast %broadcast_in_dim3A_1010 : i32 to vector<16xi32>
        %select_n3A_1012 = arith.select %and3A_1009, %broadcast_in_dim3A_1011, %select_n3A_994 : vector<16xi1>, vector<16xi32>
        %or3A_1013 = arith.ori %or3A_995, %and3A_1006 : vector<16xi1>
        %get3A_1014 = arith.constant 23 : i32
        %get3A_1015 = arith.constant 0 : i32
        %get3A_1016 = arith.index_cast %get3A_1014 : i32 to index
        %get3A_1017 = arith.index_cast %get3A_1015 : i32 to index
        %get3A_1018 = arith.index_cast %mul3A_595 : i32 to index
        %get3A_1019 = tpu.vector_load %arg9[%get3A_1016, %get3A_1017, %get3A_1018] {strides = array<i32>} : memref<32x4x64xi32, #tpu.memory_space<vmem>>, vector<16xi32>,
        %eq3A_1020 = arith.cmpi eq, %get3A_1019, %get3A_598 : vector<16xi32>
        %ne3A_1021 = arith.constant 0 : i32
        %ne3A_1022 = vector.broadcast %ne3A_1021 : i32 to vector<16xi32>
        %ne3A_1023 = arith.cmpi ne, %get3A_1019, %ne3A_1022 : vector<16xi32>
        %and3A_1024 = arith.andi %eq3A_1020, %ne3A_1023 : vector<16xi1>
        %not3A_1025 = arith.constant dense<true> : vector<16xi1>
        %not3A_1026 = arith.xori %or3A_1013, %not3A_1025 : vector<16xi1>
        %and3A_1027 = arith.andi %and3A_1024, %not3A_1026 : vector<16xi1>
        %broadcast_in_dim3A_1028 = arith.constant 23 : i32
        %broadcast_in_dim3A_1029 = vector.broadcast %broadcast_in_dim3A_1028 : i32 to vector<16xi32>
        %select_n3A_1030 = arith.select %and3A_1027, %broadcast_in_dim3A_1029, %select_n3A_1012 : vector<16xi1>, vector<16xi32>
        %or3A_1031 = arith.ori %or3A_1013, %and3A_1024 : vector<16xi1>
        %get3A_1032 = arith.constant 24 : i32
        %get3A_1033 = arith.constant 0 : i32
        %get3A_1034 = arith.index_cast %get3A_1032 : i32 to index
        %get3A_1035 = arith.index_cast %get3A_1033 : i32 to index
        %get3A_1036 = arith.index_cast %mul3A_595 : i32 to index
        %get3A_1037 = tpu.vector_load %arg9[%get3A_1034, %get3A_1035, %get3A_1036] {strides = array<i32>} : memref<32x4x64xi32, #tpu.memory_space<vmem>>, vector<16xi32>,
        %eq3A_1038 = arith.cmpi eq, %get3A_1037, %get3A_598 : vector<16xi32>
        %ne3A_1039 = arith.constant 0 : i32
        %ne3A_1040 = vector.broadcast %ne3A_1039 : i32 to vector<16xi32>
        %ne3A_1041 = arith.cmpi ne, %get3A_1037, %ne3A_1040 : vector<16xi32>
        %and3A_1042 = arith.andi %eq3A_1038, %ne3A_1041 : vector<16xi1>
        %not3A_1043 = arith.constant dense<true> : vector<16xi1>
        %not3A_1044 = arith.xori %or3A_1031, %not3A_1043 : vector<16xi1>
        %and3A_1045 = arith.andi %and3A_1042, %not3A_1044 : vector<16xi1>
        %broadcast_in_dim3A_1046 = arith.constant 24 : i32
        %broadcast_in_dim3A_1047 = vector.broadcast %broadcast_in_dim3A_1046 : i32 to vector<16xi32>
        %select_n3A_1048 = arith.select %and3A_1045, %broadcast_in_dim3A_1047, %select_n3A_1030 : vector<16xi1>, vector<16xi32>
        %or3A_1049 = arith.ori %or3A_1031, %and3A_1042 : vector<16xi1>
        %get3A_1050 = arith.constant 25 : i32
        %get3A_1051 = arith.constant 0 : i32
        %get3A_1052 = arith.index_cast %get3A_1050 : i32 to index
        %get3A_1053 = arith.index_cast %get3A_1051 : i32 to index
        %get3A_1054 = arith.index_cast %mul3A_595 : i32 to index
        %get3A_1055 = tpu.vector_load %arg9[%get3A_1052, %get3A_1053, %get3A_1054] {strides = array<i32>} : memref<32x4x64xi32, #tpu.memory_space<vmem>>, vector<16xi32>,
        %eq3A_1056 = arith.cmpi eq, %get3A_1055, %get3A_598 : vector<16xi32>
        %ne3A_1057 = arith.constant 0 : i32
        %ne3A_1058 = vector.broadcast %ne3A_1057 : i32 to vector<16xi32>
        %ne3A_1059 = arith.cmpi ne, %get3A_1055, %ne3A_1058 : vector<16xi32>
        %and3A_1060 = arith.andi %eq3A_1056, %ne3A_1059 : vector<16xi1>
        %not3A_1061 = arith.constant dense<true> : vector<16xi1>
        %not3A_1062 = arith.xori %or3A_1049, %not3A_1061 : vector<16xi1>
        %and3A_1063 = arith.andi %and3A_1060, %not3A_1062 : vector<16xi1>
        %broadcast_in_dim3A_1064 = arith.constant 25 : i32
        %broadcast_in_dim3A_1065 = vector.broadcast %broadcast_in_dim3A_1064 : i32 to vector<16xi32>
        %select_n3A_1066 = arith.select %and3A_1063, %broadcast_in_dim3A_1065, %select_n3A_1048 : vector<16xi1>, vector<16xi32>
        %or3A_1067 = arith.ori %or3A_1049, %and3A_1060 : vector<16xi1>
        %get3A_1068 = arith.constant 26 : i32
        %get3A_1069 = arith.constant 0 : i32
        %get3A_1070 = arith.index_cast %get3A_1068 : i32 to index
        %get3A_1071 = arith.index_cast %get3A_1069 : i32 to index
        %get3A_1072 = arith.index_cast %mul3A_595 : i32 to index
        %get3A_1073 = tpu.vector_load %arg9[%get3A_1070, %get3A_1071, %get3A_1072] {strides = array<i32>} : memref<32x4x64xi32, #tpu.memory_space<vmem>>, vector<16xi32>,
        %eq3A_1074 = arith.cmpi eq, %get3A_1073, %get3A_598 : vector<16xi32>
        %ne3A_1075 = arith.constant 0 : i32
        %ne3A_1076 = vector.broadcast %ne3A_1075 : i32 to vector<16xi32>
        %ne3A_1077 = arith.cmpi ne, %get3A_1073, %ne3A_1076 : vector<16xi32>
        %and3A_1078 = arith.andi %eq3A_1074, %ne3A_1077 : vector<16xi1>
        %not3A_1079 = arith.constant dense<true> : vector<16xi1>
        %not3A_1080 = arith.xori %or3A_1067, %not3A_1079 : vector<16xi1>
        %and3A_1081 = arith.andi %and3A_1078, %not3A_1080 : vector<16xi1>
        %broadcast_in_dim3A_1082 = arith.constant 26 : i32
        %broadcast_in_dim3A_1083 = vector.broadcast %broadcast_in_dim3A_1082 : i32 to vector<16xi32>
        %select_n3A_1084 = arith.select %and3A_1081, %broadcast_in_dim3A_1083, %select_n3A_1066 : vector<16xi1>, vector<16xi32>
        %or3A_1085 = arith.ori %or3A_1067, %and3A_1078 : vector<16xi1>
        %get3A_1086 = arith.constant 27 : i32
        %get3A_1087 = arith.constant 0 : i32
        %get3A_1088 = arith.index_cast %get3A_1086 : i32 to index
        %get3A_1089 = arith.index_cast %get3A_1087 : i32 to index
        %get3A_1090 = arith.index_cast %mul3A_595 : i32 to index
        %get3A_1091 = tpu.vector_load %arg9[%get3A_1088, %get3A_1089, %get3A_1090] {strides = array<i32>} : memref<32x4x64xi32, #tpu.memory_space<vmem>>, vector<16xi32>,
        %eq3A_1092 = arith.cmpi eq, %get3A_1091, %get3A_598 : vector<16xi32>
        %ne3A_1093 = arith.constant 0 : i32
        %ne3A_1094 = vector.broadcast %ne3A_1093 : i32 to vector<16xi32>
        %ne3A_1095 = arith.cmpi ne, %get3A_1091, %ne3A_1094 : vector<16xi32>
        %and3A_1096 = arith.andi %eq3A_1092, %ne3A_1095 : vector<16xi1>
        %not3A_1097 = arith.constant dense<true> : vector<16xi1>
        %not3A_1098 = arith.xori %or3A_1085, %not3A_1097 : vector<16xi1>
        %and3A_1099 = arith.andi %and3A_1096, %not3A_1098 : vector<16xi1>
        %broadcast_in_dim3A_1100 = arith.constant 27 : i32
        %broadcast_in_dim3A_1101 = vector.broadcast %broadcast_in_dim3A_1100 : i32 to vector<16xi32>
        %select_n3A_1102 = arith.select %and3A_1099, %broadcast_in_dim3A_1101, %select_n3A_1084 : vector<16xi1>, vector<16xi32>
        %or3A_1103 = arith.ori %or3A_1085, %and3A_1096 : vector<16xi1>
        %get3A_1104 = arith.constant 28 : i32
        %get3A_1105 = arith.constant 0 : i32
        %get3A_1106 = arith.index_cast %get3A_1104 : i32 to index
        %get3A_1107 = arith.index_cast %get3A_1105 : i32 to index
        %get3A_1108 = arith.index_cast %mul3A_595 : i32 to index
        %get3A_1109 = tpu.vector_load %arg9[%get3A_1106, %get3A_1107, %get3A_1108] {strides = array<i32>} : memref<32x4x64xi32, #tpu.memory_space<vmem>>, vector<16xi32>,
        %eq3A_1110 = arith.cmpi eq, %get3A_1109, %get3A_598 : vector<16xi32>
        %ne3A_1111 = arith.constant 0 : i32
        %ne3A_1112 = vector.broadcast %ne3A_1111 : i32 to vector<16xi32>
        %ne3A_1113 = arith.cmpi ne, %get3A_1109, %ne3A_1112 : vector<16xi32>
        %and3A_1114 = arith.andi %eq3A_1110, %ne3A_1113 : vector<16xi1>
        %not3A_1115 = arith.constant dense<true> : vector<16xi1>
        %not3A_1116 = arith.xori %or3A_1103, %not3A_1115 : vector<16xi1>
        %and3A_1117 = arith.andi %and3A_1114, %not3A_1116 : vector<16xi1>
        %broadcast_in_dim3A_1118 = arith.constant 28 : i32
        %broadcast_in_dim3A_1119 = vector.broadcast %broadcast_in_dim3A_1118 : i32 to vector<16xi32>
        %select_n3A_1120 = arith.select %and3A_1117, %broadcast_in_dim3A_1119, %select_n3A_1102 : vector<16xi1>, vector<16xi32>
        %or3A_1121 = arith.ori %or3A_1103, %and3A_1114 : vector<16xi1>
        %get3A_1122 = arith.constant 29 : i32
        %get3A_1123 = arith.constant 0 : i32
        %get3A_1124 = arith.index_cast %get3A_1122 : i32 to index
        %get3A_1125 = arith.index_cast %get3A_1123 : i32 to index
        %get3A_1126 = arith.index_cast %mul3A_595 : i32 to index
        %get3A_1127 = tpu.vector_load %arg9[%get3A_1124, %get3A_1125, %get3A_1126] {strides = array<i32>} : memref<32x4x64xi32, #tpu.memory_space<vmem>>, vector<16xi32>,
        %eq3A_1128 = arith.cmpi eq, %get3A_1127, %get3A_598 : vector<16xi32>
        %ne3A_1129 = arith.constant 0 : i32
        %ne3A_1130 = vector.broadcast %ne3A_1129 : i32 to vector<16xi32>
        %ne3A_1131 = arith.cmpi ne, %get3A_1127, %ne3A_1130 : vector<16xi32>
        %and3A_1132 = arith.andi %eq3A_1128, %ne3A_1131 : vector<16xi1>
        %not3A_1133 = arith.constant dense<true> : vector<16xi1>
        %not3A_1134 = arith.xori %or3A_1121, %not3A_1133 : vector<16xi1>
        %and3A_1135 = arith.andi %and3A_1132, %not3A_1134 : vector<16xi1>
        %broadcast_in_dim3A_1136 = arith.constant 29 : i32
        %broadcast_in_dim3A_1137 = vector.broadcast %broadcast_in_dim3A_1136 : i32 to vector<16xi32>
        %select_n3A_1138 = arith.select %and3A_1135, %broadcast_in_dim3A_1137, %select_n3A_1120 : vector<16xi1>, vector<16xi32>
        %or3A_1139 = arith.ori %or3A_1121, %and3A_1132 : vector<16xi1>
        %get3A_1140 = arith.constant 30 : i32
        %get3A_1141 = arith.constant 0 : i32
        %get3A_1142 = arith.index_cast %get3A_1140 : i32 to index
        %get3A_1143 = arith.index_cast %get3A_1141 : i32 to index
        %get3A_1144 = arith.index_cast %mul3A_595 : i32 to index
        %get3A_1145 = tpu.vector_load %arg9[%get3A_1142, %get3A_1143, %get3A_1144] {strides = array<i32>} : memref<32x4x64xi32, #tpu.memory_space<vmem>>, vector<16xi32>,
        %eq3A_1146 = arith.cmpi eq, %get3A_1145, %get3A_598 : vector<16xi32>
        %ne3A_1147 = arith.constant 0 : i32
        %ne3A_1148 = vector.broadcast %ne3A_1147 : i32 to vector<16xi32>
        %ne3A_1149 = arith.cmpi ne, %get3A_1145, %ne3A_1148 : vector<16xi32>
        %and3A_1150 = arith.andi %eq3A_1146, %ne3A_1149 : vector<16xi1>
        %not3A_1151 = arith.constant dense<true> : vector<16xi1>
        %not3A_1152 = arith.xori %or3A_1139, %not3A_1151 : vector<16xi1>
        %and3A_1153 = arith.andi %and3A_1150, %not3A_1152 : vector<16xi1>
        %broadcast_in_dim3A_1154 = arith.constant 30 : i32
        %broadcast_in_dim3A_1155 = vector.broadcast %broadcast_in_dim3A_1154 : i32 to vector<16xi32>
        %select_n3A_1156 = arith.select %and3A_1153, %broadcast_in_dim3A_1155, %select_n3A_1138 : vector<16xi1>, vector<16xi32>
        %or3A_1157 = arith.ori %or3A_1139, %and3A_1150 : vector<16xi1>
        %get3A_1158 = arith.constant 31 : i32
        %get3A_1159 = arith.constant 0 : i32
        %get3A_1160 = arith.index_cast %get3A_1158 : i32 to index
        %get3A_1161 = arith.index_cast %get3A_1159 : i32 to index
        %get3A_1162 = arith.index_cast %mul3A_595 : i32 to index
        %get3A_1163 = tpu.vector_load %arg9[%get3A_1160, %get3A_1161, %get3A_1162] {strides = array<i32>} : memref<32x4x64xi32, #tpu.memory_space<vmem>>, vector<16xi32>,
        %eq3A_1164 = arith.cmpi eq, %get3A_1163, %get3A_598 : vector<16xi32>
        %ne3A_1165 = arith.constant 0 : i32
        %ne3A_1166 = vector.broadcast %ne3A_1165 : i32 to vector<16xi32>
        %ne3A_1167 = arith.cmpi ne, %get3A_1163, %ne3A_1166 : vector<16xi32>
        %and3A_1168 = arith.andi %eq3A_1164, %ne3A_1167 : vector<16xi1>
        %not3A_1169 = arith.constant dense<true> : vector<16xi1>
        %not3A_1170 = arith.xori %or3A_1157, %not3A_1169 : vector<16xi1>
        %and3A_1171 = arith.andi %and3A_1168, %not3A_1170 : vector<16xi1>
        %broadcast_in_dim3A_1172 = arith.constant 31 : i32
        %broadcast_in_dim3A_1173 = vector.broadcast %broadcast_in_dim3A_1172 : i32 to vector<16xi32>
        %select_n3A_1174 = arith.select %and3A_1171, %broadcast_in_dim3A_1173, %select_n3A_1156 : vector<16xi1>, vector<16xi32>
        %or3A_1175 = arith.ori %or3A_1157, %and3A_1168 : vector<16xi1>
        %jit3A_1176 = arith.constant 8 : i32
        %div3A_1177 = vector.broadcast %jit3A_1176 : i32 to vector<16xi32>
        %div3A_1178 = arith.divsi %select_n3A_1174, %div3A_1177 : vector<16xi32>
        %sign3A_1179 = arith.constant 0 : i32
        %sign3A_1180 = vector.broadcast %sign3A_1179 : i32 to vector<16xi32>
        %sign3A_1181 = arith.cmpi sgt, %select_n3A_1174, %sign3A_1180 : vector<16xi32>
        %sign3A_1182 = arith.extui %sign3A_1181 : vector<16xi1> to vector<16xi32>
        %sign3A_1183 = arith.constant 0 : i32
        %sign3A_1184 = vector.broadcast %sign3A_1183 : i32 to vector<16xi32>
        %sign3A_1185 = arith.cmpi slt, %select_n3A_1174, %sign3A_1184 : vector<16xi32>
        %sign3A_1186 = arith.extui %sign3A_1185 : vector<16xi1> to vector<16xi32>
        %sign3A_1187 = arith.subi %sign3A_1182, %sign3A_1186 : vector<16xi32>
        %sign3A_1188 = arith.constant 0 : i32
        %sign3A_1189 = arith.cmpi sgt, %jit3A_1176, %sign3A_1188 : i32
        %sign3A_1190 = arith.extui %sign3A_1189 : i1 to i32
        %sign3A_1191 = arith.constant 0 : i32
        %sign3A_1192 = arith.cmpi slt, %jit3A_1176, %sign3A_1191 : i32
        %sign3A_1193 = arith.extui %sign3A_1192 : i1 to i32
        %sign3A_1194 = arith.subi %sign3A_1190, %sign3A_1193 : i32
        %ne3A_1195 = vector.broadcast %sign3A_1194 : i32 to vector<16xi32>
        %ne3A_1196 = arith.cmpi ne, %sign3A_1187, %ne3A_1195 : vector<16xi32>
        %rem3A_1197 = vector.broadcast %jit3A_1176 : i32 to vector<16xi32>
        %rem3A_1198 = arith.remsi %select_n3A_1174, %rem3A_1197 : vector<16xi32>
        %ne3A_1199 = arith.constant 0 : i32
        %ne3A_1200 = vector.broadcast %ne3A_1199 : i32 to vector<16xi32>
        %ne3A_1201 = arith.cmpi ne, %rem3A_1198, %ne3A_1200 : vector<16xi32>
        %and3A_1202 = arith.andi %ne3A_1196, %ne3A_1201 : vector<16xi1>
        %sub3A_1203 = arith.constant 1 : i32
        %sub3A_1204 = vector.broadcast %sub3A_1203 : i32 to vector<16xi32>
        %sub3A_1205 = arith.subi %div3A_1178, %sub3A_1204 : vector<16xi32>
        %select_n3A_1206 = arith.select %and3A_1202, %sub3A_1205, %div3A_1178 : vector<16xi1>, vector<16xi32>
        %mul3A_1207 = arith.constant 512 : i32
        %mul3A_1208 = vector.broadcast %mul3A_1207 : i32 to vector<16xi32>
        %mul3A_1209 = arith.muli %select_n3A_1206, %mul3A_1208 : vector<16xi32>
        %mul3A_1210 = arith.constant 8 : i32
        %mul3A_1211 = vector.broadcast %mul3A_1210 : i32 to vector<16xi32>
        %mul3A_1212 = arith.muli %add3A_597, %mul3A_1211 : vector<16xi32>
        %add3A_1213 = arith.addi %mul3A_1209, %mul3A_1212 : vector<16xi32>
        %jit3A_1214 = arith.constant 8 : i32
        %eq3A_1215 = arith.constant 0 : i32
        %eq3A_1216 = arith.cmpi eq, %jit3A_1214, %eq3A_1215 : i32
        %jit3A_1217 = arith.constant 1 : i32
        %select_n3A_1218 = arith.select %eq3A_1216, %jit3A_1217, %jit3A_1214 : i32
        %rem3A_1219 = vector.broadcast %select_n3A_1218 : i32 to vector<16xi32>
        %rem3A_1220 = arith.remsi %select_n3A_1174, %rem3A_1219 : vector<16xi32>
        %ne3A_1221 = arith.constant 0 : i32
        %ne3A_1222 = vector.broadcast %ne3A_1221 : i32 to vector<16xi32>
        %ne3A_1223 = arith.cmpi ne, %rem3A_1220, %ne3A_1222 : vector<16xi32>
        %lt3A_1224 = arith.constant 0 : i32
        %lt3A_1225 = vector.broadcast %lt3A_1224 : i32 to vector<16xi32>
        %lt3A_1226 = arith.cmpi slt, %rem3A_1220, %lt3A_1225 : vector<16xi32>
        %lt3A_1227 = arith.constant 0 : i32
        %lt3A_1228 = arith.cmpi slt, %select_n3A_1218, %lt3A_1227 : i32
        %ne3A_1229 = vector.broadcast %lt3A_1228 : i1 to vector<16xi1>
        %ne3A_1230 = vector.broadcast %ne3A_1229 : vector<16xi1> to vector<16xi1>
        %ne3A_1231 = arith.xori %lt3A_1226, %ne3A_1230 : vector<16xi1>
        %and3A_1232 = arith.andi %ne3A_1231, %ne3A_1223 : vector<16xi1>
        %add3A_1233 = vector.broadcast %select_n3A_1218 : i32 to vector<16xi32>
        %add3A_1234 = arith.addi %rem3A_1220, %add3A_1233 : vector<16xi32>
        %select_n3A_1235 = arith.select %and3A_1232, %add3A_1234, %rem3A_1220 : vector<16xi1>, vector<16xi32>
        %add3A_1236 = arith.addi %add3A_1213, %select_n3A_1235 : vector<16xi32>
        %gather3A = tpu.vector_load_idx %arg11[%add3A_1236] : memref<2048xi32, #tpu.memory_space<vmem>>[vector<16xi32>], vector<16xi32>,
        %swap3A = arith.index_cast %mul3A_595 : i32 to index
        %swap3A_1237 = tpu.vector_load %arg13[%swap3A] {strides = array<i32>} : memref<64xi32, #tpu.memory_space<vmem>>, vector<16xi32>,
        tpu.vector_store %arg13[%swap3A], %gather3A {strides = array<i32>} : memref<64xi32, #tpu.memory_space<vmem>>, vector<16xi32>,
      }
      %scan3A_53 = arith.constant 4 : i32
      %dma_start3A = arith.constant 0 : i32
      %dma_start3A_54 = arith.constant 0 : i32
      %dma_start3A_55 = tpu.memref_slice %arg14[%dma_start3A, %dma_start3A_54] : memref<2048x16xf32, #tpu.memory_space<vmem>> -> memref<128x16xf32, #tpu.memory_space<vmem>>
      %dma_start3A_56 = arith.constant 0 : i32
      %dma_start3A_57 = tpu.memref_slice %arg11[%dma_start3A_56] : memref<2048xi32, #tpu.memory_space<vmem>> -> memref<128xi32, #tpu.memory_space<vmem>>
      %dma_start3A_58 = arith.constant 0 : i32
      %dma_start3A_59 = arith.constant 0 : i32
      %dma_start3A_60 = tpu.memref_slice %arg4[%dma_start3A_58, %dma_start3A_59] : memref<1000000x16xf32, #tpu.memory_space<hbm>> -> memref<1000000x16xf32, #tpu.memory_space<hbm>>
      tpu.enqueue_indirect_dma source(%dma_start3A_60 : memref<1000000x16xf32, #tpu.memory_space<hbm>>) target(%dma_start3A_55 : memref<128x16xf32, #tpu.memory_space<vmem>>) offsets(%dma_start3A_57 : memref<128xi32, #tpu.memory_space<vmem>>) semaphore(%arg17 : memref<!tpu.dma_semaphore, #tpu.memory_space<semaphore_mem>>)
      %dma_start3A_61 = arith.constant 0 : i32
      %dma_start3A_62 = arith.constant 0 : i32
      %dma_start3A_63 = tpu.memref_slice %arg15[%dma_start3A_61, %dma_start3A_62] : memref<2048x16xf32, #tpu.memory_space<vmem>> -> memref<128x16xf32, #tpu.memory_space<vmem>>
      %dma_start3A_64 = arith.constant 0 : i32
      %dma_start3A_65 = tpu.memref_slice %arg12[%dma_start3A_64] : memref<2048xi32, #tpu.memory_space<vmem>> -> memref<128xi32, #tpu.memory_space<vmem>>
      %dma_start3A_66 = arith.constant 0 : i32
      %dma_start3A_67 = arith.constant 0 : i32
      %dma_start3A_68 = tpu.memref_slice %arg5[%dma_start3A_66, %dma_start3A_67] : memref<100008x16xf32, #tpu.memory_space<hbm>> -> memref<100008x16xf32, #tpu.memory_space<hbm>>
      tpu.enqueue_indirect_dma source(%dma_start3A_68 : memref<100008x16xf32, #tpu.memory_space<hbm>>) target(%dma_start3A_63 : memref<128x16xf32, #tpu.memory_space<vmem>>) offsets(%dma_start3A_65 : memref<128xi32, #tpu.memory_space<vmem>>) semaphore(%arg17 : memref<!tpu.dma_semaphore, #tpu.memory_space<semaphore_mem>>)
      %dma_start3A_69 = arith.constant 128 : i32
      %dma_start3A_70 = arith.constant 0 : i32
      %dma_start3A_71 = tpu.memref_slice %arg14[%dma_start3A_69, %dma_start3A_70] : memref<2048x16xf32, #tpu.memory_space<vmem>> -> memref<128x16xf32, #tpu.memory_space<vmem>>
      %dma_start3A_72 = arith.constant 128 : i32
      %dma_start3A_73 = tpu.memref_slice %arg11[%dma_start3A_72] : memref<2048xi32, #tpu.memory_space<vmem>> -> memref<128xi32, #tpu.memory_space<vmem>>
      %dma_start3A_74 = arith.constant 0 : i32
      %dma_start3A_75 = arith.constant 0 : i32
      %dma_start3A_76 = tpu.memref_slice %arg4[%dma_start3A_74, %dma_start3A_75] : memref<1000000x16xf32, #tpu.memory_space<hbm>> -> memref<1000000x16xf32, #tpu.memory_space<hbm>>
      tpu.enqueue_indirect_dma source(%dma_start3A_76 : memref<1000000x16xf32, #tpu.memory_space<hbm>>) target(%dma_start3A_71 : memref<128x16xf32, #tpu.memory_space<vmem>>) offsets(%dma_start3A_73 : memref<128xi32, #tpu.memory_space<vmem>>) semaphore(%arg17 : memref<!tpu.dma_semaphore, #tpu.memory_space<semaphore_mem>>)
      %dma_start3A_77 = arith.constant 128 : i32
      %dma_start3A_78 = arith.constant 0 : i32
      %dma_start3A_79 = tpu.memref_slice %arg15[%dma_start3A_77, %dma_start3A_78] : memref<2048x16xf32, #tpu.memory_space<vmem>> -> memref<128x16xf32, #tpu.memory_space<vmem>>
      %dma_start3A_80 = arith.constant 128 : i32
      %dma_start3A_81 = tpu.memref_slice %arg12[%dma_start3A_80] : memref<2048xi32, #tpu.memory_space<vmem>> -> memref<128xi32, #tpu.memory_space<vmem>>
      %dma_start3A_82 = arith.constant 0 : i32
      %dma_start3A_83 = arith.constant 0 : i32
      %dma_start3A_84 = tpu.memref_slice %arg5[%dma_start3A_82, %dma_start3A_83] : memref<100008x16xf32, #tpu.memory_space<hbm>> -> memref<100008x16xf32, #tpu.memory_space<hbm>>
      tpu.enqueue_indirect_dma source(%dma_start3A_84 : memref<100008x16xf32, #tpu.memory_space<hbm>>) target(%dma_start3A_79 : memref<128x16xf32, #tpu.memory_space<vmem>>) offsets(%dma_start3A_81 : memref<128xi32, #tpu.memory_space<vmem>>) semaphore(%arg17 : memref<!tpu.dma_semaphore, #tpu.memory_space<semaphore_mem>>)
      %dma_start3A_85 = arith.constant 256 : i32
      %dma_start3A_86 = arith.constant 0 : i32
      %dma_start3A_87 = tpu.memref_slice %arg14[%dma_start3A_85, %dma_start3A_86] : memref<2048x16xf32, #tpu.memory_space<vmem>> -> memref<128x16xf32, #tpu.memory_space<vmem>>
      %dma_start3A_88 = arith.constant 256 : i32
      %dma_start3A_89 = tpu.memref_slice %arg11[%dma_start3A_88] : memref<2048xi32, #tpu.memory_space<vmem>> -> memref<128xi32, #tpu.memory_space<vmem>>
      %dma_start3A_90 = arith.constant 0 : i32
      %dma_start3A_91 = arith.constant 0 : i32
      %dma_start3A_92 = tpu.memref_slice %arg4[%dma_start3A_90, %dma_start3A_91] : memref<1000000x16xf32, #tpu.memory_space<hbm>> -> memref<1000000x16xf32, #tpu.memory_space<hbm>>
      tpu.enqueue_indirect_dma source(%dma_start3A_92 : memref<1000000x16xf32, #tpu.memory_space<hbm>>) target(%dma_start3A_87 : memref<128x16xf32, #tpu.memory_space<vmem>>) offsets(%dma_start3A_89 : memref<128xi32, #tpu.memory_space<vmem>>) semaphore(%arg17 : memref<!tpu.dma_semaphore, #tpu.memory_space<semaphore_mem>>)
      %dma_start3A_93 = arith.constant 256 : i32
      %dma_start3A_94 = arith.constant 0 : i32
      %dma_start3A_95 = tpu.memref_slice %arg15[%dma_start3A_93, %dma_start3A_94] : memref<2048x16xf32, #tpu.memory_space<vmem>> -> memref<128x16xf32, #tpu.memory_space<vmem>>
      %dma_start3A_96 = arith.constant 256 : i32
      %dma_start3A_97 = tpu.memref_slice %arg12[%dma_start3A_96] : memref<2048xi32, #tpu.memory_space<vmem>> -> memref<128xi32, #tpu.memory_space<vmem>>
      %dma_start3A_98 = arith.constant 0 : i32
      %dma_start3A_99 = arith.constant 0 : i32
      %dma_start3A_100 = tpu.memref_slice %arg5[%dma_start3A_98, %dma_start3A_99] : memref<100008x16xf32, #tpu.memory_space<hbm>> -> memref<100008x16xf32, #tpu.memory_space<hbm>>
      tpu.enqueue_indirect_dma source(%dma_start3A_100 : memref<100008x16xf32, #tpu.memory_space<hbm>>) target(%dma_start3A_95 : memref<128x16xf32, #tpu.memory_space<vmem>>) offsets(%dma_start3A_97 : memref<128xi32, #tpu.memory_space<vmem>>) semaphore(%arg17 : memref<!tpu.dma_semaphore, #tpu.memory_space<semaphore_mem>>)
      %dma_start3A_101 = arith.constant 384 : i32
      %dma_start3A_102 = arith.constant 0 : i32
      %dma_start3A_103 = tpu.memref_slice %arg14[%dma_start3A_101, %dma_start3A_102] : memref<2048x16xf32, #tpu.memory_space<vmem>> -> memref<128x16xf32, #tpu.memory_space<vmem>>
      %dma_start3A_104 = arith.constant 384 : i32
      %dma_start3A_105 = tpu.memref_slice %arg11[%dma_start3A_104] : memref<2048xi32, #tpu.memory_space<vmem>> -> memref<128xi32, #tpu.memory_space<vmem>>
      %dma_start3A_106 = arith.constant 0 : i32
      %dma_start3A_107 = arith.constant 0 : i32
      %dma_start3A_108 = tpu.memref_slice %arg4[%dma_start3A_106, %dma_start3A_107] : memref<1000000x16xf32, #tpu.memory_space<hbm>> -> memref<1000000x16xf32, #tpu.memory_space<hbm>>
      tpu.enqueue_indirect_dma source(%dma_start3A_108 : memref<1000000x16xf32, #tpu.memory_space<hbm>>) target(%dma_start3A_103 : memref<128x16xf32, #tpu.memory_space<vmem>>) offsets(%dma_start3A_105 : memref<128xi32, #tpu.memory_space<vmem>>) semaphore(%arg17 : memref<!tpu.dma_semaphore, #tpu.memory_space<semaphore_mem>>)
      %dma_start3A_109 = arith.constant 384 : i32
      %dma_start3A_110 = arith.constant 0 : i32
      %dma_start3A_111 = tpu.memref_slice %arg15[%dma_start3A_109, %dma_start3A_110] : memref<2048x16xf32, #tpu.memory_space<vmem>> -> memref<128x16xf32, #tpu.memory_space<vmem>>
      %dma_start3A_112 = arith.constant 384 : i32
      %dma_start3A_113 = tpu.memref_slice %arg12[%dma_start3A_112] : memref<2048xi32, #tpu.memory_space<vmem>> -> memref<128xi32, #tpu.memory_space<vmem>>
      %dma_start3A_114 = arith.constant 0 : i32
      %dma_start3A_115 = arith.constant 0 : i32
      %dma_start3A_116 = tpu.memref_slice %arg5[%dma_start3A_114, %dma_start3A_115] : memref<100008x16xf32, #tpu.memory_space<hbm>> -> memref<100008x16xf32, #tpu.memory_space<hbm>>
      tpu.enqueue_indirect_dma source(%dma_start3A_116 : memref<100008x16xf32, #tpu.memory_space<hbm>>) target(%dma_start3A_111 : memref<128x16xf32, #tpu.memory_space<vmem>>) offsets(%dma_start3A_113 : memref<128xi32, #tpu.memory_space<vmem>>) semaphore(%arg17 : memref<!tpu.dma_semaphore, #tpu.memory_space<semaphore_mem>>)
      %dma_start3A_117 = arith.constant 512 : i32
      %dma_start3A_118 = arith.constant 0 : i32
      %dma_start3A_119 = tpu.memref_slice %arg14[%dma_start3A_117, %dma_start3A_118] : memref<2048x16xf32, #tpu.memory_space<vmem>> -> memref<128x16xf32, #tpu.memory_space<vmem>>
      %dma_start3A_120 = arith.constant 512 : i32
      %dma_start3A_121 = tpu.memref_slice %arg11[%dma_start3A_120] : memref<2048xi32, #tpu.memory_space<vmem>> -> memref<128xi32, #tpu.memory_space<vmem>>
      %dma_start3A_122 = arith.constant 0 : i32
      %dma_start3A_123 = arith.constant 0 : i32
      %dma_start3A_124 = tpu.memref_slice %arg4[%dma_start3A_122, %dma_start3A_123] : memref<1000000x16xf32, #tpu.memory_space<hbm>> -> memref<1000000x16xf32, #tpu.memory_space<hbm>>
      tpu.enqueue_indirect_dma source(%dma_start3A_124 : memref<1000000x16xf32, #tpu.memory_space<hbm>>) target(%dma_start3A_119 : memref<128x16xf32, #tpu.memory_space<vmem>>) offsets(%dma_start3A_121 : memref<128xi32, #tpu.memory_space<vmem>>) semaphore(%arg17 : memref<!tpu.dma_semaphore, #tpu.memory_space<semaphore_mem>>)
      %dma_start3A_125 = arith.constant 512 : i32
      %dma_start3A_126 = arith.constant 0 : i32
      %dma_start3A_127 = tpu.memref_slice %arg15[%dma_start3A_125, %dma_start3A_126] : memref<2048x16xf32, #tpu.memory_space<vmem>> -> memref<128x16xf32, #tpu.memory_space<vmem>>
      %dma_start3A_128 = arith.constant 512 : i32
      %dma_start3A_129 = tpu.memref_slice %arg12[%dma_start3A_128] : memref<2048xi32, #tpu.memory_space<vmem>> -> memref<128xi32, #tpu.memory_space<vmem>>
      %dma_start3A_130 = arith.constant 0 : i32
      %dma_start3A_131 = arith.constant 0 : i32
      %dma_start3A_132 = tpu.memref_slice %arg5[%dma_start3A_130, %dma_start3A_131] : memref<100008x16xf32, #tpu.memory_space<hbm>> -> memref<100008x16xf32, #tpu.memory_space<hbm>>
      tpu.enqueue_indirect_dma source(%dma_start3A_132 : memref<100008x16xf32, #tpu.memory_space<hbm>>) target(%dma_start3A_127 : memref<128x16xf32, #tpu.memory_space<vmem>>) offsets(%dma_start3A_129 : memref<128xi32, #tpu.memory_space<vmem>>) semaphore(%arg17 : memref<!tpu.dma_semaphore, #tpu.memory_space<semaphore_mem>>)
      %dma_start3A_133 = arith.constant 640 : i32
      %dma_start3A_134 = arith.constant 0 : i32
      %dma_start3A_135 = tpu.memref_slice %arg14[%dma_start3A_133, %dma_start3A_134] : memref<2048x16xf32, #tpu.memory_space<vmem>> -> memref<128x16xf32, #tpu.memory_space<vmem>>
      %dma_start3A_136 = arith.constant 640 : i32
      %dma_start3A_137 = tpu.memref_slice %arg11[%dma_start3A_136] : memref<2048xi32, #tpu.memory_space<vmem>> -> memref<128xi32, #tpu.memory_space<vmem>>
      %dma_start3A_138 = arith.constant 0 : i32
      %dma_start3A_139 = arith.constant 0 : i32
      %dma_start3A_140 = tpu.memref_slice %arg4[%dma_start3A_138, %dma_start3A_139] : memref<1000000x16xf32, #tpu.memory_space<hbm>> -> memref<1000000x16xf32, #tpu.memory_space<hbm>>
      tpu.enqueue_indirect_dma source(%dma_start3A_140 : memref<1000000x16xf32, #tpu.memory_space<hbm>>) target(%dma_start3A_135 : memref<128x16xf32, #tpu.memory_space<vmem>>) offsets(%dma_start3A_137 : memref<128xi32, #tpu.memory_space<vmem>>) semaphore(%arg17 : memref<!tpu.dma_semaphore, #tpu.memory_space<semaphore_mem>>)
      %dma_start3A_141 = arith.constant 640 : i32
      %dma_start3A_142 = arith.constant 0 : i32
      %dma_start3A_143 = tpu.memref_slice %arg15[%dma_start3A_141, %dma_start3A_142] : memref<2048x16xf32, #tpu.memory_space<vmem>> -> memref<128x16xf32, #tpu.memory_space<vmem>>
      %dma_start3A_144 = arith.constant 640 : i32
      %dma_start3A_145 = tpu.memref_slice %arg12[%dma_start3A_144] : memref<2048xi32, #tpu.memory_space<vmem>> -> memref<128xi32, #tpu.memory_space<vmem>>
      %dma_start3A_146 = arith.constant 0 : i32
      %dma_start3A_147 = arith.constant 0 : i32
      %dma_start3A_148 = tpu.memref_slice %arg5[%dma_start3A_146, %dma_start3A_147] : memref<100008x16xf32, #tpu.memory_space<hbm>> -> memref<100008x16xf32, #tpu.memory_space<hbm>>
      tpu.enqueue_indirect_dma source(%dma_start3A_148 : memref<100008x16xf32, #tpu.memory_space<hbm>>) target(%dma_start3A_143 : memref<128x16xf32, #tpu.memory_space<vmem>>) offsets(%dma_start3A_145 : memref<128xi32, #tpu.memory_space<vmem>>) semaphore(%arg17 : memref<!tpu.dma_semaphore, #tpu.memory_space<semaphore_mem>>)
      %dma_start3A_149 = arith.constant 768 : i32
      %dma_start3A_150 = arith.constant 0 : i32
      %dma_start3A_151 = tpu.memref_slice %arg14[%dma_start3A_149, %dma_start3A_150] : memref<2048x16xf32, #tpu.memory_space<vmem>> -> memref<128x16xf32, #tpu.memory_space<vmem>>
      %dma_start3A_152 = arith.constant 768 : i32
      %dma_start3A_153 = tpu.memref_slice %arg11[%dma_start3A_152] : memref<2048xi32, #tpu.memory_space<vmem>> -> memref<128xi32, #tpu.memory_space<vmem>>
      %dma_start3A_154 = arith.constant 0 : i32
      %dma_start3A_155 = arith.constant 0 : i32
      %dma_start3A_156 = tpu.memref_slice %arg4[%dma_start3A_154, %dma_start3A_155] : memref<1000000x16xf32, #tpu.memory_space<hbm>> -> memref<1000000x16xf32, #tpu.memory_space<hbm>>
      tpu.enqueue_indirect_dma source(%dma_start3A_156 : memref<1000000x16xf32, #tpu.memory_space<hbm>>) target(%dma_start3A_151 : memref<128x16xf32, #tpu.memory_space<vmem>>) offsets(%dma_start3A_153 : memref<128xi32, #tpu.memory_space<vmem>>) semaphore(%arg17 : memref<!tpu.dma_semaphore, #tpu.memory_space<semaphore_mem>>)
      %dma_start3A_157 = arith.constant 768 : i32
      %dma_start3A_158 = arith.constant 0 : i32
      %dma_start3A_159 = tpu.memref_slice %arg15[%dma_start3A_157, %dma_start3A_158] : memref<2048x16xf32, #tpu.memory_space<vmem>> -> memref<128x16xf32, #tpu.memory_space<vmem>>
      %dma_start3A_160 = arith.constant 768 : i32
      %dma_start3A_161 = tpu.memref_slice %arg12[%dma_start3A_160] : memref<2048xi32, #tpu.memory_space<vmem>> -> memref<128xi32, #tpu.memory_space<vmem>>
      %dma_start3A_162 = arith.constant 0 : i32
      %dma_start3A_163 = arith.constant 0 : i32
      %dma_start3A_164 = tpu.memref_slice %arg5[%dma_start3A_162, %dma_start3A_163] : memref<100008x16xf32, #tpu.memory_space<hbm>> -> memref<100008x16xf32, #tpu.memory_space<hbm>>
      tpu.enqueue_indirect_dma source(%dma_start3A_164 : memref<100008x16xf32, #tpu.memory_space<hbm>>) target(%dma_start3A_159 : memref<128x16xf32, #tpu.memory_space<vmem>>) offsets(%dma_start3A_161 : memref<128xi32, #tpu.memory_space<vmem>>) semaphore(%arg17 : memref<!tpu.dma_semaphore, #tpu.memory_space<semaphore_mem>>)
      %dma_start3A_165 = arith.constant 896 : i32
      %dma_start3A_166 = arith.constant 0 : i32
      %dma_start3A_167 = tpu.memref_slice %arg14[%dma_start3A_165, %dma_start3A_166] : memref<2048x16xf32, #tpu.memory_space<vmem>> -> memref<128x16xf32, #tpu.memory_space<vmem>>
      %dma_start3A_168 = arith.constant 896 : i32
      %dma_start3A_169 = tpu.memref_slice %arg11[%dma_start3A_168] : memref<2048xi32, #tpu.memory_space<vmem>> -> memref<128xi32, #tpu.memory_space<vmem>>
      %dma_start3A_170 = arith.constant 0 : i32
      %dma_start3A_171 = arith.constant 0 : i32
      %dma_start3A_172 = tpu.memref_slice %arg4[%dma_start3A_170, %dma_start3A_171] : memref<1000000x16xf32, #tpu.memory_space<hbm>> -> memref<1000000x16xf32, #tpu.memory_space<hbm>>
      tpu.enqueue_indirect_dma source(%dma_start3A_172 : memref<1000000x16xf32, #tpu.memory_space<hbm>>) target(%dma_start3A_167 : memref<128x16xf32, #tpu.memory_space<vmem>>) offsets(%dma_start3A_169 : memref<128xi32, #tpu.memory_space<vmem>>) semaphore(%arg17 : memref<!tpu.dma_semaphore, #tpu.memory_space<semaphore_mem>>)
      %dma_start3A_173 = arith.constant 896 : i32
      %dma_start3A_174 = arith.constant 0 : i32
      %dma_start3A_175 = tpu.memref_slice %arg15[%dma_start3A_173, %dma_start3A_174] : memref<2048x16xf32, #tpu.memory_space<vmem>> -> memref<128x16xf32, #tpu.memory_space<vmem>>
      %dma_start3A_176 = arith.constant 896 : i32
      %dma_start3A_177 = tpu.memref_slice %arg12[%dma_start3A_176] : memref<2048xi32, #tpu.memory_space<vmem>> -> memref<128xi32, #tpu.memory_space<vmem>>
      %dma_start3A_178 = arith.constant 0 : i32
      %dma_start3A_179 = arith.constant 0 : i32
      %dma_start3A_180 = tpu.memref_slice %arg5[%dma_start3A_178, %dma_start3A_179] : memref<100008x16xf32, #tpu.memory_space<hbm>> -> memref<100008x16xf32, #tpu.memory_space<hbm>>
      tpu.enqueue_indirect_dma source(%dma_start3A_180 : memref<100008x16xf32, #tpu.memory_space<hbm>>) target(%dma_start3A_175 : memref<128x16xf32, #tpu.memory_space<vmem>>) offsets(%dma_start3A_177 : memref<128xi32, #tpu.memory_space<vmem>>) semaphore(%arg17 : memref<!tpu.dma_semaphore, #tpu.memory_space<semaphore_mem>>)
      %dma_start3A_181 = arith.constant 1024 : i32
      %dma_start3A_182 = arith.constant 0 : i32
      %dma_start3A_183 = tpu.memref_slice %arg14[%dma_start3A_181, %dma_start3A_182] : memref<2048x16xf32, #tpu.memory_space<vmem>> -> memref<128x16xf32, #tpu.memory_space<vmem>>
      %dma_start3A_184 = arith.constant 1024 : i32
      %dma_start3A_185 = tpu.memref_slice %arg11[%dma_start3A_184] : memref<2048xi32, #tpu.memory_space<vmem>> -> memref<128xi32, #tpu.memory_space<vmem>>
      %dma_start3A_186 = arith.constant 0 : i32
      %dma_start3A_187 = arith.constant 0 : i32
      %dma_start3A_188 = tpu.memref_slice %arg4[%dma_start3A_186, %dma_start3A_187] : memref<1000000x16xf32, #tpu.memory_space<hbm>> -> memref<1000000x16xf32, #tpu.memory_space<hbm>>
      tpu.enqueue_indirect_dma source(%dma_start3A_188 : memref<1000000x16xf32, #tpu.memory_space<hbm>>) target(%dma_start3A_183 : memref<128x16xf32, #tpu.memory_space<vmem>>) offsets(%dma_start3A_185 : memref<128xi32, #tpu.memory_space<vmem>>) semaphore(%arg17 : memref<!tpu.dma_semaphore, #tpu.memory_space<semaphore_mem>>)
      %dma_start3A_189 = arith.constant 1024 : i32
      %dma_start3A_190 = arith.constant 0 : i32
      %dma_start3A_191 = tpu.memref_slice %arg15[%dma_start3A_189, %dma_start3A_190] : memref<2048x16xf32, #tpu.memory_space<vmem>> -> memref<128x16xf32, #tpu.memory_space<vmem>>
      %dma_start3A_192 = arith.constant 1024 : i32
      %dma_start3A_193 = tpu.memref_slice %arg12[%dma_start3A_192] : memref<2048xi32, #tpu.memory_space<vmem>> -> memref<128xi32, #tpu.memory_space<vmem>>
      %dma_start3A_194 = arith.constant 0 : i32
      %dma_start3A_195 = arith.constant 0 : i32
      %dma_start3A_196 = tpu.memref_slice %arg5[%dma_start3A_194, %dma_start3A_195] : memref<100008x16xf32, #tpu.memory_space<hbm>> -> memref<100008x16xf32, #tpu.memory_space<hbm>>
      tpu.enqueue_indirect_dma source(%dma_start3A_196 : memref<100008x16xf32, #tpu.memory_space<hbm>>) target(%dma_start3A_191 : memref<128x16xf32, #tpu.memory_space<vmem>>) offsets(%dma_start3A_193 : memref<128xi32, #tpu.memory_space<vmem>>) semaphore(%arg17 : memref<!tpu.dma_semaphore, #tpu.memory_space<semaphore_mem>>)
      %dma_start3A_197 = arith.constant 1152 : i32
      %dma_start3A_198 = arith.constant 0 : i32
      %dma_start3A_199 = tpu.memref_slice %arg14[%dma_start3A_197, %dma_start3A_198] : memref<2048x16xf32, #tpu.memory_space<vmem>> -> memref<128x16xf32, #tpu.memory_space<vmem>>
      %dma_start3A_200 = arith.constant 1152 : i32
      %dma_start3A_201 = tpu.memref_slice %arg11[%dma_start3A_200] : memref<2048xi32, #tpu.memory_space<vmem>> -> memref<128xi32, #tpu.memory_space<vmem>>
      %dma_start3A_202 = arith.constant 0 : i32
      %dma_start3A_203 = arith.constant 0 : i32
      %dma_start3A_204 = tpu.memref_slice %arg4[%dma_start3A_202, %dma_start3A_203] : memref<1000000x16xf32, #tpu.memory_space<hbm>> -> memref<1000000x16xf32, #tpu.memory_space<hbm>>
      tpu.enqueue_indirect_dma source(%dma_start3A_204 : memref<1000000x16xf32, #tpu.memory_space<hbm>>) target(%dma_start3A_199 : memref<128x16xf32, #tpu.memory_space<vmem>>) offsets(%dma_start3A_201 : memref<128xi32, #tpu.memory_space<vmem>>) semaphore(%arg17 : memref<!tpu.dma_semaphore, #tpu.memory_space<semaphore_mem>>)
      %dma_start3A_205 = arith.constant 1152 : i32
      %dma_start3A_206 = arith.constant 0 : i32
      %dma_start3A_207 = tpu.memref_slice %arg15[%dma_start3A_205, %dma_start3A_206] : memref<2048x16xf32, #tpu.memory_space<vmem>> -> memref<128x16xf32, #tpu.memory_space<vmem>>
      %dma_start3A_208 = arith.constant 1152 : i32
      %dma_start3A_209 = tpu.memref_slice %arg12[%dma_start3A_208] : memref<2048xi32, #tpu.memory_space<vmem>> -> memref<128xi32, #tpu.memory_space<vmem>>
      %dma_start3A_210 = arith.constant 0 : i32
      %dma_start3A_211 = arith.constant 0 : i32
      %dma_start3A_212 = tpu.memref_slice %arg5[%dma_start3A_210, %dma_start3A_211] : memref<100008x16xf32, #tpu.memory_space<hbm>> -> memref<100008x16xf32, #tpu.memory_space<hbm>>
      tpu.enqueue_indirect_dma source(%dma_start3A_212 : memref<100008x16xf32, #tpu.memory_space<hbm>>) target(%dma_start3A_207 : memref<128x16xf32, #tpu.memory_space<vmem>>) offsets(%dma_start3A_209 : memref<128xi32, #tpu.memory_space<vmem>>) semaphore(%arg17 : memref<!tpu.dma_semaphore, #tpu.memory_space<semaphore_mem>>)
      %dma_start3A_213 = arith.constant 1280 : i32
      %dma_start3A_214 = arith.constant 0 : i32
      %dma_start3A_215 = tpu.memref_slice %arg14[%dma_start3A_213, %dma_start3A_214] : memref<2048x16xf32, #tpu.memory_space<vmem>> -> memref<128x16xf32, #tpu.memory_space<vmem>>
      %dma_start3A_216 = arith.constant 1280 : i32
      %dma_start3A_217 = tpu.memref_slice %arg11[%dma_start3A_216] : memref<2048xi32, #tpu.memory_space<vmem>> -> memref<128xi32, #tpu.memory_space<vmem>>
      %dma_start3A_218 = arith.constant 0 : i32
      %dma_start3A_219 = arith.constant 0 : i32
      %dma_start3A_220 = tpu.memref_slice %arg4[%dma_start3A_218, %dma_start3A_219] : memref<1000000x16xf32, #tpu.memory_space<hbm>> -> memref<1000000x16xf32, #tpu.memory_space<hbm>>
      tpu.enqueue_indirect_dma source(%dma_start3A_220 : memref<1000000x16xf32, #tpu.memory_space<hbm>>) target(%dma_start3A_215 : memref<128x16xf32, #tpu.memory_space<vmem>>) offsets(%dma_start3A_217 : memref<128xi32, #tpu.memory_space<vmem>>) semaphore(%arg17 : memref<!tpu.dma_semaphore, #tpu.memory_space<semaphore_mem>>)
      %dma_start3A_221 = arith.constant 1280 : i32
      %dma_start3A_222 = arith.constant 0 : i32
      %dma_start3A_223 = tpu.memref_slice %arg15[%dma_start3A_221, %dma_start3A_222] : memref<2048x16xf32, #tpu.memory_space<vmem>> -> memref<128x16xf32, #tpu.memory_space<vmem>>
      %dma_start3A_224 = arith.constant 1280 : i32
      %dma_start3A_225 = tpu.memref_slice %arg12[%dma_start3A_224] : memref<2048xi32, #tpu.memory_space<vmem>> -> memref<128xi32, #tpu.memory_space<vmem>>
      %dma_start3A_226 = arith.constant 0 : i32
      %dma_start3A_227 = arith.constant 0 : i32
      %dma_start3A_228 = tpu.memref_slice %arg5[%dma_start3A_226, %dma_start3A_227] : memref<100008x16xf32, #tpu.memory_space<hbm>> -> memref<100008x16xf32, #tpu.memory_space<hbm>>
      tpu.enqueue_indirect_dma source(%dma_start3A_228 : memref<100008x16xf32, #tpu.memory_space<hbm>>) target(%dma_start3A_223 : memref<128x16xf32, #tpu.memory_space<vmem>>) offsets(%dma_start3A_225 : memref<128xi32, #tpu.memory_space<vmem>>) semaphore(%arg17 : memref<!tpu.dma_semaphore, #tpu.memory_space<semaphore_mem>>)
      %dma_start3A_229 = arith.constant 1408 : i32
      %dma_start3A_230 = arith.constant 0 : i32
      %dma_start3A_231 = tpu.memref_slice %arg14[%dma_start3A_229, %dma_start3A_230] : memref<2048x16xf32, #tpu.memory_space<vmem>> -> memref<128x16xf32, #tpu.memory_space<vmem>>
      %dma_start3A_232 = arith.constant 1408 : i32
      %dma_start3A_233 = tpu.memref_slice %arg11[%dma_start3A_232] : memref<2048xi32, #tpu.memory_space<vmem>> -> memref<128xi32, #tpu.memory_space<vmem>>
      %dma_start3A_234 = arith.constant 0 : i32
      %dma_start3A_235 = arith.constant 0 : i32
      %dma_start3A_236 = tpu.memref_slice %arg4[%dma_start3A_234, %dma_start3A_235] : memref<1000000x16xf32, #tpu.memory_space<hbm>> -> memref<1000000x16xf32, #tpu.memory_space<hbm>>
      tpu.enqueue_indirect_dma source(%dma_start3A_236 : memref<1000000x16xf32, #tpu.memory_space<hbm>>) target(%dma_start3A_231 : memref<128x16xf32, #tpu.memory_space<vmem>>) offsets(%dma_start3A_233 : memref<128xi32, #tpu.memory_space<vmem>>) semaphore(%arg17 : memref<!tpu.dma_semaphore, #tpu.memory_space<semaphore_mem>>)
      %dma_start3A_237 = arith.constant 1408 : i32
      %dma_start3A_238 = arith.constant 0 : i32
      %dma_start3A_239 = tpu.memref_slice %arg15[%dma_start3A_237, %dma_start3A_238] : memref<2048x16xf32, #tpu.memory_space<vmem>> -> memref<128x16xf32, #tpu.memory_space<vmem>>
      %dma_start3A_240 = arith.constant 1408 : i32
      %dma_start3A_241 = tpu.memref_slice %arg12[%dma_start3A_240] : memref<2048xi32, #tpu.memory_space<vmem>> -> memref<128xi32, #tpu.memory_space<vmem>>
      %dma_start3A_242 = arith.constant 0 : i32
      %dma_start3A_243 = arith.constant 0 : i32
      %dma_start3A_244 = tpu.memref_slice %arg5[%dma_start3A_242, %dma_start3A_243] : memref<100008x16xf32, #tpu.memory_space<hbm>> -> memref<100008x16xf32, #tpu.memory_space<hbm>>
      tpu.enqueue_indirect_dma source(%dma_start3A_244 : memref<100008x16xf32, #tpu.memory_space<hbm>>) target(%dma_start3A_239 : memref<128x16xf32, #tpu.memory_space<vmem>>) offsets(%dma_start3A_241 : memref<128xi32, #tpu.memory_space<vmem>>) semaphore(%arg17 : memref<!tpu.dma_semaphore, #tpu.memory_space<semaphore_mem>>)
      %dma_start3A_245 = arith.constant 1536 : i32
      %dma_start3A_246 = arith.constant 0 : i32
      %dma_start3A_247 = tpu.memref_slice %arg14[%dma_start3A_245, %dma_start3A_246] : memref<2048x16xf32, #tpu.memory_space<vmem>> -> memref<128x16xf32, #tpu.memory_space<vmem>>
      %dma_start3A_248 = arith.constant 1536 : i32
      %dma_start3A_249 = tpu.memref_slice %arg11[%dma_start3A_248] : memref<2048xi32, #tpu.memory_space<vmem>> -> memref<128xi32, #tpu.memory_space<vmem>>
      %dma_start3A_250 = arith.constant 0 : i32
      %dma_start3A_251 = arith.constant 0 : i32
      %dma_start3A_252 = tpu.memref_slice %arg4[%dma_start3A_250, %dma_start3A_251] : memref<1000000x16xf32, #tpu.memory_space<hbm>> -> memref<1000000x16xf32, #tpu.memory_space<hbm>>
      tpu.enqueue_indirect_dma source(%dma_start3A_252 : memref<1000000x16xf32, #tpu.memory_space<hbm>>) target(%dma_start3A_247 : memref<128x16xf32, #tpu.memory_space<vmem>>) offsets(%dma_start3A_249 : memref<128xi32, #tpu.memory_space<vmem>>) semaphore(%arg17 : memref<!tpu.dma_semaphore, #tpu.memory_space<semaphore_mem>>)
      %dma_start3A_253 = arith.constant 1536 : i32
      %dma_start3A_254 = arith.constant 0 : i32
      %dma_start3A_255 = tpu.memref_slice %arg15[%dma_start3A_253, %dma_start3A_254] : memref<2048x16xf32, #tpu.memory_space<vmem>> -> memref<128x16xf32, #tpu.memory_space<vmem>>
      %dma_start3A_256 = arith.constant 1536 : i32
      %dma_start3A_257 = tpu.memref_slice %arg12[%dma_start3A_256] : memref<2048xi32, #tpu.memory_space<vmem>> -> memref<128xi32, #tpu.memory_space<vmem>>
      %dma_start3A_258 = arith.constant 0 : i32
      %dma_start3A_259 = arith.constant 0 : i32
      %dma_start3A_260 = tpu.memref_slice %arg5[%dma_start3A_258, %dma_start3A_259] : memref<100008x16xf32, #tpu.memory_space<hbm>> -> memref<100008x16xf32, #tpu.memory_space<hbm>>
      tpu.enqueue_indirect_dma source(%dma_start3A_260 : memref<100008x16xf32, #tpu.memory_space<hbm>>) target(%dma_start3A_255 : memref<128x16xf32, #tpu.memory_space<vmem>>) offsets(%dma_start3A_257 : memref<128xi32, #tpu.memory_space<vmem>>) semaphore(%arg17 : memref<!tpu.dma_semaphore, #tpu.memory_space<semaphore_mem>>)
      %dma_start3A_261 = arith.constant 1664 : i32
      %dma_start3A_262 = arith.constant 0 : i32
      %dma_start3A_263 = tpu.memref_slice %arg14[%dma_start3A_261, %dma_start3A_262] : memref<2048x16xf32, #tpu.memory_space<vmem>> -> memref<128x16xf32, #tpu.memory_space<vmem>>
      %dma_start3A_264 = arith.constant 1664 : i32
      %dma_start3A_265 = tpu.memref_slice %arg11[%dma_start3A_264] : memref<2048xi32, #tpu.memory_space<vmem>> -> memref<128xi32, #tpu.memory_space<vmem>>
      %dma_start3A_266 = arith.constant 0 : i32
      %dma_start3A_267 = arith.constant 0 : i32
      %dma_start3A_268 = tpu.memref_slice %arg4[%dma_start3A_266, %dma_start3A_267] : memref<1000000x16xf32, #tpu.memory_space<hbm>> -> memref<1000000x16xf32, #tpu.memory_space<hbm>>
      tpu.enqueue_indirect_dma source(%dma_start3A_268 : memref<1000000x16xf32, #tpu.memory_space<hbm>>) target(%dma_start3A_263 : memref<128x16xf32, #tpu.memory_space<vmem>>) offsets(%dma_start3A_265 : memref<128xi32, #tpu.memory_space<vmem>>) semaphore(%arg17 : memref<!tpu.dma_semaphore, #tpu.memory_space<semaphore_mem>>)
      %dma_start3A_269 = arith.constant 1664 : i32
      %dma_start3A_270 = arith.constant 0 : i32
      %dma_start3A_271 = tpu.memref_slice %arg15[%dma_start3A_269, %dma_start3A_270] : memref<2048x16xf32, #tpu.memory_space<vmem>> -> memref<128x16xf32, #tpu.memory_space<vmem>>
      %dma_start3A_272 = arith.constant 1664 : i32
      %dma_start3A_273 = tpu.memref_slice %arg12[%dma_start3A_272] : memref<2048xi32, #tpu.memory_space<vmem>> -> memref<128xi32, #tpu.memory_space<vmem>>
      %dma_start3A_274 = arith.constant 0 : i32
      %dma_start3A_275 = arith.constant 0 : i32
      %dma_start3A_276 = tpu.memref_slice %arg5[%dma_start3A_274, %dma_start3A_275] : memref<100008x16xf32, #tpu.memory_space<hbm>> -> memref<100008x16xf32, #tpu.memory_space<hbm>>
      tpu.enqueue_indirect_dma source(%dma_start3A_276 : memref<100008x16xf32, #tpu.memory_space<hbm>>) target(%dma_start3A_271 : memref<128x16xf32, #tpu.memory_space<vmem>>) offsets(%dma_start3A_273 : memref<128xi32, #tpu.memory_space<vmem>>) semaphore(%arg17 : memref<!tpu.dma_semaphore, #tpu.memory_space<semaphore_mem>>)
      %dma_start3A_277 = arith.constant 1792 : i32
      %dma_start3A_278 = arith.constant 0 : i32
      %dma_start3A_279 = tpu.memref_slice %arg14[%dma_start3A_277, %dma_start3A_278] : memref<2048x16xf32, #tpu.memory_space<vmem>> -> memref<128x16xf32, #tpu.memory_space<vmem>>
      %dma_start3A_280 = arith.constant 1792 : i32
      %dma_start3A_281 = tpu.memref_slice %arg11[%dma_start3A_280] : memref<2048xi32, #tpu.memory_space<vmem>> -> memref<128xi32, #tpu.memory_space<vmem>>
      %dma_start3A_282 = arith.constant 0 : i32
      %dma_start3A_283 = arith.constant 0 : i32
      %dma_start3A_284 = tpu.memref_slice %arg4[%dma_start3A_282, %dma_start3A_283] : memref<1000000x16xf32, #tpu.memory_space<hbm>> -> memref<1000000x16xf32, #tpu.memory_space<hbm>>
      tpu.enqueue_indirect_dma source(%dma_start3A_284 : memref<1000000x16xf32, #tpu.memory_space<hbm>>) target(%dma_start3A_279 : memref<128x16xf32, #tpu.memory_space<vmem>>) offsets(%dma_start3A_281 : memref<128xi32, #tpu.memory_space<vmem>>) semaphore(%arg17 : memref<!tpu.dma_semaphore, #tpu.memory_space<semaphore_mem>>)
      %dma_start3A_285 = arith.constant 1792 : i32
      %dma_start3A_286 = arith.constant 0 : i32
      %dma_start3A_287 = tpu.memref_slice %arg15[%dma_start3A_285, %dma_start3A_286] : memref<2048x16xf32, #tpu.memory_space<vmem>> -> memref<128x16xf32, #tpu.memory_space<vmem>>
      %dma_start3A_288 = arith.constant 1792 : i32
      %dma_start3A_289 = tpu.memref_slice %arg12[%dma_start3A_288] : memref<2048xi32, #tpu.memory_space<vmem>> -> memref<128xi32, #tpu.memory_space<vmem>>
      %dma_start3A_290 = arith.constant 0 : i32
      %dma_start3A_291 = arith.constant 0 : i32
      %dma_start3A_292 = tpu.memref_slice %arg5[%dma_start3A_290, %dma_start3A_291] : memref<100008x16xf32, #tpu.memory_space<hbm>> -> memref<100008x16xf32, #tpu.memory_space<hbm>>
      tpu.enqueue_indirect_dma source(%dma_start3A_292 : memref<100008x16xf32, #tpu.memory_space<hbm>>) target(%dma_start3A_287 : memref<128x16xf32, #tpu.memory_space<vmem>>) offsets(%dma_start3A_289 : memref<128xi32, #tpu.memory_space<vmem>>) semaphore(%arg17 : memref<!tpu.dma_semaphore, #tpu.memory_space<semaphore_mem>>)
      %dma_start3A_293 = arith.constant 1920 : i32
      %dma_start3A_294 = arith.constant 0 : i32
      %dma_start3A_295 = tpu.memref_slice %arg14[%dma_start3A_293, %dma_start3A_294] : memref<2048x16xf32, #tpu.memory_space<vmem>> -> memref<128x16xf32, #tpu.memory_space<vmem>>
      %dma_start3A_296 = arith.constant 1920 : i32
      %dma_start3A_297 = tpu.memref_slice %arg11[%dma_start3A_296] : memref<2048xi32, #tpu.memory_space<vmem>> -> memref<128xi32, #tpu.memory_space<vmem>>
      %dma_start3A_298 = arith.constant 0 : i32
      %dma_start3A_299 = arith.constant 0 : i32
      %dma_start3A_300 = tpu.memref_slice %arg4[%dma_start3A_298, %dma_start3A_299] : memref<1000000x16xf32, #tpu.memory_space<hbm>> -> memref<1000000x16xf32, #tpu.memory_space<hbm>>
      tpu.enqueue_indirect_dma source(%dma_start3A_300 : memref<1000000x16xf32, #tpu.memory_space<hbm>>) target(%dma_start3A_295 : memref<128x16xf32, #tpu.memory_space<vmem>>) offsets(%dma_start3A_297 : memref<128xi32, #tpu.memory_space<vmem>>) semaphore(%arg17 : memref<!tpu.dma_semaphore, #tpu.memory_space<semaphore_mem>>)
      %dma_start3A_301 = arith.constant 1920 : i32
      %dma_start3A_302 = arith.constant 0 : i32
      %dma_start3A_303 = tpu.memref_slice %arg15[%dma_start3A_301, %dma_start3A_302] : memref<2048x16xf32, #tpu.memory_space<vmem>> -> memref<128x16xf32, #tpu.memory_space<vmem>>
      %dma_start3A_304 = arith.constant 1920 : i32
      %dma_start3A_305 = tpu.memref_slice %arg12[%dma_start3A_304] : memref<2048xi32, #tpu.memory_space<vmem>> -> memref<128xi32, #tpu.memory_space<vmem>>
      %dma_start3A_306 = arith.constant 0 : i32
      %dma_start3A_307 = arith.constant 0 : i32
      %dma_start3A_308 = tpu.memref_slice %arg5[%dma_start3A_306, %dma_start3A_307] : memref<100008x16xf32, #tpu.memory_space<hbm>> -> memref<100008x16xf32, #tpu.memory_space<hbm>>
      tpu.enqueue_indirect_dma source(%dma_start3A_308 : memref<100008x16xf32, #tpu.memory_space<hbm>>) target(%dma_start3A_303 : memref<128x16xf32, #tpu.memory_space<vmem>>) offsets(%dma_start3A_305 : memref<128xi32, #tpu.memory_space<vmem>>) semaphore(%arg17 : memref<!tpu.dma_semaphore, #tpu.memory_space<semaphore_mem>>)
      %dma_start3A_309 = arith.constant 0 : i32
      %dma_start3A_310 = arith.constant 0 : i32
      %dma_start3A_311 = tpu.memref_slice %arg4[%dma_start3A_309, %dma_start3A_310] : memref<1000000x16xf32, #tpu.memory_space<hbm>> -> memref<1000000x16xf32, #tpu.memory_space<hbm>>
      tpu.enqueue_indirect_dma source(%dma_start3A_311 : memref<1000000x16xf32, #tpu.memory_space<hbm>>) target(%arg16 : memref<64x16xf32, #tpu.memory_space<vmem>>) offsets(%arg13 : memref<64xi32, #tpu.memory_space<vmem>>) semaphore(%arg17 : memref<!tpu.dma_semaphore, #tpu.memory_space<semaphore_mem>>)
      %dma_wait3A = arith.constant 0 : i32
      %dma_wait3A_312 = arith.constant 0 : i32
      %dma_wait3A_313 = tpu.memref_slice %arg14[%dma_wait3A, %dma_wait3A_312] : memref<2048x16xf32, #tpu.memory_space<vmem>> -> memref<128x16xf32, #tpu.memory_space<vmem>>
      %dma_wait3A_314 = arith.constant 0 : i32
      %dma_wait3A_315 = tpu.memref_slice %arg11[%dma_wait3A_314] : memref<2048xi32, #tpu.memory_space<vmem>> -> memref<128xi32, #tpu.memory_space<vmem>>
      %dma_wait3A_316 = arith.constant 0 : i32
      %dma_wait3A_317 = arith.constant 0 : i32
      %dma_wait3A_318 = tpu.memref_slice %arg4[%dma_wait3A_316, %dma_wait3A_317] : memref<1000000x16xf32, #tpu.memory_space<hbm>> -> memref<1000000x16xf32, #tpu.memory_space<hbm>>
      tpu.wait_indirect_dma semaphore(%arg17 : memref<!tpu.dma_semaphore, #tpu.memory_space<semaphore_mem>>) src(%dma_wait3A_318 : memref<1000000x16xf32, #tpu.memory_space<hbm>>) dst(%dma_wait3A_313 : memref<128x16xf32, #tpu.memory_space<vmem>>)
      %dma_wait3A_319 = arith.constant 0 : i32
      %dma_wait3A_320 = arith.constant 0 : i32
      %dma_wait3A_321 = tpu.memref_slice %arg15[%dma_wait3A_319, %dma_wait3A_320] : memref<2048x16xf32, #tpu.memory_space<vmem>> -> memref<128x16xf32, #tpu.memory_space<vmem>>
      %dma_wait3A_322 = arith.constant 0 : i32
      %dma_wait3A_323 = tpu.memref_slice %arg12[%dma_wait3A_322] : memref<2048xi32, #tpu.memory_space<vmem>> -> memref<128xi32, #tpu.memory_space<vmem>>
      %dma_wait3A_324 = arith.constant 0 : i32
      %dma_wait3A_325 = arith.constant 0 : i32
      %dma_wait3A_326 = tpu.memref_slice %arg5[%dma_wait3A_324, %dma_wait3A_325] : memref<100008x16xf32, #tpu.memory_space<hbm>> -> memref<100008x16xf32, #tpu.memory_space<hbm>>
      tpu.wait_indirect_dma semaphore(%arg17 : memref<!tpu.dma_semaphore, #tpu.memory_space<semaphore_mem>>) src(%dma_wait3A_326 : memref<100008x16xf32, #tpu.memory_space<hbm>>) dst(%dma_wait3A_321 : memref<128x16xf32, #tpu.memory_space<vmem>>)
      %dma_wait3A_327 = arith.constant 128 : i32
      %dma_wait3A_328 = arith.constant 0 : i32
      %dma_wait3A_329 = tpu.memref_slice %arg14[%dma_wait3A_327, %dma_wait3A_328] : memref<2048x16xf32, #tpu.memory_space<vmem>> -> memref<128x16xf32, #tpu.memory_space<vmem>>
      %dma_wait3A_330 = arith.constant 128 : i32
      %dma_wait3A_331 = tpu.memref_slice %arg11[%dma_wait3A_330] : memref<2048xi32, #tpu.memory_space<vmem>> -> memref<128xi32, #tpu.memory_space<vmem>>
      %dma_wait3A_332 = arith.constant 0 : i32
      %dma_wait3A_333 = arith.constant 0 : i32
      %dma_wait3A_334 = tpu.memref_slice %arg4[%dma_wait3A_332, %dma_wait3A_333] : memref<1000000x16xf32, #tpu.memory_space<hbm>> -> memref<1000000x16xf32, #tpu.memory_space<hbm>>
      tpu.wait_indirect_dma semaphore(%arg17 : memref<!tpu.dma_semaphore, #tpu.memory_space<semaphore_mem>>) src(%dma_wait3A_334 : memref<1000000x16xf32, #tpu.memory_space<hbm>>) dst(%dma_wait3A_329 : memref<128x16xf32, #tpu.memory_space<vmem>>)
      %dma_wait3A_335 = arith.constant 128 : i32
      %dma_wait3A_336 = arith.constant 0 : i32
      %dma_wait3A_337 = tpu.memref_slice %arg15[%dma_wait3A_335, %dma_wait3A_336] : memref<2048x16xf32, #tpu.memory_space<vmem>> -> memref<128x16xf32, #tpu.memory_space<vmem>>
      %dma_wait3A_338 = arith.constant 128 : i32
      %dma_wait3A_339 = tpu.memref_slice %arg12[%dma_wait3A_338] : memref<2048xi32, #tpu.memory_space<vmem>> -> memref<128xi32, #tpu.memory_space<vmem>>
      %dma_wait3A_340 = arith.constant 0 : i32
      %dma_wait3A_341 = arith.constant 0 : i32
      %dma_wait3A_342 = tpu.memref_slice %arg5[%dma_wait3A_340, %dma_wait3A_341] : memref<100008x16xf32, #tpu.memory_space<hbm>> -> memref<100008x16xf32, #tpu.memory_space<hbm>>
      tpu.wait_indirect_dma semaphore(%arg17 : memref<!tpu.dma_semaphore, #tpu.memory_space<semaphore_mem>>) src(%dma_wait3A_342 : memref<100008x16xf32, #tpu.memory_space<hbm>>) dst(%dma_wait3A_337 : memref<128x16xf32, #tpu.memory_space<vmem>>)
      %dma_wait3A_343 = arith.constant 256 : i32
      %dma_wait3A_344 = arith.constant 0 : i32
      %dma_wait3A_345 = tpu.memref_slice %arg14[%dma_wait3A_343, %dma_wait3A_344] : memref<2048x16xf32, #tpu.memory_space<vmem>> -> memref<128x16xf32, #tpu.memory_space<vmem>>
      %dma_wait3A_346 = arith.constant 256 : i32
      %dma_wait3A_347 = tpu.memref_slice %arg11[%dma_wait3A_346] : memref<2048xi32, #tpu.memory_space<vmem>> -> memref<128xi32, #tpu.memory_space<vmem>>
      %dma_wait3A_348 = arith.constant 0 : i32
      %dma_wait3A_349 = arith.constant 0 : i32
      %dma_wait3A_350 = tpu.memref_slice %arg4[%dma_wait3A_348, %dma_wait3A_349] : memref<1000000x16xf32, #tpu.memory_space<hbm>> -> memref<1000000x16xf32, #tpu.memory_space<hbm>>
      tpu.wait_indirect_dma semaphore(%arg17 : memref<!tpu.dma_semaphore, #tpu.memory_space<semaphore_mem>>) src(%dma_wait3A_350 : memref<1000000x16xf32, #tpu.memory_space<hbm>>) dst(%dma_wait3A_345 : memref<128x16xf32, #tpu.memory_space<vmem>>)
      %dma_wait3A_351 = arith.constant 256 : i32
      %dma_wait3A_352 = arith.constant 0 : i32
      %dma_wait3A_353 = tpu.memref_slice %arg15[%dma_wait3A_351, %dma_wait3A_352] : memref<2048x16xf32, #tpu.memory_space<vmem>> -> memref<128x16xf32, #tpu.memory_space<vmem>>
      %dma_wait3A_354 = arith.constant 256 : i32
      %dma_wait3A_355 = tpu.memref_slice %arg12[%dma_wait3A_354] : memref<2048xi32, #tpu.memory_space<vmem>> -> memref<128xi32, #tpu.memory_space<vmem>>
      %dma_wait3A_356 = arith.constant 0 : i32
      %dma_wait3A_357 = arith.constant 0 : i32
      %dma_wait3A_358 = tpu.memref_slice %arg5[%dma_wait3A_356, %dma_wait3A_357] : memref<100008x16xf32, #tpu.memory_space<hbm>> -> memref<100008x16xf32, #tpu.memory_space<hbm>>
      tpu.wait_indirect_dma semaphore(%arg17 : memref<!tpu.dma_semaphore, #tpu.memory_space<semaphore_mem>>) src(%dma_wait3A_358 : memref<100008x16xf32, #tpu.memory_space<hbm>>) dst(%dma_wait3A_353 : memref<128x16xf32, #tpu.memory_space<vmem>>)
      %dma_wait3A_359 = arith.constant 384 : i32
      %dma_wait3A_360 = arith.constant 0 : i32
      %dma_wait3A_361 = tpu.memref_slice %arg14[%dma_wait3A_359, %dma_wait3A_360] : memref<2048x16xf32, #tpu.memory_space<vmem>> -> memref<128x16xf32, #tpu.memory_space<vmem>>
      %dma_wait3A_362 = arith.constant 384 : i32
      %dma_wait3A_363 = tpu.memref_slice %arg11[%dma_wait3A_362] : memref<2048xi32, #tpu.memory_space<vmem>> -> memref<128xi32, #tpu.memory_space<vmem>>
      %dma_wait3A_364 = arith.constant 0 : i32
      %dma_wait3A_365 = arith.constant 0 : i32
      %dma_wait3A_366 = tpu.memref_slice %arg4[%dma_wait3A_364, %dma_wait3A_365] : memref<1000000x16xf32, #tpu.memory_space<hbm>> -> memref<1000000x16xf32, #tpu.memory_space<hbm>>
      tpu.wait_indirect_dma semaphore(%arg17 : memref<!tpu.dma_semaphore, #tpu.memory_space<semaphore_mem>>) src(%dma_wait3A_366 : memref<1000000x16xf32, #tpu.memory_space<hbm>>) dst(%dma_wait3A_361 : memref<128x16xf32, #tpu.memory_space<vmem>>)
      %dma_wait3A_367 = arith.constant 384 : i32
      %dma_wait3A_368 = arith.constant 0 : i32
      %dma_wait3A_369 = tpu.memref_slice %arg15[%dma_wait3A_367, %dma_wait3A_368] : memref<2048x16xf32, #tpu.memory_space<vmem>> -> memref<128x16xf32, #tpu.memory_space<vmem>>
      %dma_wait3A_370 = arith.constant 384 : i32
      %dma_wait3A_371 = tpu.memref_slice %arg12[%dma_wait3A_370] : memref<2048xi32, #tpu.memory_space<vmem>> -> memref<128xi32, #tpu.memory_space<vmem>>
      %dma_wait3A_372 = arith.constant 0 : i32
      %dma_wait3A_373 = arith.constant 0 : i32
      %dma_wait3A_374 = tpu.memref_slice %arg5[%dma_wait3A_372, %dma_wait3A_373] : memref<100008x16xf32, #tpu.memory_space<hbm>> -> memref<100008x16xf32, #tpu.memory_space<hbm>>
      tpu.wait_indirect_dma semaphore(%arg17 : memref<!tpu.dma_semaphore, #tpu.memory_space<semaphore_mem>>) src(%dma_wait3A_374 : memref<100008x16xf32, #tpu.memory_space<hbm>>) dst(%dma_wait3A_369 : memref<128x16xf32, #tpu.memory_space<vmem>>)
      %dma_wait3A_375 = arith.constant 512 : i32
      %dma_wait3A_376 = arith.constant 0 : i32
      %dma_wait3A_377 = tpu.memref_slice %arg14[%dma_wait3A_375, %dma_wait3A_376] : memref<2048x16xf32, #tpu.memory_space<vmem>> -> memref<128x16xf32, #tpu.memory_space<vmem>>
      %dma_wait3A_378 = arith.constant 512 : i32
      %dma_wait3A_379 = tpu.memref_slice %arg11[%dma_wait3A_378] : memref<2048xi32, #tpu.memory_space<vmem>> -> memref<128xi32, #tpu.memory_space<vmem>>
      %dma_wait3A_380 = arith.constant 0 : i32
      %dma_wait3A_381 = arith.constant 0 : i32
      %dma_wait3A_382 = tpu.memref_slice %arg4[%dma_wait3A_380, %dma_wait3A_381] : memref<1000000x16xf32, #tpu.memory_space<hbm>> -> memref<1000000x16xf32, #tpu.memory_space<hbm>>
      tpu.wait_indirect_dma semaphore(%arg17 : memref<!tpu.dma_semaphore, #tpu.memory_space<semaphore_mem>>) src(%dma_wait3A_382 : memref<1000000x16xf32, #tpu.memory_space<hbm>>) dst(%dma_wait3A_377 : memref<128x16xf32, #tpu.memory_space<vmem>>)
      %dma_wait3A_383 = arith.constant 512 : i32
      %dma_wait3A_384 = arith.constant 0 : i32
      %dma_wait3A_385 = tpu.memref_slice %arg15[%dma_wait3A_383, %dma_wait3A_384] : memref<2048x16xf32, #tpu.memory_space<vmem>> -> memref<128x16xf32, #tpu.memory_space<vmem>>
      %dma_wait3A_386 = arith.constant 512 : i32
      %dma_wait3A_387 = tpu.memref_slice %arg12[%dma_wait3A_386] : memref<2048xi32, #tpu.memory_space<vmem>> -> memref<128xi32, #tpu.memory_space<vmem>>
      %dma_wait3A_388 = arith.constant 0 : i32
      %dma_wait3A_389 = arith.constant 0 : i32
      %dma_wait3A_390 = tpu.memref_slice %arg5[%dma_wait3A_388, %dma_wait3A_389] : memref<100008x16xf32, #tpu.memory_space<hbm>> -> memref<100008x16xf32, #tpu.memory_space<hbm>>
      tpu.wait_indirect_dma semaphore(%arg17 : memref<!tpu.dma_semaphore, #tpu.memory_space<semaphore_mem>>) src(%dma_wait3A_390 : memref<100008x16xf32, #tpu.memory_space<hbm>>) dst(%dma_wait3A_385 : memref<128x16xf32, #tpu.memory_space<vmem>>)
      %dma_wait3A_391 = arith.constant 640 : i32
      %dma_wait3A_392 = arith.constant 0 : i32
      %dma_wait3A_393 = tpu.memref_slice %arg14[%dma_wait3A_391, %dma_wait3A_392] : memref<2048x16xf32, #tpu.memory_space<vmem>> -> memref<128x16xf32, #tpu.memory_space<vmem>>
      %dma_wait3A_394 = arith.constant 640 : i32
      %dma_wait3A_395 = tpu.memref_slice %arg11[%dma_wait3A_394] : memref<2048xi32, #tpu.memory_space<vmem>> -> memref<128xi32, #tpu.memory_space<vmem>>
      %dma_wait3A_396 = arith.constant 0 : i32
      %dma_wait3A_397 = arith.constant 0 : i32
      %dma_wait3A_398 = tpu.memref_slice %arg4[%dma_wait3A_396, %dma_wait3A_397] : memref<1000000x16xf32, #tpu.memory_space<hbm>> -> memref<1000000x16xf32, #tpu.memory_space<hbm>>
      tpu.wait_indirect_dma semaphore(%arg17 : memref<!tpu.dma_semaphore, #tpu.memory_space<semaphore_mem>>) src(%dma_wait3A_398 : memref<1000000x16xf32, #tpu.memory_space<hbm>>) dst(%dma_wait3A_393 : memref<128x16xf32, #tpu.memory_space<vmem>>)
      %dma_wait3A_399 = arith.constant 640 : i32
      %dma_wait3A_400 = arith.constant 0 : i32
      %dma_wait3A_401 = tpu.memref_slice %arg15[%dma_wait3A_399, %dma_wait3A_400] : memref<2048x16xf32, #tpu.memory_space<vmem>> -> memref<128x16xf32, #tpu.memory_space<vmem>>
      %dma_wait3A_402 = arith.constant 640 : i32
      %dma_wait3A_403 = tpu.memref_slice %arg12[%dma_wait3A_402] : memref<2048xi32, #tpu.memory_space<vmem>> -> memref<128xi32, #tpu.memory_space<vmem>>
      %dma_wait3A_404 = arith.constant 0 : i32
      %dma_wait3A_405 = arith.constant 0 : i32
      %dma_wait3A_406 = tpu.memref_slice %arg5[%dma_wait3A_404, %dma_wait3A_405] : memref<100008x16xf32, #tpu.memory_space<hbm>> -> memref<100008x16xf32, #tpu.memory_space<hbm>>
      tpu.wait_indirect_dma semaphore(%arg17 : memref<!tpu.dma_semaphore, #tpu.memory_space<semaphore_mem>>) src(%dma_wait3A_406 : memref<100008x16xf32, #tpu.memory_space<hbm>>) dst(%dma_wait3A_401 : memref<128x16xf32, #tpu.memory_space<vmem>>)
      %dma_wait3A_407 = arith.constant 768 : i32
      %dma_wait3A_408 = arith.constant 0 : i32
      %dma_wait3A_409 = tpu.memref_slice %arg14[%dma_wait3A_407, %dma_wait3A_408] : memref<2048x16xf32, #tpu.memory_space<vmem>> -> memref<128x16xf32, #tpu.memory_space<vmem>>
      %dma_wait3A_410 = arith.constant 768 : i32
      %dma_wait3A_411 = tpu.memref_slice %arg11[%dma_wait3A_410] : memref<2048xi32, #tpu.memory_space<vmem>> -> memref<128xi32, #tpu.memory_space<vmem>>
      %dma_wait3A_412 = arith.constant 0 : i32
      %dma_wait3A_413 = arith.constant 0 : i32
      %dma_wait3A_414 = tpu.memref_slice %arg4[%dma_wait3A_412, %dma_wait3A_413] : memref<1000000x16xf32, #tpu.memory_space<hbm>> -> memref<1000000x16xf32, #tpu.memory_space<hbm>>
      tpu.wait_indirect_dma semaphore(%arg17 : memref<!tpu.dma_semaphore, #tpu.memory_space<semaphore_mem>>) src(%dma_wait3A_414 : memref<1000000x16xf32, #tpu.memory_space<hbm>>) dst(%dma_wait3A_409 : memref<128x16xf32, #tpu.memory_space<vmem>>)
      %dma_wait3A_415 = arith.constant 768 : i32
      %dma_wait3A_416 = arith.constant 0 : i32
      %dma_wait3A_417 = tpu.memref_slice %arg15[%dma_wait3A_415, %dma_wait3A_416] : memref<2048x16xf32, #tpu.memory_space<vmem>> -> memref<128x16xf32, #tpu.memory_space<vmem>>
      %dma_wait3A_418 = arith.constant 768 : i32
      %dma_wait3A_419 = tpu.memref_slice %arg12[%dma_wait3A_418] : memref<2048xi32, #tpu.memory_space<vmem>> -> memref<128xi32, #tpu.memory_space<vmem>>
      %dma_wait3A_420 = arith.constant 0 : i32
      %dma_wait3A_421 = arith.constant 0 : i32
      %dma_wait3A_422 = tpu.memref_slice %arg5[%dma_wait3A_420, %dma_wait3A_421] : memref<100008x16xf32, #tpu.memory_space<hbm>> -> memref<100008x16xf32, #tpu.memory_space<hbm>>
      tpu.wait_indirect_dma semaphore(%arg17 : memref<!tpu.dma_semaphore, #tpu.memory_space<semaphore_mem>>) src(%dma_wait3A_422 : memref<100008x16xf32, #tpu.memory_space<hbm>>) dst(%dma_wait3A_417 : memref<128x16xf32, #tpu.memory_space<vmem>>)
      %dma_wait3A_423 = arith.constant 896 : i32
      %dma_wait3A_424 = arith.constant 0 : i32
      %dma_wait3A_425 = tpu.memref_slice %arg14[%dma_wait3A_423, %dma_wait3A_424] : memref<2048x16xf32, #tpu.memory_space<vmem>> -> memref<128x16xf32, #tpu.memory_space<vmem>>
      %dma_wait3A_426 = arith.constant 896 : i32
      %dma_wait3A_427 = tpu.memref_slice %arg11[%dma_wait3A_426] : memref<2048xi32, #tpu.memory_space<vmem>> -> memref<128xi32, #tpu.memory_space<vmem>>
      %dma_wait3A_428 = arith.constant 0 : i32
      %dma_wait3A_429 = arith.constant 0 : i32
      %dma_wait3A_430 = tpu.memref_slice %arg4[%dma_wait3A_428, %dma_wait3A_429] : memref<1000000x16xf32, #tpu.memory_space<hbm>> -> memref<1000000x16xf32, #tpu.memory_space<hbm>>
      tpu.wait_indirect_dma semaphore(%arg17 : memref<!tpu.dma_semaphore, #tpu.memory_space<semaphore_mem>>) src(%dma_wait3A_430 : memref<1000000x16xf32, #tpu.memory_space<hbm>>) dst(%dma_wait3A_425 : memref<128x16xf32, #tpu.memory_space<vmem>>)
      %dma_wait3A_431 = arith.constant 896 : i32
      %dma_wait3A_432 = arith.constant 0 : i32
      %dma_wait3A_433 = tpu.memref_slice %arg15[%dma_wait3A_431, %dma_wait3A_432] : memref<2048x16xf32, #tpu.memory_space<vmem>> -> memref<128x16xf32, #tpu.memory_space<vmem>>
      %dma_wait3A_434 = arith.constant 896 : i32
      %dma_wait3A_435 = tpu.memref_slice %arg12[%dma_wait3A_434] : memref<2048xi32, #tpu.memory_space<vmem>> -> memref<128xi32, #tpu.memory_space<vmem>>
      %dma_wait3A_436 = arith.constant 0 : i32
      %dma_wait3A_437 = arith.constant 0 : i32
      %dma_wait3A_438 = tpu.memref_slice %arg5[%dma_wait3A_436, %dma_wait3A_437] : memref<100008x16xf32, #tpu.memory_space<hbm>> -> memref<100008x16xf32, #tpu.memory_space<hbm>>
      tpu.wait_indirect_dma semaphore(%arg17 : memref<!tpu.dma_semaphore, #tpu.memory_space<semaphore_mem>>) src(%dma_wait3A_438 : memref<100008x16xf32, #tpu.memory_space<hbm>>) dst(%dma_wait3A_433 : memref<128x16xf32, #tpu.memory_space<vmem>>)
      %dma_wait3A_439 = arith.constant 1024 : i32
      %dma_wait3A_440 = arith.constant 0 : i32
      %dma_wait3A_441 = tpu.memref_slice %arg14[%dma_wait3A_439, %dma_wait3A_440] : memref<2048x16xf32, #tpu.memory_space<vmem>> -> memref<128x16xf32, #tpu.memory_space<vmem>>
      %dma_wait3A_442 = arith.constant 1024 : i32
      %dma_wait3A_443 = tpu.memref_slice %arg11[%dma_wait3A_442] : memref<2048xi32, #tpu.memory_space<vmem>> -> memref<128xi32, #tpu.memory_space<vmem>>
      %dma_wait3A_444 = arith.constant 0 : i32
      %dma_wait3A_445 = arith.constant 0 : i32
      %dma_wait3A_446 = tpu.memref_slice %arg4[%dma_wait3A_444, %dma_wait3A_445] : memref<1000000x16xf32, #tpu.memory_space<hbm>> -> memref<1000000x16xf32, #tpu.memory_space<hbm>>
      tpu.wait_indirect_dma semaphore(%arg17 : memref<!tpu.dma_semaphore, #tpu.memory_space<semaphore_mem>>) src(%dma_wait3A_446 : memref<1000000x16xf32, #tpu.memory_space<hbm>>) dst(%dma_wait3A_441 : memref<128x16xf32, #tpu.memory_space<vmem>>)
      %dma_wait3A_447 = arith.constant 1024 : i32
      %dma_wait3A_448 = arith.constant 0 : i32
      %dma_wait3A_449 = tpu.memref_slice %arg15[%dma_wait3A_447, %dma_wait3A_448] : memref<2048x16xf32, #tpu.memory_space<vmem>> -> memref<128x16xf32, #tpu.memory_space<vmem>>
      %dma_wait3A_450 = arith.constant 1024 : i32
      %dma_wait3A_451 = tpu.memref_slice %arg12[%dma_wait3A_450] : memref<2048xi32, #tpu.memory_space<vmem>> -> memref<128xi32, #tpu.memory_space<vmem>>
      %dma_wait3A_452 = arith.constant 0 : i32
      %dma_wait3A_453 = arith.constant 0 : i32
      %dma_wait3A_454 = tpu.memref_slice %arg5[%dma_wait3A_452, %dma_wait3A_453] : memref<100008x16xf32, #tpu.memory_space<hbm>> -> memref<100008x16xf32, #tpu.memory_space<hbm>>
      tpu.wait_indirect_dma semaphore(%arg17 : memref<!tpu.dma_semaphore, #tpu.memory_space<semaphore_mem>>) src(%dma_wait3A_454 : memref<100008x16xf32, #tpu.memory_space<hbm>>) dst(%dma_wait3A_449 : memref<128x16xf32, #tpu.memory_space<vmem>>)
      %dma_wait3A_455 = arith.constant 1152 : i32
      %dma_wait3A_456 = arith.constant 0 : i32
      %dma_wait3A_457 = tpu.memref_slice %arg14[%dma_wait3A_455, %dma_wait3A_456] : memref<2048x16xf32, #tpu.memory_space<vmem>> -> memref<128x16xf32, #tpu.memory_space<vmem>>
      %dma_wait3A_458 = arith.constant 1152 : i32
      %dma_wait3A_459 = tpu.memref_slice %arg11[%dma_wait3A_458] : memref<2048xi32, #tpu.memory_space<vmem>> -> memref<128xi32, #tpu.memory_space<vmem>>
      %dma_wait3A_460 = arith.constant 0 : i32
      %dma_wait3A_461 = arith.constant 0 : i32
      %dma_wait3A_462 = tpu.memref_slice %arg4[%dma_wait3A_460, %dma_wait3A_461] : memref<1000000x16xf32, #tpu.memory_space<hbm>> -> memref<1000000x16xf32, #tpu.memory_space<hbm>>
      tpu.wait_indirect_dma semaphore(%arg17 : memref<!tpu.dma_semaphore, #tpu.memory_space<semaphore_mem>>) src(%dma_wait3A_462 : memref<1000000x16xf32, #tpu.memory_space<hbm>>) dst(%dma_wait3A_457 : memref<128x16xf32, #tpu.memory_space<vmem>>)
      %dma_wait3A_463 = arith.constant 1152 : i32
      %dma_wait3A_464 = arith.constant 0 : i32
      %dma_wait3A_465 = tpu.memref_slice %arg15[%dma_wait3A_463, %dma_wait3A_464] : memref<2048x16xf32, #tpu.memory_space<vmem>> -> memref<128x16xf32, #tpu.memory_space<vmem>>
      %dma_wait3A_466 = arith.constant 1152 : i32
      %dma_wait3A_467 = tpu.memref_slice %arg12[%dma_wait3A_466] : memref<2048xi32, #tpu.memory_space<vmem>> -> memref<128xi32, #tpu.memory_space<vmem>>
      %dma_wait3A_468 = arith.constant 0 : i32
      %dma_wait3A_469 = arith.constant 0 : i32
      %dma_wait3A_470 = tpu.memref_slice %arg5[%dma_wait3A_468, %dma_wait3A_469] : memref<100008x16xf32, #tpu.memory_space<hbm>> -> memref<100008x16xf32, #tpu.memory_space<hbm>>
      tpu.wait_indirect_dma semaphore(%arg17 : memref<!tpu.dma_semaphore, #tpu.memory_space<semaphore_mem>>) src(%dma_wait3A_470 : memref<100008x16xf32, #tpu.memory_space<hbm>>) dst(%dma_wait3A_465 : memref<128x16xf32, #tpu.memory_space<vmem>>)
      %dma_wait3A_471 = arith.constant 1280 : i32
      %dma_wait3A_472 = arith.constant 0 : i32
      %dma_wait3A_473 = tpu.memref_slice %arg14[%dma_wait3A_471, %dma_wait3A_472] : memref<2048x16xf32, #tpu.memory_space<vmem>> -> memref<128x16xf32, #tpu.memory_space<vmem>>
      %dma_wait3A_474 = arith.constant 1280 : i32
      %dma_wait3A_475 = tpu.memref_slice %arg11[%dma_wait3A_474] : memref<2048xi32, #tpu.memory_space<vmem>> -> memref<128xi32, #tpu.memory_space<vmem>>
      %dma_wait3A_476 = arith.constant 0 : i32
      %dma_wait3A_477 = arith.constant 0 : i32
      %dma_wait3A_478 = tpu.memref_slice %arg4[%dma_wait3A_476, %dma_wait3A_477] : memref<1000000x16xf32, #tpu.memory_space<hbm>> -> memref<1000000x16xf32, #tpu.memory_space<hbm>>
      tpu.wait_indirect_dma semaphore(%arg17 : memref<!tpu.dma_semaphore, #tpu.memory_space<semaphore_mem>>) src(%dma_wait3A_478 : memref<1000000x16xf32, #tpu.memory_space<hbm>>) dst(%dma_wait3A_473 : memref<128x16xf32, #tpu.memory_space<vmem>>)
      %dma_wait3A_479 = arith.constant 1280 : i32
      %dma_wait3A_480 = arith.constant 0 : i32
      %dma_wait3A_481 = tpu.memref_slice %arg15[%dma_wait3A_479, %dma_wait3A_480] : memref<2048x16xf32, #tpu.memory_space<vmem>> -> memref<128x16xf32, #tpu.memory_space<vmem>>
      %dma_wait3A_482 = arith.constant 1280 : i32
      %dma_wait3A_483 = tpu.memref_slice %arg12[%dma_wait3A_482] : memref<2048xi32, #tpu.memory_space<vmem>> -> memref<128xi32, #tpu.memory_space<vmem>>
      %dma_wait3A_484 = arith.constant 0 : i32
      %dma_wait3A_485 = arith.constant 0 : i32
      %dma_wait3A_486 = tpu.memref_slice %arg5[%dma_wait3A_484, %dma_wait3A_485] : memref<100008x16xf32, #tpu.memory_space<hbm>> -> memref<100008x16xf32, #tpu.memory_space<hbm>>
      tpu.wait_indirect_dma semaphore(%arg17 : memref<!tpu.dma_semaphore, #tpu.memory_space<semaphore_mem>>) src(%dma_wait3A_486 : memref<100008x16xf32, #tpu.memory_space<hbm>>) dst(%dma_wait3A_481 : memref<128x16xf32, #tpu.memory_space<vmem>>)
      %dma_wait3A_487 = arith.constant 1408 : i32
      %dma_wait3A_488 = arith.constant 0 : i32
      %dma_wait3A_489 = tpu.memref_slice %arg14[%dma_wait3A_487, %dma_wait3A_488] : memref<2048x16xf32, #tpu.memory_space<vmem>> -> memref<128x16xf32, #tpu.memory_space<vmem>>
      %dma_wait3A_490 = arith.constant 1408 : i32
      %dma_wait3A_491 = tpu.memref_slice %arg11[%dma_wait3A_490] : memref<2048xi32, #tpu.memory_space<vmem>> -> memref<128xi32, #tpu.memory_space<vmem>>
      %dma_wait3A_492 = arith.constant 0 : i32
      %dma_wait3A_493 = arith.constant 0 : i32
      %dma_wait3A_494 = tpu.memref_slice %arg4[%dma_wait3A_492, %dma_wait3A_493] : memref<1000000x16xf32, #tpu.memory_space<hbm>> -> memref<1000000x16xf32, #tpu.memory_space<hbm>>
      tpu.wait_indirect_dma semaphore(%arg17 : memref<!tpu.dma_semaphore, #tpu.memory_space<semaphore_mem>>) src(%dma_wait3A_494 : memref<1000000x16xf32, #tpu.memory_space<hbm>>) dst(%dma_wait3A_489 : memref<128x16xf32, #tpu.memory_space<vmem>>)
      %dma_wait3A_495 = arith.constant 1408 : i32
      %dma_wait3A_496 = arith.constant 0 : i32
      %dma_wait3A_497 = tpu.memref_slice %arg15[%dma_wait3A_495, %dma_wait3A_496] : memref<2048x16xf32, #tpu.memory_space<vmem>> -> memref<128x16xf32, #tpu.memory_space<vmem>>
      %dma_wait3A_498 = arith.constant 1408 : i32
      %dma_wait3A_499 = tpu.memref_slice %arg12[%dma_wait3A_498] : memref<2048xi32, #tpu.memory_space<vmem>> -> memref<128xi32, #tpu.memory_space<vmem>>
      %dma_wait3A_500 = arith.constant 0 : i32
      %dma_wait3A_501 = arith.constant 0 : i32
      %dma_wait3A_502 = tpu.memref_slice %arg5[%dma_wait3A_500, %dma_wait3A_501] : memref<100008x16xf32, #tpu.memory_space<hbm>> -> memref<100008x16xf32, #tpu.memory_space<hbm>>
      tpu.wait_indirect_dma semaphore(%arg17 : memref<!tpu.dma_semaphore, #tpu.memory_space<semaphore_mem>>) src(%dma_wait3A_502 : memref<100008x16xf32, #tpu.memory_space<hbm>>) dst(%dma_wait3A_497 : memref<128x16xf32, #tpu.memory_space<vmem>>)
      %dma_wait3A_503 = arith.constant 1536 : i32
      %dma_wait3A_504 = arith.constant 0 : i32
      %dma_wait3A_505 = tpu.memref_slice %arg14[%dma_wait3A_503, %dma_wait3A_504] : memref<2048x16xf32, #tpu.memory_space<vmem>> -> memref<128x16xf32, #tpu.memory_space<vmem>>
      %dma_wait3A_506 = arith.constant 1536 : i32
      %dma_wait3A_507 = tpu.memref_slice %arg11[%dma_wait3A_506] : memref<2048xi32, #tpu.memory_space<vmem>> -> memref<128xi32, #tpu.memory_space<vmem>>
      %dma_wait3A_508 = arith.constant 0 : i32
      %dma_wait3A_509 = arith.constant 0 : i32
      %dma_wait3A_510 = tpu.memref_slice %arg4[%dma_wait3A_508, %dma_wait3A_509] : memref<1000000x16xf32, #tpu.memory_space<hbm>> -> memref<1000000x16xf32, #tpu.memory_space<hbm>>
      tpu.wait_indirect_dma semaphore(%arg17 : memref<!tpu.dma_semaphore, #tpu.memory_space<semaphore_mem>>) src(%dma_wait3A_510 : memref<1000000x16xf32, #tpu.memory_space<hbm>>) dst(%dma_wait3A_505 : memref<128x16xf32, #tpu.memory_space<vmem>>)
      %dma_wait3A_511 = arith.constant 1536 : i32
      %dma_wait3A_512 = arith.constant 0 : i32
      %dma_wait3A_513 = tpu.memref_slice %arg15[%dma_wait3A_511, %dma_wait3A_512] : memref<2048x16xf32, #tpu.memory_space<vmem>> -> memref<128x16xf32, #tpu.memory_space<vmem>>
      %dma_wait3A_514 = arith.constant 1536 : i32
      %dma_wait3A_515 = tpu.memref_slice %arg12[%dma_wait3A_514] : memref<2048xi32, #tpu.memory_space<vmem>> -> memref<128xi32, #tpu.memory_space<vmem>>
      %dma_wait3A_516 = arith.constant 0 : i32
      %dma_wait3A_517 = arith.constant 0 : i32
      %dma_wait3A_518 = tpu.memref_slice %arg5[%dma_wait3A_516, %dma_wait3A_517] : memref<100008x16xf32, #tpu.memory_space<hbm>> -> memref<100008x16xf32, #tpu.memory_space<hbm>>
      tpu.wait_indirect_dma semaphore(%arg17 : memref<!tpu.dma_semaphore, #tpu.memory_space<semaphore_mem>>) src(%dma_wait3A_518 : memref<100008x16xf32, #tpu.memory_space<hbm>>) dst(%dma_wait3A_513 : memref<128x16xf32, #tpu.memory_space<vmem>>)
      %dma_wait3A_519 = arith.constant 1664 : i32
      %dma_wait3A_520 = arith.constant 0 : i32
      %dma_wait3A_521 = tpu.memref_slice %arg14[%dma_wait3A_519, %dma_wait3A_520] : memref<2048x16xf32, #tpu.memory_space<vmem>> -> memref<128x16xf32, #tpu.memory_space<vmem>>
      %dma_wait3A_522 = arith.constant 1664 : i32
      %dma_wait3A_523 = tpu.memref_slice %arg11[%dma_wait3A_522] : memref<2048xi32, #tpu.memory_space<vmem>> -> memref<128xi32, #tpu.memory_space<vmem>>
      %dma_wait3A_524 = arith.constant 0 : i32
      %dma_wait3A_525 = arith.constant 0 : i32
      %dma_wait3A_526 = tpu.memref_slice %arg4[%dma_wait3A_524, %dma_wait3A_525] : memref<1000000x16xf32, #tpu.memory_space<hbm>> -> memref<1000000x16xf32, #tpu.memory_space<hbm>>
      tpu.wait_indirect_dma semaphore(%arg17 : memref<!tpu.dma_semaphore, #tpu.memory_space<semaphore_mem>>) src(%dma_wait3A_526 : memref<1000000x16xf32, #tpu.memory_space<hbm>>) dst(%dma_wait3A_521 : memref<128x16xf32, #tpu.memory_space<vmem>>)
      %dma_wait3A_527 = arith.constant 1664 : i32
      %dma_wait3A_528 = arith.constant 0 : i32
      %dma_wait3A_529 = tpu.memref_slice %arg15[%dma_wait3A_527, %dma_wait3A_528] : memref<2048x16xf32, #tpu.memory_space<vmem>> -> memref<128x16xf32, #tpu.memory_space<vmem>>
      %dma_wait3A_530 = arith.constant 1664 : i32
      %dma_wait3A_531 = tpu.memref_slice %arg12[%dma_wait3A_530] : memref<2048xi32, #tpu.memory_space<vmem>> -> memref<128xi32, #tpu.memory_space<vmem>>
      %dma_wait3A_532 = arith.constant 0 : i32
      %dma_wait3A_533 = arith.constant 0 : i32
      %dma_wait3A_534 = tpu.memref_slice %arg5[%dma_wait3A_532, %dma_wait3A_533] : memref<100008x16xf32, #tpu.memory_space<hbm>> -> memref<100008x16xf32, #tpu.memory_space<hbm>>
      tpu.wait_indirect_dma semaphore(%arg17 : memref<!tpu.dma_semaphore, #tpu.memory_space<semaphore_mem>>) src(%dma_wait3A_534 : memref<100008x16xf32, #tpu.memory_space<hbm>>) dst(%dma_wait3A_529 : memref<128x16xf32, #tpu.memory_space<vmem>>)
      %dma_wait3A_535 = arith.constant 1792 : i32
      %dma_wait3A_536 = arith.constant 0 : i32
      %dma_wait3A_537 = tpu.memref_slice %arg14[%dma_wait3A_535, %dma_wait3A_536] : memref<2048x16xf32, #tpu.memory_space<vmem>> -> memref<128x16xf32, #tpu.memory_space<vmem>>
      %dma_wait3A_538 = arith.constant 1792 : i32
      %dma_wait3A_539 = tpu.memref_slice %arg11[%dma_wait3A_538] : memref<2048xi32, #tpu.memory_space<vmem>> -> memref<128xi32, #tpu.memory_space<vmem>>
      %dma_wait3A_540 = arith.constant 0 : i32
      %dma_wait3A_541 = arith.constant 0 : i32
      %dma_wait3A_542 = tpu.memref_slice %arg4[%dma_wait3A_540, %dma_wait3A_541] : memref<1000000x16xf32, #tpu.memory_space<hbm>> -> memref<1000000x16xf32, #tpu.memory_space<hbm>>
      tpu.wait_indirect_dma semaphore(%arg17 : memref<!tpu.dma_semaphore, #tpu.memory_space<semaphore_mem>>) src(%dma_wait3A_542 : memref<1000000x16xf32, #tpu.memory_space<hbm>>) dst(%dma_wait3A_537 : memref<128x16xf32, #tpu.memory_space<vmem>>)
      %dma_wait3A_543 = arith.constant 1792 : i32
      %dma_wait3A_544 = arith.constant 0 : i32
      %dma_wait3A_545 = tpu.memref_slice %arg15[%dma_wait3A_543, %dma_wait3A_544] : memref<2048x16xf32, #tpu.memory_space<vmem>> -> memref<128x16xf32, #tpu.memory_space<vmem>>
      %dma_wait3A_546 = arith.constant 1792 : i32
      %dma_wait3A_547 = tpu.memref_slice %arg12[%dma_wait3A_546] : memref<2048xi32, #tpu.memory_space<vmem>> -> memref<128xi32, #tpu.memory_space<vmem>>
      %dma_wait3A_548 = arith.constant 0 : i32
      %dma_wait3A_549 = arith.constant 0 : i32
      %dma_wait3A_550 = tpu.memref_slice %arg5[%dma_wait3A_548, %dma_wait3A_549] : memref<100008x16xf32, #tpu.memory_space<hbm>> -> memref<100008x16xf32, #tpu.memory_space<hbm>>
      tpu.wait_indirect_dma semaphore(%arg17 : memref<!tpu.dma_semaphore, #tpu.memory_space<semaphore_mem>>) src(%dma_wait3A_550 : memref<100008x16xf32, #tpu.memory_space<hbm>>) dst(%dma_wait3A_545 : memref<128x16xf32, #tpu.memory_space<vmem>>)
      %dma_wait3A_551 = arith.constant 1920 : i32
      %dma_wait3A_552 = arith.constant 0 : i32
      %dma_wait3A_553 = tpu.memref_slice %arg14[%dma_wait3A_551, %dma_wait3A_552] : memref<2048x16xf32, #tpu.memory_space<vmem>> -> memref<128x16xf32, #tpu.memory_space<vmem>>
      %dma_wait3A_554 = arith.constant 1920 : i32
      %dma_wait3A_555 = tpu.memref_slice %arg11[%dma_wait3A_554] : memref<2048xi32, #tpu.memory_space<vmem>> -> memref<128xi32, #tpu.memory_space<vmem>>
      %dma_wait3A_556 = arith.constant 0 : i32
      %dma_wait3A_557 = arith.constant 0 : i32
      %dma_wait3A_558 = tpu.memref_slice %arg4[%dma_wait3A_556, %dma_wait3A_557] : memref<1000000x16xf32, #tpu.memory_space<hbm>> -> memref<1000000x16xf32, #tpu.memory_space<hbm>>
      tpu.wait_indirect_dma semaphore(%arg17 : memref<!tpu.dma_semaphore, #tpu.memory_space<semaphore_mem>>) src(%dma_wait3A_558 : memref<1000000x16xf32, #tpu.memory_space<hbm>>) dst(%dma_wait3A_553 : memref<128x16xf32, #tpu.memory_space<vmem>>)
      %dma_wait3A_559 = arith.constant 1920 : i32
      %dma_wait3A_560 = arith.constant 0 : i32
      %dma_wait3A_561 = tpu.memref_slice %arg15[%dma_wait3A_559, %dma_wait3A_560] : memref<2048x16xf32, #tpu.memory_space<vmem>> -> memref<128x16xf32, #tpu.memory_space<vmem>>
      %dma_wait3A_562 = arith.constant 1920 : i32
      %dma_wait3A_563 = tpu.memref_slice %arg12[%dma_wait3A_562] : memref<2048xi32, #tpu.memory_space<vmem>> -> memref<128xi32, #tpu.memory_space<vmem>>
      %dma_wait3A_564 = arith.constant 0 : i32
      %dma_wait3A_565 = arith.constant 0 : i32
      %dma_wait3A_566 = tpu.memref_slice %arg5[%dma_wait3A_564, %dma_wait3A_565] : memref<100008x16xf32, #tpu.memory_space<hbm>> -> memref<100008x16xf32, #tpu.memory_space<hbm>>
      tpu.wait_indirect_dma semaphore(%arg17 : memref<!tpu.dma_semaphore, #tpu.memory_space<semaphore_mem>>) src(%dma_wait3A_566 : memref<100008x16xf32, #tpu.memory_space<hbm>>) dst(%dma_wait3A_561 : memref<128x16xf32, #tpu.memory_space<vmem>>)
      %dma_wait3A_567 = arith.constant 0 : i32
      %dma_wait3A_568 = arith.constant 0 : i32
      %dma_wait3A_569 = tpu.memref_slice %arg4[%dma_wait3A_567, %dma_wait3A_568] : memref<1000000x16xf32, #tpu.memory_space<hbm>> -> memref<1000000x16xf32, #tpu.memory_space<hbm>>
      tpu.wait_indirect_dma semaphore(%arg17 : memref<!tpu.dma_semaphore, #tpu.memory_space<semaphore_mem>>) src(%dma_wait3A_569 : memref<1000000x16xf32, #tpu.memory_space<hbm>>) dst(%arg16 : memref<64x16xf32, #tpu.memory_space<vmem>>)
      %mul3A_570 = arith.constant 8 : i32
      %mul3A_571 = arith.muli %add3A_11, %mul3A_570 : i32
      %run_scoped3A = arith.constant 0 : i32
      "tpu.region"() ({
        %run_scoped3A_593 = tpu.sem_alloc : memref<!tpu.dma_semaphore, #tpu.memory_space<semaphore_mem>>
        %dma_start3A_594 = arith.constant 0 : i32
        %dma_start3A_595 = arith.constant 0 : i32
        %dma_start3A_596 = tpu.memref_slice %arg14[%dma_start3A_594, %dma_start3A_595] : memref<2048x16xf32, #tpu.memory_space<vmem>> -> memref<512x16xf32, #tpu.memory_space<vmem>>
        %dma_start3A_597 = arith.constant 0 : i32
        %dma_start3A_598 = tpu.memref_slice %arg7[%run_scoped3A, %mul3A_571, %dma_start3A_597] : memref<4x131072x16xf32, #tpu.memory_space<hbm>> -> memref<1x512x16xf32, #tpu.memory_space<hbm>>
        %dma_start3A_599 = tpu.memref_squeeze %dma_start3A_598 : memref<1x512x16xf32, #tpu.memory_space<hbm>> -> memref<512x16xf32, #tpu.memory_space<hbm>>
        %dma_start3A_600 = arith.constant 0 : i32
        %dma_start3A_601 = tpu.memref_slice %arg7[%run_scoped3A, %mul3A_571, %dma_start3A_600] : memref<4x131072x16xf32, #tpu.memory_space<hbm>> -> memref<1x512x16xf32, #tpu.memory_space<hbm>>
        %dma_start3A_602 = tpu.memref_squeeze %dma_start3A_601 : memref<1x512x16xf32, #tpu.memory_space<hbm>> -> memref<512x16xf32, #tpu.memory_space<hbm>>
        %dma_start3A_603 = arith.constant 0 : i32
        %dma_start3A_604 = arith.constant 0 : i32
        %dma_start3A_605 = tpu.memref_slice %arg14[%dma_start3A_603, %dma_start3A_604] : memref<2048x16xf32, #tpu.memory_space<vmem>> -> memref<512x16xf32, #tpu.memory_space<vmem>>
        tpu.enqueue_dma source(%dma_start3A_605 : memref<512x16xf32, #tpu.memory_space<vmem>>) target(%dma_start3A_602 : memref<512x16xf32, #tpu.memory_space<hbm>>) target_semaphore(%run_scoped3A_593 : memref<!tpu.dma_semaphore, #tpu.memory_space<semaphore_mem>>)
        %dma_wait3A_606 = arith.constant 0 : i32
        %dma_wait3A_607 = arith.constant 0 : i32
        %dma_wait3A_608 = tpu.memref_slice %arg14[%dma_wait3A_606, %dma_wait3A_607] : memref<2048x16xf32, #tpu.memory_space<vmem>> -> memref<512x16xf32, #tpu.memory_space<vmem>>
        %dma_wait3A_609 = arith.constant 0 : i32
        %dma_wait3A_610 = tpu.memref_slice %arg7[%run_scoped3A, %mul3A_571, %dma_wait3A_609] : memref<4x131072x16xf32, #tpu.memory_space<hbm>> -> memref<1x512x16xf32, #tpu.memory_space<hbm>>
        %dma_wait3A_611 = tpu.memref_squeeze %dma_wait3A_610 : memref<1x512x16xf32, #tpu.memory_space<hbm>> -> memref<512x16xf32, #tpu.memory_space<hbm>>
        %dma_wait3A_612 = arith.constant 0 : i32
        %dma_wait3A_613 = tpu.memref_slice %arg7[%run_scoped3A, %mul3A_571, %dma_wait3A_612] : memref<4x131072x16xf32, #tpu.memory_space<hbm>> -> memref<1x512x16xf32, #tpu.memory_space<hbm>>
        %dma_wait3A_614 = tpu.memref_squeeze %dma_wait3A_613 : memref<1x512x16xf32, #tpu.memory_space<hbm>> -> memref<512x16xf32, #tpu.memory_space<hbm>>
        %dma_wait3A_615 = arith.constant 0 : i32
        %dma_wait3A_616 = arith.constant 0 : i32
        %dma_wait3A_617 = tpu.memref_slice %arg14[%dma_wait3A_615, %dma_wait3A_616] : memref<2048x16xf32, #tpu.memory_space<vmem>> -> memref<512x16xf32, #tpu.memory_space<vmem>>
        tpu.wait_dma2 semaphore(%run_scoped3A_593 : memref<!tpu.dma_semaphore, #tpu.memory_space<semaphore_mem>>) src(%dma_wait3A_617 : memref<512x16xf32, #tpu.memory_space<vmem>>) dst(%dma_wait3A_614 : memref<512x16xf32, #tpu.memory_space<hbm>>)
        tpu.yield
      }) : () -> ()
      %mul3A_572 = arith.constant 8 : i32
      %mul3A_573 = arith.muli %add3A_11, %mul3A_572 : i32
      %run_scoped3A_574 = arith.constant 0 : i32
      "tpu.region"() ({
        %run_scoped3A_593 = tpu.sem_alloc : memref<!tpu.dma_semaphore, #tpu.memory_space<semaphore_mem>>
        %dma_start3A_594 = arith.constant 0 : i32
        %dma_start3A_595 = arith.constant 0 : i32
        %dma_start3A_596 = tpu.memref_slice %arg15[%dma_start3A_594, %dma_start3A_595] : memref<2048x16xf32, #tpu.memory_space<vmem>> -> memref<512x16xf32, #tpu.memory_space<vmem>>
        %dma_start3A_597 = arith.constant 0 : i32
        %dma_start3A_598 = tpu.memref_slice %arg8[%run_scoped3A_574, %mul3A_573, %dma_start3A_597] : memref<4x131072x16xf32, #tpu.memory_space<hbm>> -> memref<1x512x16xf32, #tpu.memory_space<hbm>>
        %dma_start3A_599 = tpu.memref_squeeze %dma_start3A_598 : memref<1x512x16xf32, #tpu.memory_space<hbm>> -> memref<512x16xf32, #tpu.memory_space<hbm>>
        %dma_start3A_600 = arith.constant 0 : i32
        %dma_start3A_601 = tpu.memref_slice %arg8[%run_scoped3A_574, %mul3A_573, %dma_start3A_600] : memref<4x131072x16xf32, #tpu.memory_space<hbm>> -> memref<1x512x16xf32, #tpu.memory_space<hbm>>
        %dma_start3A_602 = tpu.memref_squeeze %dma_start3A_601 : memref<1x512x16xf32, #tpu.memory_space<hbm>> -> memref<512x16xf32, #tpu.memory_space<hbm>>
        %dma_start3A_603 = arith.constant 0 : i32
        %dma_start3A_604 = arith.constant 0 : i32
        %dma_start3A_605 = tpu.memref_slice %arg15[%dma_start3A_603, %dma_start3A_604] : memref<2048x16xf32, #tpu.memory_space<vmem>> -> memref<512x16xf32, #tpu.memory_space<vmem>>
        tpu.enqueue_dma source(%dma_start3A_605 : memref<512x16xf32, #tpu.memory_space<vmem>>) target(%dma_start3A_602 : memref<512x16xf32, #tpu.memory_space<hbm>>) target_semaphore(%run_scoped3A_593 : memref<!tpu.dma_semaphore, #tpu.memory_space<semaphore_mem>>)
        %dma_wait3A_606 = arith.constant 0 : i32
        %dma_wait3A_607 = arith.constant 0 : i32
        %dma_wait3A_608 = tpu.memref_slice %arg15[%dma_wait3A_606, %dma_wait3A_607] : memref<2048x16xf32, #tpu.memory_space<vmem>> -> memref<512x16xf32, #tpu.memory_space<vmem>>
        %dma_wait3A_609 = arith.constant 0 : i32
        %dma_wait3A_610 = tpu.memref_slice %arg8[%run_scoped3A_574, %mul3A_573, %dma_wait3A_609] : memref<4x131072x16xf32, #tpu.memory_space<hbm>> -> memref<1x512x16xf32, #tpu.memory_space<hbm>>
        %dma_wait3A_611 = tpu.memref_squeeze %dma_wait3A_610 : memref<1x512x16xf32, #tpu.memory_space<hbm>> -> memref<512x16xf32, #tpu.memory_space<hbm>>
        %dma_wait3A_612 = arith.constant 0 : i32
        %dma_wait3A_613 = tpu.memref_slice %arg8[%run_scoped3A_574, %mul3A_573, %dma_wait3A_612] : memref<4x131072x16xf32, #tpu.memory_space<hbm>> -> memref<1x512x16xf32, #tpu.memory_space<hbm>>
        %dma_wait3A_614 = tpu.memref_squeeze %dma_wait3A_613 : memref<1x512x16xf32, #tpu.memory_space<hbm>> -> memref<512x16xf32, #tpu.memory_space<hbm>>
        %dma_wait3A_615 = arith.constant 0 : i32
        %dma_wait3A_616 = arith.constant 0 : i32
        %dma_wait3A_617 = tpu.memref_slice %arg15[%dma_wait3A_615, %dma_wait3A_616] : memref<2048x16xf32, #tpu.memory_space<vmem>> -> memref<512x16xf32, #tpu.memory_space<vmem>>
        tpu.wait_dma2 semaphore(%run_scoped3A_593 : memref<!tpu.dma_semaphore, #tpu.memory_space<semaphore_mem>>) src(%dma_wait3A_617 : memref<512x16xf32, #tpu.memory_space<vmem>>) dst(%dma_wait3A_614 : memref<512x16xf32, #tpu.memory_space<hbm>>)
        tpu.yield
      }) : () -> ()
      %mul3A_575 = arith.constant 8 : i32
      %mul3A_576 = arith.muli %add3A_11, %mul3A_575 : i32
      %run_scoped3A_577 = arith.constant 1 : i32
      "tpu.region"() ({
        %run_scoped3A_593 = tpu.sem_alloc : memref<!tpu.dma_semaphore, #tpu.memory_space<semaphore_mem>>
        %dma_start3A_594 = arith.constant 512 : i32
        %dma_start3A_595 = arith.constant 0 : i32
        %dma_start3A_596 = tpu.memref_slice %arg14[%dma_start3A_594, %dma_start3A_595] : memref<2048x16xf32, #tpu.memory_space<vmem>> -> memref<512x16xf32, #tpu.memory_space<vmem>>
        %dma_start3A_597 = arith.constant 0 : i32
        %dma_start3A_598 = tpu.memref_slice %arg7[%run_scoped3A_577, %mul3A_576, %dma_start3A_597] : memref<4x131072x16xf32, #tpu.memory_space<hbm>> -> memref<1x512x16xf32, #tpu.memory_space<hbm>>
        %dma_start3A_599 = tpu.memref_squeeze %dma_start3A_598 : memref<1x512x16xf32, #tpu.memory_space<hbm>> -> memref<512x16xf32, #tpu.memory_space<hbm>>
        %dma_start3A_600 = arith.constant 0 : i32
        %dma_start3A_601 = tpu.memref_slice %arg7[%run_scoped3A_577, %mul3A_576, %dma_start3A_600] : memref<4x131072x16xf32, #tpu.memory_space<hbm>> -> memref<1x512x16xf32, #tpu.memory_space<hbm>>
        %dma_start3A_602 = tpu.memref_squeeze %dma_start3A_601 : memref<1x512x16xf32, #tpu.memory_space<hbm>> -> memref<512x16xf32, #tpu.memory_space<hbm>>
        %dma_start3A_603 = arith.constant 512 : i32
        %dma_start3A_604 = arith.constant 0 : i32
        %dma_start3A_605 = tpu.memref_slice %arg14[%dma_start3A_603, %dma_start3A_604] : memref<2048x16xf32, #tpu.memory_space<vmem>> -> memref<512x16xf32, #tpu.memory_space<vmem>>
        tpu.enqueue_dma source(%dma_start3A_605 : memref<512x16xf32, #tpu.memory_space<vmem>>) target(%dma_start3A_602 : memref<512x16xf32, #tpu.memory_space<hbm>>) target_semaphore(%run_scoped3A_593 : memref<!tpu.dma_semaphore, #tpu.memory_space<semaphore_mem>>)
        %dma_wait3A_606 = arith.constant 512 : i32
        %dma_wait3A_607 = arith.constant 0 : i32
        %dma_wait3A_608 = tpu.memref_slice %arg14[%dma_wait3A_606, %dma_wait3A_607] : memref<2048x16xf32, #tpu.memory_space<vmem>> -> memref<512x16xf32, #tpu.memory_space<vmem>>
        %dma_wait3A_609 = arith.constant 0 : i32
        %dma_wait3A_610 = tpu.memref_slice %arg7[%run_scoped3A_577, %mul3A_576, %dma_wait3A_609] : memref<4x131072x16xf32, #tpu.memory_space<hbm>> -> memref<1x512x16xf32, #tpu.memory_space<hbm>>
        %dma_wait3A_611 = tpu.memref_squeeze %dma_wait3A_610 : memref<1x512x16xf32, #tpu.memory_space<hbm>> -> memref<512x16xf32, #tpu.memory_space<hbm>>
        %dma_wait3A_612 = arith.constant 0 : i32
        %dma_wait3A_613 = tpu.memref_slice %arg7[%run_scoped3A_577, %mul3A_576, %dma_wait3A_612] : memref<4x131072x16xf32, #tpu.memory_space<hbm>> -> memref<1x512x16xf32, #tpu.memory_space<hbm>>
        %dma_wait3A_614 = tpu.memref_squeeze %dma_wait3A_613 : memref<1x512x16xf32, #tpu.memory_space<hbm>> -> memref<512x16xf32, #tpu.memory_space<hbm>>
        %dma_wait3A_615 = arith.constant 512 : i32
        %dma_wait3A_616 = arith.constant 0 : i32
        %dma_wait3A_617 = tpu.memref_slice %arg14[%dma_wait3A_615, %dma_wait3A_616] : memref<2048x16xf32, #tpu.memory_space<vmem>> -> memref<512x16xf32, #tpu.memory_space<vmem>>
        tpu.wait_dma2 semaphore(%run_scoped3A_593 : memref<!tpu.dma_semaphore, #tpu.memory_space<semaphore_mem>>) src(%dma_wait3A_617 : memref<512x16xf32, #tpu.memory_space<vmem>>) dst(%dma_wait3A_614 : memref<512x16xf32, #tpu.memory_space<hbm>>)
        tpu.yield
      }) : () -> ()
      %mul3A_578 = arith.constant 8 : i32
      %mul3A_579 = arith.muli %add3A_11, %mul3A_578 : i32
      %run_scoped3A_580 = arith.constant 1 : i32
      "tpu.region"() ({
        %run_scoped3A_593 = tpu.sem_alloc : memref<!tpu.dma_semaphore, #tpu.memory_space<semaphore_mem>>
        %dma_start3A_594 = arith.constant 512 : i32
        %dma_start3A_595 = arith.constant 0 : i32
        %dma_start3A_596 = tpu.memref_slice %arg15[%dma_start3A_594, %dma_start3A_595] : memref<2048x16xf32, #tpu.memory_space<vmem>> -> memref<512x16xf32, #tpu.memory_space<vmem>>
        %dma_start3A_597 = arith.constant 0 : i32
        %dma_start3A_598 = tpu.memref_slice %arg8[%run_scoped3A_580, %mul3A_579, %dma_start3A_597] : memref<4x131072x16xf32, #tpu.memory_space<hbm>> -> memref<1x512x16xf32, #tpu.memory_space<hbm>>
        %dma_start3A_599 = tpu.memref_squeeze %dma_start3A_598 : memref<1x512x16xf32, #tpu.memory_space<hbm>> -> memref<512x16xf32, #tpu.memory_space<hbm>>
        %dma_start3A_600 = arith.constant 0 : i32
        %dma_start3A_601 = tpu.memref_slice %arg8[%run_scoped3A_580, %mul3A_579, %dma_start3A_600] : memref<4x131072x16xf32, #tpu.memory_space<hbm>> -> memref<1x512x16xf32, #tpu.memory_space<hbm>>
        %dma_start3A_602 = tpu.memref_squeeze %dma_start3A_601 : memref<1x512x16xf32, #tpu.memory_space<hbm>> -> memref<512x16xf32, #tpu.memory_space<hbm>>
        %dma_start3A_603 = arith.constant 512 : i32
        %dma_start3A_604 = arith.constant 0 : i32
        %dma_start3A_605 = tpu.memref_slice %arg15[%dma_start3A_603, %dma_start3A_604] : memref<2048x16xf32, #tpu.memory_space<vmem>> -> memref<512x16xf32, #tpu.memory_space<vmem>>
        tpu.enqueue_dma source(%dma_start3A_605 : memref<512x16xf32, #tpu.memory_space<vmem>>) target(%dma_start3A_602 : memref<512x16xf32, #tpu.memory_space<hbm>>) target_semaphore(%run_scoped3A_593 : memref<!tpu.dma_semaphore, #tpu.memory_space<semaphore_mem>>)
        %dma_wait3A_606 = arith.constant 512 : i32
        %dma_wait3A_607 = arith.constant 0 : i32
        %dma_wait3A_608 = tpu.memref_slice %arg15[%dma_wait3A_606, %dma_wait3A_607] : memref<2048x16xf32, #tpu.memory_space<vmem>> -> memref<512x16xf32, #tpu.memory_space<vmem>>
        %dma_wait3A_609 = arith.constant 0 : i32
        %dma_wait3A_610 = tpu.memref_slice %arg8[%run_scoped3A_580, %mul3A_579, %dma_wait3A_609] : memref<4x131072x16xf32, #tpu.memory_space<hbm>> -> memref<1x512x16xf32, #tpu.memory_space<hbm>>
        %dma_wait3A_611 = tpu.memref_squeeze %dma_wait3A_610 : memref<1x512x16xf32, #tpu.memory_space<hbm>> -> memref<512x16xf32, #tpu.memory_space<hbm>>
        %dma_wait3A_612 = arith.constant 0 : i32
        %dma_wait3A_613 = tpu.memref_slice %arg8[%run_scoped3A_580, %mul3A_579, %dma_wait3A_612] : memref<4x131072x16xf32, #tpu.memory_space<hbm>> -> memref<1x512x16xf32, #tpu.memory_space<hbm>>
        %dma_wait3A_614 = tpu.memref_squeeze %dma_wait3A_613 : memref<1x512x16xf32, #tpu.memory_space<hbm>> -> memref<512x16xf32, #tpu.memory_space<hbm>>
        %dma_wait3A_615 = arith.constant 512 : i32
        %dma_wait3A_616 = arith.constant 0 : i32
        %dma_wait3A_617 = tpu.memref_slice %arg15[%dma_wait3A_615, %dma_wait3A_616] : memref<2048x16xf32, #tpu.memory_space<vmem>> -> memref<512x16xf32, #tpu.memory_space<vmem>>
        tpu.wait_dma2 semaphore(%run_scoped3A_593 : memref<!tpu.dma_semaphore, #tpu.memory_space<semaphore_mem>>) src(%dma_wait3A_617 : memref<512x16xf32, #tpu.memory_space<vmem>>) dst(%dma_wait3A_614 : memref<512x16xf32, #tpu.memory_space<hbm>>)
        tpu.yield
      }) : () -> ()
      %mul3A_581 = arith.constant 8 : i32
      %mul3A_582 = arith.muli %add3A_11, %mul3A_581 : i32
      %run_scoped3A_583 = arith.constant 2 : i32
      "tpu.region"() ({
        %run_scoped3A_593 = tpu.sem_alloc : memref<!tpu.dma_semaphore, #tpu.memory_space<semaphore_mem>>
        %dma_start3A_594 = arith.constant 1024 : i32
        %dma_start3A_595 = arith.constant 0 : i32
        %dma_start3A_596 = tpu.memref_slice %arg14[%dma_start3A_594, %dma_start3A_595] : memref<2048x16xf32, #tpu.memory_space<vmem>> -> memref<512x16xf32, #tpu.memory_space<vmem>>
        %dma_start3A_597 = arith.constant 0 : i32
        %dma_start3A_598 = tpu.memref_slice %arg7[%run_scoped3A_583, %mul3A_582, %dma_start3A_597] : memref<4x131072x16xf32, #tpu.memory_space<hbm>> -> memref<1x512x16xf32, #tpu.memory_space<hbm>>
        %dma_start3A_599 = tpu.memref_squeeze %dma_start3A_598 : memref<1x512x16xf32, #tpu.memory_space<hbm>> -> memref<512x16xf32, #tpu.memory_space<hbm>>
        %dma_start3A_600 = arith.constant 0 : i32
        %dma_start3A_601 = tpu.memref_slice %arg7[%run_scoped3A_583, %mul3A_582, %dma_start3A_600] : memref<4x131072x16xf32, #tpu.memory_space<hbm>> -> memref<1x512x16xf32, #tpu.memory_space<hbm>>
        %dma_start3A_602 = tpu.memref_squeeze %dma_start3A_601 : memref<1x512x16xf32, #tpu.memory_space<hbm>> -> memref<512x16xf32, #tpu.memory_space<hbm>>
        %dma_start3A_603 = arith.constant 1024 : i32
        %dma_start3A_604 = arith.constant 0 : i32
        %dma_start3A_605 = tpu.memref_slice %arg14[%dma_start3A_603, %dma_start3A_604] : memref<2048x16xf32, #tpu.memory_space<vmem>> -> memref<512x16xf32, #tpu.memory_space<vmem>>
        tpu.enqueue_dma source(%dma_start3A_605 : memref<512x16xf32, #tpu.memory_space<vmem>>) target(%dma_start3A_602 : memref<512x16xf32, #tpu.memory_space<hbm>>) target_semaphore(%run_scoped3A_593 : memref<!tpu.dma_semaphore, #tpu.memory_space<semaphore_mem>>)
        %dma_wait3A_606 = arith.constant 1024 : i32
        %dma_wait3A_607 = arith.constant 0 : i32
        %dma_wait3A_608 = tpu.memref_slice %arg14[%dma_wait3A_606, %dma_wait3A_607] : memref<2048x16xf32, #tpu.memory_space<vmem>> -> memref<512x16xf32, #tpu.memory_space<vmem>>
        %dma_wait3A_609 = arith.constant 0 : i32
        %dma_wait3A_610 = tpu.memref_slice %arg7[%run_scoped3A_583, %mul3A_582, %dma_wait3A_609] : memref<4x131072x16xf32, #tpu.memory_space<hbm>> -> memref<1x512x16xf32, #tpu.memory_space<hbm>>
        %dma_wait3A_611 = tpu.memref_squeeze %dma_wait3A_610 : memref<1x512x16xf32, #tpu.memory_space<hbm>> -> memref<512x16xf32, #tpu.memory_space<hbm>>
        %dma_wait3A_612 = arith.constant 0 : i32
        %dma_wait3A_613 = tpu.memref_slice %arg7[%run_scoped3A_583, %mul3A_582, %dma_wait3A_612] : memref<4x131072x16xf32, #tpu.memory_space<hbm>> -> memref<1x512x16xf32, #tpu.memory_space<hbm>>
        %dma_wait3A_614 = tpu.memref_squeeze %dma_wait3A_613 : memref<1x512x16xf32, #tpu.memory_space<hbm>> -> memref<512x16xf32, #tpu.memory_space<hbm>>
        %dma_wait3A_615 = arith.constant 1024 : i32
        %dma_wait3A_616 = arith.constant 0 : i32
        %dma_wait3A_617 = tpu.memref_slice %arg14[%dma_wait3A_615, %dma_wait3A_616] : memref<2048x16xf32, #tpu.memory_space<vmem>> -> memref<512x16xf32, #tpu.memory_space<vmem>>
        tpu.wait_dma2 semaphore(%run_scoped3A_593 : memref<!tpu.dma_semaphore, #tpu.memory_space<semaphore_mem>>) src(%dma_wait3A_617 : memref<512x16xf32, #tpu.memory_space<vmem>>) dst(%dma_wait3A_614 : memref<512x16xf32, #tpu.memory_space<hbm>>)
        tpu.yield
      }) : () -> ()
      %mul3A_584 = arith.constant 8 : i32
      %mul3A_585 = arith.muli %add3A_11, %mul3A_584 : i32
      %run_scoped3A_586 = arith.constant 2 : i32
      "tpu.region"() ({
        %run_scoped3A_593 = tpu.sem_alloc : memref<!tpu.dma_semaphore, #tpu.memory_space<semaphore_mem>>
        %dma_start3A_594 = arith.constant 1024 : i32
        %dma_start3A_595 = arith.constant 0 : i32
        %dma_start3A_596 = tpu.memref_slice %arg15[%dma_start3A_594, %dma_start3A_595] : memref<2048x16xf32, #tpu.memory_space<vmem>> -> memref<512x16xf32, #tpu.memory_space<vmem>>
        %dma_start3A_597 = arith.constant 0 : i32
        %dma_start3A_598 = tpu.memref_slice %arg8[%run_scoped3A_586, %mul3A_585, %dma_start3A_597] : memref<4x131072x16xf32, #tpu.memory_space<hbm>> -> memref<1x512x16xf32, #tpu.memory_space<hbm>>
        %dma_start3A_599 = tpu.memref_squeeze %dma_start3A_598 : memref<1x512x16xf32, #tpu.memory_space<hbm>> -> memref<512x16xf32, #tpu.memory_space<hbm>>
        %dma_start3A_600 = arith.constant 0 : i32
        %dma_start3A_601 = tpu.memref_slice %arg8[%run_scoped3A_586, %mul3A_585, %dma_start3A_600] : memref<4x131072x16xf32, #tpu.memory_space<hbm>> -> memref<1x512x16xf32, #tpu.memory_space<hbm>>
        %dma_start3A_602 = tpu.memref_squeeze %dma_start3A_601 : memref<1x512x16xf32, #tpu.memory_space<hbm>> -> memref<512x16xf32, #tpu.memory_space<hbm>>
        %dma_start3A_603 = arith.constant 1024 : i32
        %dma_start3A_604 = arith.constant 0 : i32
        %dma_start3A_605 = tpu.memref_slice %arg15[%dma_start3A_603, %dma_start3A_604] : memref<2048x16xf32, #tpu.memory_space<vmem>> -> memref<512x16xf32, #tpu.memory_space<vmem>>
        tpu.enqueue_dma source(%dma_start3A_605 : memref<512x16xf32, #tpu.memory_space<vmem>>) target(%dma_start3A_602 : memref<512x16xf32, #tpu.memory_space<hbm>>) target_semaphore(%run_scoped3A_593 : memref<!tpu.dma_semaphore, #tpu.memory_space<semaphore_mem>>)
        %dma_wait3A_606 = arith.constant 1024 : i32
        %dma_wait3A_607 = arith.constant 0 : i32
        %dma_wait3A_608 = tpu.memref_slice %arg15[%dma_wait3A_606, %dma_wait3A_607] : memref<2048x16xf32, #tpu.memory_space<vmem>> -> memref<512x16xf32, #tpu.memory_space<vmem>>
        %dma_wait3A_609 = arith.constant 0 : i32
        %dma_wait3A_610 = tpu.memref_slice %arg8[%run_scoped3A_586, %mul3A_585, %dma_wait3A_609] : memref<4x131072x16xf32, #tpu.memory_space<hbm>> -> memref<1x512x16xf32, #tpu.memory_space<hbm>>
        %dma_wait3A_611 = tpu.memref_squeeze %dma_wait3A_610 : memref<1x512x16xf32, #tpu.memory_space<hbm>> -> memref<512x16xf32, #tpu.memory_space<hbm>>
        %dma_wait3A_612 = arith.constant 0 : i32
        %dma_wait3A_613 = tpu.memref_slice %arg8[%run_scoped3A_586, %mul3A_585, %dma_wait3A_612] : memref<4x131072x16xf32, #tpu.memory_space<hbm>> -> memref<1x512x16xf32, #tpu.memory_space<hbm>>
        %dma_wait3A_614 = tpu.memref_squeeze %dma_wait3A_613 : memref<1x512x16xf32, #tpu.memory_space<hbm>> -> memref<512x16xf32, #tpu.memory_space<hbm>>
        %dma_wait3A_615 = arith.constant 1024 : i32
        %dma_wait3A_616 = arith.constant 0 : i32
        %dma_wait3A_617 = tpu.memref_slice %arg15[%dma_wait3A_615, %dma_wait3A_616] : memref<2048x16xf32, #tpu.memory_space<vmem>> -> memref<512x16xf32, #tpu.memory_space<vmem>>
        tpu.wait_dma2 semaphore(%run_scoped3A_593 : memref<!tpu.dma_semaphore, #tpu.memory_space<semaphore_mem>>) src(%dma_wait3A_617 : memref<512x16xf32, #tpu.memory_space<vmem>>) dst(%dma_wait3A_614 : memref<512x16xf32, #tpu.memory_space<hbm>>)
        tpu.yield
      }) : () -> ()
      %mul3A_587 = arith.constant 8 : i32
      %mul3A_588 = arith.muli %add3A_11, %mul3A_587 : i32
      %run_scoped3A_589 = arith.constant 3 : i32
      "tpu.region"() ({
        %run_scoped3A_593 = tpu.sem_alloc : memref<!tpu.dma_semaphore, #tpu.memory_space<semaphore_mem>>
        %dma_start3A_594 = arith.constant 1536 : i32
        %dma_start3A_595 = arith.constant 0 : i32
        %dma_start3A_596 = tpu.memref_slice %arg14[%dma_start3A_594, %dma_start3A_595] : memref<2048x16xf32, #tpu.memory_space<vmem>> -> memref<512x16xf32, #tpu.memory_space<vmem>>
        %dma_start3A_597 = arith.constant 0 : i32
        %dma_start3A_598 = tpu.memref_slice %arg7[%run_scoped3A_589, %mul3A_588, %dma_start3A_597] : memref<4x131072x16xf32, #tpu.memory_space<hbm>> -> memref<1x512x16xf32, #tpu.memory_space<hbm>>
        %dma_start3A_599 = tpu.memref_squeeze %dma_start3A_598 : memref<1x512x16xf32, #tpu.memory_space<hbm>> -> memref<512x16xf32, #tpu.memory_space<hbm>>
        %dma_start3A_600 = arith.constant 0 : i32
        %dma_start3A_601 = tpu.memref_slice %arg7[%run_scoped3A_589, %mul3A_588, %dma_start3A_600] : memref<4x131072x16xf32, #tpu.memory_space<hbm>> -> memref<1x512x16xf32, #tpu.memory_space<hbm>>
        %dma_start3A_602 = tpu.memref_squeeze %dma_start3A_601 : memref<1x512x16xf32, #tpu.memory_space<hbm>> -> memref<512x16xf32, #tpu.memory_space<hbm>>
        %dma_start3A_603 = arith.constant 1536 : i32
        %dma_start3A_604 = arith.constant 0 : i32
        %dma_start3A_605 = tpu.memref_slice %arg14[%dma_start3A_603, %dma_start3A_604] : memref<2048x16xf32, #tpu.memory_space<vmem>> -> memref<512x16xf32, #tpu.memory_space<vmem>>
        tpu.enqueue_dma source(%dma_start3A_605 : memref<512x16xf32, #tpu.memory_space<vmem>>) target(%dma_start3A_602 : memref<512x16xf32, #tpu.memory_space<hbm>>) target_semaphore(%run_scoped3A_593 : memref<!tpu.dma_semaphore, #tpu.memory_space<semaphore_mem>>)
        %dma_wait3A_606 = arith.constant 1536 : i32
        %dma_wait3A_607 = arith.constant 0 : i32
        %dma_wait3A_608 = tpu.memref_slice %arg14[%dma_wait3A_606, %dma_wait3A_607] : memref<2048x16xf32, #tpu.memory_space<vmem>> -> memref<512x16xf32, #tpu.memory_space<vmem>>
        %dma_wait3A_609 = arith.constant 0 : i32
        %dma_wait3A_610 = tpu.memref_slice %arg7[%run_scoped3A_589, %mul3A_588, %dma_wait3A_609] : memref<4x131072x16xf32, #tpu.memory_space<hbm>> -> memref<1x512x16xf32, #tpu.memory_space<hbm>>
        %dma_wait3A_611 = tpu.memref_squeeze %dma_wait3A_610 : memref<1x512x16xf32, #tpu.memory_space<hbm>> -> memref<512x16xf32, #tpu.memory_space<hbm>>
        %dma_wait3A_612 = arith.constant 0 : i32
        %dma_wait3A_613 = tpu.memref_slice %arg7[%run_scoped3A_589, %mul3A_588, %dma_wait3A_612] : memref<4x131072x16xf32, #tpu.memory_space<hbm>> -> memref<1x512x16xf32, #tpu.memory_space<hbm>>
        %dma_wait3A_614 = tpu.memref_squeeze %dma_wait3A_613 : memref<1x512x16xf32, #tpu.memory_space<hbm>> -> memref<512x16xf32, #tpu.memory_space<hbm>>
        %dma_wait3A_615 = arith.constant 1536 : i32
        %dma_wait3A_616 = arith.constant 0 : i32
        %dma_wait3A_617 = tpu.memref_slice %arg14[%dma_wait3A_615, %dma_wait3A_616] : memref<2048x16xf32, #tpu.memory_space<vmem>> -> memref<512x16xf32, #tpu.memory_space<vmem>>
        tpu.wait_dma2 semaphore(%run_scoped3A_593 : memref<!tpu.dma_semaphore, #tpu.memory_space<semaphore_mem>>) src(%dma_wait3A_617 : memref<512x16xf32, #tpu.memory_space<vmem>>) dst(%dma_wait3A_614 : memref<512x16xf32, #tpu.memory_space<hbm>>)
        tpu.yield
      }) : () -> ()
      %mul3A_590 = arith.constant 8 : i32
      %mul3A_591 = arith.muli %add3A_11, %mul3A_590 : i32
      %run_scoped3A_592 = arith.constant 3 : i32
      "tpu.region"() ({
        %run_scoped3A_593 = tpu.sem_alloc : memref<!tpu.dma_semaphore, #tpu.memory_space<semaphore_mem>>
        %dma_start3A_594 = arith.constant 1536 : i32
        %dma_start3A_595 = arith.constant 0 : i32
        %dma_start3A_596 = tpu.memref_slice %arg15[%dma_start3A_594, %dma_start3A_595] : memref<2048x16xf32, #tpu.memory_space<vmem>> -> memref<512x16xf32, #tpu.memory_space<vmem>>
        %dma_start3A_597 = arith.constant 0 : i32
        %dma_start3A_598 = tpu.memref_slice %arg8[%run_scoped3A_592, %mul3A_591, %dma_start3A_597] : memref<4x131072x16xf32, #tpu.memory_space<hbm>> -> memref<1x512x16xf32, #tpu.memory_space<hbm>>
        %dma_start3A_599 = tpu.memref_squeeze %dma_start3A_598 : memref<1x512x16xf32, #tpu.memory_space<hbm>> -> memref<512x16xf32, #tpu.memory_space<hbm>>
        %dma_start3A_600 = arith.constant 0 : i32
        %dma_start3A_601 = tpu.memref_slice %arg8[%run_scoped3A_592, %mul3A_591, %dma_start3A_600] : memref<4x131072x16xf32, #tpu.memory_space<hbm>> -> memref<1x512x16xf32, #tpu.memory_space<hbm>>
        %dma_start3A_602 = tpu.memref_squeeze %dma_start3A_601 : memref<1x512x16xf32, #tpu.memory_space<hbm>> -> memref<512x16xf32, #tpu.memory_space<hbm>>
        %dma_start3A_603 = arith.constant 1536 : i32
        %dma_start3A_604 = arith.constant 0 : i32
        %dma_start3A_605 = tpu.memref_slice %arg15[%dma_start3A_603, %dma_start3A_604] : memref<2048x16xf32, #tpu.memory_space<vmem>> -> memref<512x16xf32, #tpu.memory_space<vmem>>
        tpu.enqueue_dma source(%dma_start3A_605 : memref<512x16xf32, #tpu.memory_space<vmem>>) target(%dma_start3A_602 : memref<512x16xf32, #tpu.memory_space<hbm>>) target_semaphore(%run_scoped3A_593 : memref<!tpu.dma_semaphore, #tpu.memory_space<semaphore_mem>>)
        %dma_wait3A_606 = arith.constant 1536 : i32
        %dma_wait3A_607 = arith.constant 0 : i32
        %dma_wait3A_608 = tpu.memref_slice %arg15[%dma_wait3A_606, %dma_wait3A_607] : memref<2048x16xf32, #tpu.memory_space<vmem>> -> memref<512x16xf32, #tpu.memory_space<vmem>>
        %dma_wait3A_609 = arith.constant 0 : i32
        %dma_wait3A_610 = tpu.memref_slice %arg8[%run_scoped3A_592, %mul3A_591, %dma_wait3A_609] : memref<4x131072x16xf32, #tpu.memory_space<hbm>> -> memref<1x512x16xf32, #tpu.memory_space<hbm>>
        %dma_wait3A_611 = tpu.memref_squeeze %dma_wait3A_610 : memref<1x512x16xf32, #tpu.memory_space<hbm>> -> memref<512x16xf32, #tpu.memory_space<hbm>>
        %dma_wait3A_612 = arith.constant 0 : i32
        %dma_wait3A_613 = tpu.memref_slice %arg8[%run_scoped3A_592, %mul3A_591, %dma_wait3A_612] : memref<4x131072x16xf32, #tpu.memory_space<hbm>> -> memref<1x512x16xf32, #tpu.memory_space<hbm>>
        %dma_wait3A_614 = tpu.memref_squeeze %dma_wait3A_613 : memref<1x512x16xf32, #tpu.memory_space<hbm>> -> memref<512x16xf32, #tpu.memory_space<hbm>>
        %dma_wait3A_615 = arith.constant 1536 : i32
        %dma_wait3A_616 = arith.constant 0 : i32
        %dma_wait3A_617 = tpu.memref_slice %arg15[%dma_wait3A_615, %dma_wait3A_616] : memref<2048x16xf32, #tpu.memory_space<vmem>> -> memref<512x16xf32, #tpu.memory_space<vmem>>
        tpu.wait_dma2 semaphore(%run_scoped3A_593 : memref<!tpu.dma_semaphore, #tpu.memory_space<semaphore_mem>>) src(%dma_wait3A_617 : memref<512x16xf32, #tpu.memory_space<vmem>>) dst(%dma_wait3A_614 : memref<512x16xf32, #tpu.memory_space<hbm>>)
        tpu.yield
      }) : () -> ()
      "tpu.region"() ({
        %run_scoped3A_593 = tpu.sem_alloc : memref<!tpu.dma_semaphore, #tpu.memory_space<semaphore_mem>>
        %dma_start3A_594 = arith.constant 0 : i32
        %dma_start3A_595 = tpu.memref_slice %arg6[%add3A_11, %dma_start3A_594] : memref<16384x16xf32, #tpu.memory_space<hbm>> -> memref<64x16xf32, #tpu.memory_space<hbm>>
        %dma_start3A_596 = arith.constant 0 : i32
        %dma_start3A_597 = tpu.memref_slice %arg6[%add3A_11, %dma_start3A_596] : memref<16384x16xf32, #tpu.memory_space<hbm>> -> memref<64x16xf32, #tpu.memory_space<hbm>>
        tpu.enqueue_dma source(%arg16 : memref<64x16xf32, #tpu.memory_space<vmem>>) target(%dma_start3A_597 : memref<64x16xf32, #tpu.memory_space<hbm>>) target_semaphore(%run_scoped3A_593 : memref<!tpu.dma_semaphore, #tpu.memory_space<semaphore_mem>>)
        %dma_wait3A_598 = arith.constant 0 : i32
        %dma_wait3A_599 = tpu.memref_slice %arg6[%add3A_11, %dma_wait3A_598] : memref<16384x16xf32, #tpu.memory_space<hbm>> -> memref<64x16xf32, #tpu.memory_space<hbm>>
        %dma_wait3A_600 = arith.constant 0 : i32
        %dma_wait3A_601 = tpu.memref_slice %arg6[%add3A_11, %dma_wait3A_600] : memref<16384x16xf32, #tpu.memory_space<hbm>> -> memref<64x16xf32, #tpu.memory_space<hbm>>
        tpu.wait_dma2 semaphore(%run_scoped3A_593 : memref<!tpu.dma_semaphore, #tpu.memory_space<semaphore_mem>>) src(%arg16 : memref<64x16xf32, #tpu.memory_space<vmem>>) dst(%dma_wait3A_601 : memref<64x16xf32, #tpu.memory_space<hbm>>)
        tpu.yield
      }) : () -> ()
    }
    %scan3A_5 = arith.constant 8 : i32
    return
  }
}

module attributes {stable_mosaic.version = 14 : i64} {
  func.func @body(%arg0: i32, %arg1: memref<16x4096xf32, #tpu.memory_space<vmem>>, %arg2: memref<512x8x16xf32, #tpu.memory_space<vmem>>) attributes {dimension_semantics = [#tpu.dimension_semantics<arbitrary>], iteration_bounds = array<i64: 245>, scalar_prefetch = 0 : i64, scratch_operands = 0 : i64, tpu.core_type = #tpu.core_type<tc>, window_params = [{transform_indices = @transform_0, window_bounds = array<i64: 16, 4096>}, {transform_indices = @transform_1, window_bounds = array<i64: 512, 8, 16>}]} {
    %get3A = arith.constant 0 : index
    %get3A_0 = arith.constant 0 : index
    %get3A_1 = vector.load %arg1[%get3A, %get3A_0] : memref<16x4096xf32, #tpu.memory_space<vmem>>, vector<16x4096xf32>
    %transpose3A = tpu.transpose %get3A_1, [1, 0] : vector<16x4096xf32> -> vector<4096x16xf32>
    %reshape3A = vector.shape_cast %transpose3A : vector<4096x16xf32> to vector<512x8x16xf32>
    %swap3A = arith.constant 0 : index
    %swap3A_2 = arith.constant 0 : index
    %swap3A_3 = arith.constant 0 : index
    %swap3A_4 = vector.load %arg2[%swap3A, %swap3A_2, %swap3A_3] : memref<512x8x16xf32, #tpu.memory_space<vmem>>, vector<512x8x16xf32>
    tpu.vector_store %arg2[%swap3A, %swap3A_2, %swap3A_3], %reshape3A {strides = array<i32>} : memref<512x8x16xf32, #tpu.memory_space<vmem>>, vector<512x8x16xf32>,
    return
  }
  func.func @transform_0(%arg0: i32) -> (i32, i32) {
    %c0_i32 = arith.constant 0 : i32
    %c0_i32_0 = arith.constant 0 : i32
    return %c0_i32, %arg0 : i32, i32
  }
  func.func @transform_1(%arg0: i32) -> (i32, i32, i32) {
    %c0_i32 = arith.constant 0 : i32
    %c0_i32_0 = arith.constant 0 : i32
    %c0_i32_1 = arith.constant 0 : i32
    return %arg0, %c0_i32, %c0_i32_0 : i32, i32, i32
  }
}

module attributes {stable_mosaic.version = 14 : i64} {
  func.func @body(%arg0: i32, %arg1: memref<16x4096xf32, #tpu.memory_space<vmem>>, %arg2: memref<512x8x16xf32, #tpu.memory_space<vmem>>) attributes {dimension_semantics = [#tpu.dimension_semantics<arbitrary>], iteration_bounds = array<i64: 25>, scalar_prefetch = 0 : i64, scratch_operands = 0 : i64, tpu.core_type = #tpu.core_type<tc>, window_params = [{transform_indices = @transform_0, window_bounds = array<i64: 16, 4096>}, {transform_indices = @transform_1, window_bounds = array<i64: 512, 8, 16>}]} {
    %get3A = arith.constant 0 : index
    %get3A_0 = arith.constant 0 : index
    %get3A_1 = vector.load %arg1[%get3A, %get3A_0] : memref<16x4096xf32, #tpu.memory_space<vmem>>, vector<16x4096xf32>
    %transpose3A = tpu.transpose %get3A_1, [1, 0] : vector<16x4096xf32> -> vector<4096x16xf32>
    %reshape3A = vector.shape_cast %transpose3A : vector<4096x16xf32> to vector<512x8x16xf32>
    %swap3A = arith.constant 0 : index
    %swap3A_2 = arith.constant 0 : index
    %swap3A_3 = arith.constant 0 : index
    %swap3A_4 = vector.load %arg2[%swap3A, %swap3A_2, %swap3A_3] : memref<512x8x16xf32, #tpu.memory_space<vmem>>, vector<512x8x16xf32>
    tpu.vector_store %arg2[%swap3A, %swap3A_2, %swap3A_3], %reshape3A {strides = array<i32>} : memref<512x8x16xf32, #tpu.memory_space<vmem>>, vector<512x8x16xf32>,
    return
  }
  func.func @transform_0(%arg0: i32) -> (i32, i32) {
    %c0_i32 = arith.constant 0 : i32
    %c0_i32_0 = arith.constant 0 : i32
    return %c0_i32, %arg0 : i32, i32
  }
  func.func @transform_1(%arg0: i32) -> (i32, i32, i32) {
    %c0_i32 = arith.constant 0 : i32
    %c0_i32_0 = arith.constant 0 : i32
    %c0_i32_1 = arith.constant 0 : i32
    return %arg0, %c0_i32, %c0_i32_0 : i32, i32, i32
  }
}

module attributes {stable_mosaic.version = 14 : i64} {
  func.func @body(%arg0: i32, %arg1: memref<1024x16xf32, #tpu.memory_space<vmem>>, %arg2: memref<4x1024x128xf32, #tpu.memory_space<vmem>>, %arg3: memref<4x1024x128xf32, #tpu.memory_space<vmem>>, %arg4: memref<16x128xf32, #tpu.memory_space<vmem>>, %arg5: memref<4x128x128xf32, #tpu.memory_space<vmem>>, %arg6: memref<4x128x128xf32, #tpu.memory_space<vmem>>, %arg7: memref<1x128xf32, #tpu.memory_space<vmem>>, %arg8: memref<1024x128xf32, #tpu.memory_space<vmem>>) attributes {dimension_semantics = [#tpu.dimension_semantics<arbitrary>], iteration_bounds = array<i64: 16>, scalar_prefetch = 0 : i64, scratch_operands = 0 : i64, tpu.core_type = #tpu.core_type<tc>, window_params = [{transform_indices = @transform_0, window_bounds = array<i64: 1024, 16>}, {transform_indices = @transform_1, window_bounds = array<i64: 4, 1024, 128>}, {transform_indices = @transform_2, window_bounds = array<i64: 4, 1024, 128>}, {pipeline_mode = #tpu.pipeline_mode<synchronous>, transform_indices = @transform_3, window_bounds = array<i64: 16, 128>}, {pipeline_mode = #tpu.pipeline_mode<synchronous>, transform_indices = @transform_4, window_bounds = array<i64: 4, 128, 128>}, {pipeline_mode = #tpu.pipeline_mode<synchronous>, transform_indices = @transform_5, window_bounds = array<i64: 4, 128, 128>}, {pipeline_mode = #tpu.pipeline_mode<synchronous>, transform_indices = @transform_6, window_bounds = array<i64: 1, 128>}, {transform_indices = @transform_7, window_bounds = array<i64: 1024, 128>}]} {
    %get3A = arith.constant 0 : index
    %get3A_0 = arith.constant 0 : index
    %get3A_1 = vector.load %arg1[%get3A, %get3A_0] : memref<1024x16xf32, #tpu.memory_space<vmem>>, vector<1024x16xf32>
    %get3A_2 = arith.constant 0 : index
    %get3A_3 = arith.constant 0 : index
    %get3A_4 = vector.load %arg4[%get3A_2, %get3A_3] : memref<16x128xf32, #tpu.memory_space<vmem>>, vector<16x128xf32>
    %dot_general3A = arith.constant dense<0.000000e+00> : vector<1024x128xf32>
    %dot_general3A_5 = tpu.matmul %get3A_1, %get3A_4, %dot_general3A {dimension_numbers = #tpu.dot_dimension_numbers<[1], [0], [0], [1], [0, 0, 1, 1], [], []>, transpose_lhs_hint = false} : vector<1024x16xf32>, vector<16x128xf32>, vector<1024x128xf32> -> vector<1024x128xf32>
    %get3A_6 = arith.constant 0 : index
    %get3A_7 = arith.constant 0 : index
    %get3A_8 = arith.constant 0 : index
    %get3A_9 = vector.load %arg2[%get3A_6, %get3A_7, %get3A_8] : memref<4x1024x128xf32, #tpu.memory_space<vmem>>, vector<1x1024x128xf32>
    %get3A_10 = vector.shape_cast %get3A_9 : vector<1x1024x128xf32> to vector<1024x128xf32>
    %get3A_11 = arith.constant 0 : index
    %get3A_12 = arith.constant 0 : index
    %get3A_13 = arith.constant 0 : index
    %get3A_14 = vector.load %arg5[%get3A_11, %get3A_12, %get3A_13] : memref<4x128x128xf32, #tpu.memory_space<vmem>>, vector<1x128x128xf32>
    %get3A_15 = vector.shape_cast %get3A_14 : vector<1x128x128xf32> to vector<128x128xf32>
    %dot_general3A_16 = arith.constant dense<0.000000e+00> : vector<1024x128xf32>
    %dot_general3A_17 = tpu.matmul %get3A_10, %get3A_15, %dot_general3A_16 {dimension_numbers = #tpu.dot_dimension_numbers<[1], [0], [0], [1], [0, 0, 1, 1], [], []>, transpose_lhs_hint = false} : vector<1024x128xf32>, vector<128x128xf32>, vector<1024x128xf32> -> vector<1024x128xf32>
    %add3A = arith.addf %dot_general3A_5, %dot_general3A_17 : vector<1024x128xf32>
    %get3A_18 = arith.constant 0 : index
    %get3A_19 = arith.constant 0 : index
    %get3A_20 = arith.constant 0 : index
    %get3A_21 = vector.load %arg3[%get3A_18, %get3A_19, %get3A_20] : memref<4x1024x128xf32, #tpu.memory_space<vmem>>, vector<1x1024x128xf32>
    %get3A_22 = vector.shape_cast %get3A_21 : vector<1x1024x128xf32> to vector<1024x128xf32>
    %get3A_23 = arith.constant 0 : index
    %get3A_24 = arith.constant 0 : index
    %get3A_25 = arith.constant 0 : index
    %get3A_26 = vector.load %arg6[%get3A_23, %get3A_24, %get3A_25] : memref<4x128x128xf32, #tpu.memory_space<vmem>>, vector<1x128x128xf32>
    %get3A_27 = vector.shape_cast %get3A_26 : vector<1x128x128xf32> to vector<128x128xf32>
    %dot_general3A_28 = arith.constant dense<0.000000e+00> : vector<1024x128xf32>
    %dot_general3A_29 = tpu.matmul %get3A_22, %get3A_27, %dot_general3A_28 {dimension_numbers = #tpu.dot_dimension_numbers<[1], [0], [0], [1], [0, 0, 1, 1], [], []>, transpose_lhs_hint = false} : vector<1024x128xf32>, vector<128x128xf32>, vector<1024x128xf32> -> vector<1024x128xf32>
    %add3A_30 = arith.addf %add3A, %dot_general3A_29 : vector<1024x128xf32>
    %get3A_31 = arith.constant 1 : index
    %get3A_32 = arith.constant 0 : index
    %get3A_33 = arith.constant 0 : index
    %get3A_34 = vector.load %arg2[%get3A_31, %get3A_32, %get3A_33] : memref<4x1024x128xf32, #tpu.memory_space<vmem>>, vector<1x1024x128xf32>
    %get3A_35 = vector.shape_cast %get3A_34 : vector<1x1024x128xf32> to vector<1024x128xf32>
    %get3A_36 = arith.constant 1 : index
    %get3A_37 = arith.constant 0 : index
    %get3A_38 = arith.constant 0 : index
    %get3A_39 = vector.load %arg5[%get3A_36, %get3A_37, %get3A_38] : memref<4x128x128xf32, #tpu.memory_space<vmem>>, vector<1x128x128xf32>
    %get3A_40 = vector.shape_cast %get3A_39 : vector<1x128x128xf32> to vector<128x128xf32>
    %dot_general3A_41 = arith.constant dense<0.000000e+00> : vector<1024x128xf32>
    %dot_general3A_42 = tpu.matmul %get3A_35, %get3A_40, %dot_general3A_41 {dimension_numbers = #tpu.dot_dimension_numbers<[1], [0], [0], [1], [0, 0, 1, 1], [], []>, transpose_lhs_hint = false} : vector<1024x128xf32>, vector<128x128xf32>, vector<1024x128xf32> -> vector<1024x128xf32>
    %add3A_43 = arith.addf %add3A_30, %dot_general3A_42 : vector<1024x128xf32>
    %get3A_44 = arith.constant 1 : index
    %get3A_45 = arith.constant 0 : index
    %get3A_46 = arith.constant 0 : index
    %get3A_47 = vector.load %arg3[%get3A_44, %get3A_45, %get3A_46] : memref<4x1024x128xf32, #tpu.memory_space<vmem>>, vector<1x1024x128xf32>
    %get3A_48 = vector.shape_cast %get3A_47 : vector<1x1024x128xf32> to vector<1024x128xf32>
    %get3A_49 = arith.constant 1 : index
    %get3A_50 = arith.constant 0 : index
    %get3A_51 = arith.constant 0 : index
    %get3A_52 = vector.load %arg6[%get3A_49, %get3A_50, %get3A_51] : memref<4x128x128xf32, #tpu.memory_space<vmem>>, vector<1x128x128xf32>
    %get3A_53 = vector.shape_cast %get3A_52 : vector<1x128x128xf32> to vector<128x128xf32>
    %dot_general3A_54 = arith.constant dense<0.000000e+00> : vector<1024x128xf32>
    %dot_general3A_55 = tpu.matmul %get3A_48, %get3A_53, %dot_general3A_54 {dimension_numbers = #tpu.dot_dimension_numbers<[1], [0], [0], [1], [0, 0, 1, 1], [], []>, transpose_lhs_hint = false} : vector<1024x128xf32>, vector<128x128xf32>, vector<1024x128xf32> -> vector<1024x128xf32>
    %add3A_56 = arith.addf %add3A_43, %dot_general3A_55 : vector<1024x128xf32>
    %get3A_57 = arith.constant 2 : index
    %get3A_58 = arith.constant 0 : index
    %get3A_59 = arith.constant 0 : index
    %get3A_60 = vector.load %arg2[%get3A_57, %get3A_58, %get3A_59] : memref<4x1024x128xf32, #tpu.memory_space<vmem>>, vector<1x1024x128xf32>
    %get3A_61 = vector.shape_cast %get3A_60 : vector<1x1024x128xf32> to vector<1024x128xf32>
    %get3A_62 = arith.constant 2 : index
    %get3A_63 = arith.constant 0 : index
    %get3A_64 = arith.constant 0 : index
    %get3A_65 = vector.load %arg5[%get3A_62, %get3A_63, %get3A_64] : memref<4x128x128xf32, #tpu.memory_space<vmem>>, vector<1x128x128xf32>
    %get3A_66 = vector.shape_cast %get3A_65 : vector<1x128x128xf32> to vector<128x128xf32>
    %dot_general3A_67 = arith.constant dense<0.000000e+00> : vector<1024x128xf32>
    %dot_general3A_68 = tpu.matmul %get3A_61, %get3A_66, %dot_general3A_67 {dimension_numbers = #tpu.dot_dimension_numbers<[1], [0], [0], [1], [0, 0, 1, 1], [], []>, transpose_lhs_hint = false} : vector<1024x128xf32>, vector<128x128xf32>, vector<1024x128xf32> -> vector<1024x128xf32>
    %add3A_69 = arith.addf %add3A_56, %dot_general3A_68 : vector<1024x128xf32>
    %get3A_70 = arith.constant 2 : index
    %get3A_71 = arith.constant 0 : index
    %get3A_72 = arith.constant 0 : index
    %get3A_73 = vector.load %arg3[%get3A_70, %get3A_71, %get3A_72] : memref<4x1024x128xf32, #tpu.memory_space<vmem>>, vector<1x1024x128xf32>
    %get3A_74 = vector.shape_cast %get3A_73 : vector<1x1024x128xf32> to vector<1024x128xf32>
    %get3A_75 = arith.constant 2 : index
    %get3A_76 = arith.constant 0 : index
    %get3A_77 = arith.constant 0 : index
    %get3A_78 = vector.load %arg6[%get3A_75, %get3A_76, %get3A_77] : memref<4x128x128xf32, #tpu.memory_space<vmem>>, vector<1x128x128xf32>
    %get3A_79 = vector.shape_cast %get3A_78 : vector<1x128x128xf32> to vector<128x128xf32>
    %dot_general3A_80 = arith.constant dense<0.000000e+00> : vector<1024x128xf32>
    %dot_general3A_81 = tpu.matmul %get3A_74, %get3A_79, %dot_general3A_80 {dimension_numbers = #tpu.dot_dimension_numbers<[1], [0], [0], [1], [0, 0, 1, 1], [], []>, transpose_lhs_hint = false} : vector<1024x128xf32>, vector<128x128xf32>, vector<1024x128xf32> -> vector<1024x128xf32>
    %add3A_82 = arith.addf %add3A_69, %dot_general3A_81 : vector<1024x128xf32>
    %get3A_83 = arith.constant 3 : index
    %get3A_84 = arith.constant 0 : index
    %get3A_85 = arith.constant 0 : index
    %get3A_86 = vector.load %arg2[%get3A_83, %get3A_84, %get3A_85] : memref<4x1024x128xf32, #tpu.memory_space<vmem>>, vector<1x1024x128xf32>
    %get3A_87 = vector.shape_cast %get3A_86 : vector<1x1024x128xf32> to vector<1024x128xf32>
    %get3A_88 = arith.constant 3 : index
    %get3A_89 = arith.constant 0 : index
    %get3A_90 = arith.constant 0 : index
    %get3A_91 = vector.load %arg5[%get3A_88, %get3A_89, %get3A_90] : memref<4x128x128xf32, #tpu.memory_space<vmem>>, vector<1x128x128xf32>
    %get3A_92 = vector.shape_cast %get3A_91 : vector<1x128x128xf32> to vector<128x128xf32>
    %dot_general3A_93 = arith.constant dense<0.000000e+00> : vector<1024x128xf32>
    %dot_general3A_94 = tpu.matmul %get3A_87, %get3A_92, %dot_general3A_93 {dimension_numbers = #tpu.dot_dimension_numbers<[1], [0], [0], [1], [0, 0, 1, 1], [], []>, transpose_lhs_hint = false} : vector<1024x128xf32>, vector<128x128xf32>, vector<1024x128xf32> -> vector<1024x128xf32>
    %add3A_95 = arith.addf %add3A_82, %dot_general3A_94 : vector<1024x128xf32>
    %get3A_96 = arith.constant 3 : index
    %get3A_97 = arith.constant 0 : index
    %get3A_98 = arith.constant 0 : index
    %get3A_99 = vector.load %arg3[%get3A_96, %get3A_97, %get3A_98] : memref<4x1024x128xf32, #tpu.memory_space<vmem>>, vector<1x1024x128xf32>
    %get3A_100 = vector.shape_cast %get3A_99 : vector<1x1024x128xf32> to vector<1024x128xf32>
    %get3A_101 = arith.constant 3 : index
    %get3A_102 = arith.constant 0 : index
    %get3A_103 = arith.constant 0 : index
    %get3A_104 = vector.load %arg6[%get3A_101, %get3A_102, %get3A_103] : memref<4x128x128xf32, #tpu.memory_space<vmem>>, vector<1x128x128xf32>
    %get3A_105 = vector.shape_cast %get3A_104 : vector<1x128x128xf32> to vector<128x128xf32>
    %dot_general3A_106 = arith.constant dense<0.000000e+00> : vector<1024x128xf32>
    %dot_general3A_107 = tpu.matmul %get3A_100, %get3A_105, %dot_general3A_106 {dimension_numbers = #tpu.dot_dimension_numbers<[1], [0], [0], [1], [0, 0, 1, 1], [], []>, transpose_lhs_hint = false} : vector<1024x128xf32>, vector<128x128xf32>, vector<1024x128xf32> -> vector<1024x128xf32>
    %add3A_108 = arith.addf %add3A_95, %dot_general3A_107 : vector<1024x128xf32>
    %get3A_109 = arith.constant 0 : index
    %get3A_110 = arith.constant 0 : index
    %get3A_111 = vector.load %arg7[%get3A_109, %get3A_110] : memref<1x128xf32, #tpu.memory_space<vmem>>, vector<1x128xf32>
    %add3A_112 = vector.broadcast %get3A_111 : vector<1x128xf32> to vector<1024x128xf32>
    %add3A_113 = arith.addf %add3A_108, %add3A_112 : vector<1024x128xf32>
    %swap3A = arith.constant 0 : index
    %swap3A_114 = arith.constant 0 : index
    %swap3A_115 = vector.load %arg8[%swap3A, %swap3A_114] : memref<1024x128xf32, #tpu.memory_space<vmem>>, vector<1024x128xf32>
    tpu.vector_store %arg8[%swap3A, %swap3A_114], %add3A_113 {strides = array<i32>} : memref<1024x128xf32, #tpu.memory_space<vmem>>, vector<1024x128xf32>,
    return
  }
  func.func @transform_0(%arg0: i32) -> (i32, i32) {
    %c0_i32 = arith.constant 0 : i32
    %c0_i32_0 = arith.constant 0 : i32
    return %arg0, %c0_i32 : i32, i32
  }
  func.func @transform_1(%arg0: i32) -> (i32, i32, i32) {
    %c0_i32 = arith.constant 0 : i32
    %c0_i32_0 = arith.constant 0 : i32
    %c0_i32_1 = arith.constant 0 : i32
    return %c0_i32, %arg0, %c0_i32_0 : i32, i32, i32
  }
  func.func @transform_2(%arg0: i32) -> (i32, i32, i32) {
    %c0_i32 = arith.constant 0 : i32
    %c0_i32_0 = arith.constant 0 : i32
    %c0_i32_1 = arith.constant 0 : i32
    return %c0_i32, %arg0, %c0_i32_0 : i32, i32, i32
  }
  func.func @transform_3(%arg0: i32) -> (i32, i32) {
    %c0_i32 = arith.constant 0 : i32
    %c0_i32_0 = arith.constant 0 : i32
    %c0_i32_1 = arith.constant 0 : i32
    return %c0_i32, %c0_i32_0 : i32, i32
  }
  func.func @transform_4(%arg0: i32) -> (i32, i32, i32) {
    %c0_i32 = arith.constant 0 : i32
    %c0_i32_0 = arith.constant 0 : i32
    %c0_i32_1 = arith.constant 0 : i32
    %c0_i32_2 = arith.constant 0 : i32
    return %c0_i32, %c0_i32_0, %c0_i32_1 : i32, i32, i32
  }
  func.func @transform_5(%arg0: i32) -> (i32, i32, i32) {
    %c0_i32 = arith.constant 0 : i32
    %c0_i32_0 = arith.constant 0 : i32
    %c0_i32_1 = arith.constant 0 : i32
    %c0_i32_2 = arith.constant 0 : i32
    return %c0_i32, %c0_i32_0, %c0_i32_1 : i32, i32, i32
  }
  func.func @transform_6(%arg0: i32) -> (i32, i32) {
    %c0_i32 = arith.constant 0 : i32
    %c0_i32_0 = arith.constant 0 : i32
    %c0_i32_1 = arith.constant 0 : i32
    return %c0_i32, %c0_i32_0 : i32, i32
  }
  func.func @transform_7(%arg0: i32) -> (i32, i32) {
    %c0_i32 = arith.constant 0 : i32
    %c0_i32_0 = arith.constant 0 : i32
    return %arg0, %c0_i32 : i32, i32
  }
}

</mosaic_0001>

<sc_bundles>
// kernel: kernel.6.cloned.1.call-start
scs
__scs_entry_jumppad:
0x0: {  	(pc) =	sbr.rel $0x88, $3  }
0x1: {  	(tag) =	ssettag $0x0;
	lr =	simm.s32 $0x1  }
0x2: {  	[smem:$0x3F9B] =	sst lr;
	_ =	strace $0xD0000000  }
0x3: {  	_ = 	snop  }
0x4: {  	_ = 	snop  }
0x5: {  	_ = 	snop  }
0x6: {  	_ = 	snop  }
0x7: {  	_ = 	snop  }
__scs_overlays_trampoline_lowered:
0x8: {  	[smem:$0x3FAA] =	sst s0  }
0x9: {  	[smem:$0x3FAB] =	sst s1  }
0xa: {  	[smem:$0x3FAC] =	sst s2  }
0xb: {  	[smem:$0x3FAD] =	sst s3  }
0xc: {  	[smem:$0x3FAE] =	sst s4  }
0xd: {  	[smem:$0x3FAF] =	sst s5  }
0xe: {  	[smem:$0x3FB0] =	sst s6  }
0xf: {  	[smem:$0x3FB1] =	sst s7  }
0x10: {  	[smem:$0x3FB2] =	sst s8  }
0x11: {  	[smem:$0x3FB3] =	sst s9;
	s0 =	simm.s32 @!p0 $0x0  }
0x12: {  	s1 =	sld [smem:$0x3F99];
	s0 =	simm.s32 @p0 $0x1  }
0x13: {  	[smem:$0x3FB4] =	sst s0;
	s0 =	simm.s32 @!p1 $0x0  }
0x14: {  	s2 =	sld [smem:$0x3F98];
	s0 =	simm.s32 @p1 $0x1  }
0x15: {  	[smem:$0x3FB5] =	sst s0;
	s0 =	simm.s32 @!p2 $0x0  }
0x16: {  	s3 =	sld [smem:$0x3FDB];
	s0 =	simm.s32 @p2 $0x1  }
0x17: {  	s4 =	simm.s32 $0x1BF5;
	[smem:$0x3FB7] =	sst s0  }
0x18: {  	s0 =	sld [smem:$0x3F9A];
	_ =	swait.ge [sflag:s4], $0x0  }
0x19: {  	s7 =	sld [smem:$0x3F9B]  }
0x1a: {  	s8 =	sadd.s32 $0xFFFFE003, lr  }
0x1b: {  	s9 =	sadd.s32 $0xFFFFFEF7, lr;
	s5 =	simm.s32 $0xFFFFFFFF;
	p2 =	slt.u32 s8, $0xFFFFF086  }
0x1c: {  	p1 =	slt.u32 s9, $0xF7A;
	s5 =	simm.s32 @!p2 $0x0  }
0x1d: {  	s5 =	simm.s32 @p1 $0x1;
	p0 =	seq.s32 s7, s2  }
0x1e: {  	s7 =	smul.u32 @!p0 $0xF7A, s2;
	p2 =	seq.s32 @!p0 s5, $0x0  }
0x1f: {  	s9 =	smul.u32 $0xF7A, s1;
	s8 =	simm.s32 @!p0 $0x1BF5;
	p2 =	por !p2, p0  }
0x20: {  	[sflag:s8] =	ssyncset.s32 @!p0 $0xFFFFF086;
	s6 =	sadd.s32 @!p0 s3, s7;
	s7 =	simm.s32 @!p0 $0x108  }
0x21: {  	s3 =	sadd.s32 s3, s9;
	s6 =	sadd.s32 @!p0 $0x88, s6;
	s7 =	simm.s32 @p2 $0x1082  }
0x22: {  	[simem:s7], [sflag:s8] =	dma.local @!p0 [hbm:s6], $0xF7A  }
0x23: {  	s9 =	sor.u32 $0xD0000000, s2;
	s6 =	simm.s32 $0x108;
	_ =	swait.ge @!p0 [sflag:s8], $0x0  }
0x24: {  	s3 =	sadd.s32 $0x88, s3;
	s6 =	simm.s32 @!p1 $0x1082;
	[sflag:s4] =	ssyncset.s32 $0xFFFFF086  }
0x25: {  	[simem:s6], [sflag:s4] =	dma.local [hbm:s3], $0xF7A  }
0x26: {  	[smem:$0x3F9B] =	sst s1;
	(tag) =	ssettag s2;
	_ =	strace s9  }
0x27: {  	s1 =	sld [smem:$0x3FAB]  }
0x28: {  	s2 =	sld [smem:$0x3FAC]  }
0x29: {  	s4 =	sld [smem:$0x3FAE]  }
0x2a: {  	p0 =	seq.s32 s5, $0x0;
	s5 =	sld [smem:$0x3FAF]  }
0x2b: {  	s6 =	sld [smem:$0x3FB0]  }
0x2c: {  	s7 =	sld [smem:$0x3FB1]  }
0x2d: {  	s3 =	simm.s32 $0x108;
	s8 =	sld [smem:$0x3FB2]  }
0x2e: {  	s3 =	simm.s32 @!p0 $0x1082;
	s9 =	sld [smem:$0x3FB3]  }
0x2f: {  	lr =	sadd.s32 s0, s3;
	s0 =	sld [smem:$0x3FAA]  }
0x30: {  	s3 =	sld [smem:$0x3FAD]  }
0x31: {  	[smem:$0x3FB6] =	sst s10  }
0x32: {  	s10 =	sld [smem:$0x3FB4];
	_ =	sdelay $0x3  }
0x33: {  	p0 =	seq.s32 s10, $0x1;
	s10 =	sld [smem:$0x3FB6];
	_ =	sdelay $0x3  }
0x34: {  	[smem:$0x3FB6] =	sst s10  }
0x35: {  	s10 =	sld [smem:$0x3FB5];
	_ =	sdelay $0x3  }
0x36: {  	p1 =	seq.s32 s10, $0x1;
	s10 =	sld [smem:$0x3FB6];
	_ =	sdelay $0x3  }
0x37: {  	[smem:$0x3FB6] =	sst s10  }
0x38: {  	s10 =	sld [smem:$0x3FB7]  }
0x39: {  	_ = 	snop;
	(pc) =	sbr.ind lr, $3  }
0x3a: {  	_ = 	snop  }
0x3b: {  	_ = 	snop  }
0x3c: {  	p2 =	seq.s32 s10, $0x1;
	s10 =	sld [smem:$0x3FB6]  }
0x3d: {  	_ =	shalt  }
0x3e: {  	_ =	shalt  }
0x3f: {  	_ =	shalt  }
0x40: {  	_ =	shalt  }
0x41: {  	_ =	shalt  }
0x42: {  	_ =	shalt  }
0x43: {  	_ =	shalt  }
0x44: {  	_ =	shalt  }
0x45: {  	_ =	shalt  }
0x46: {  	_ =	shalt  }
0x47: {  	_ =	shalt  }
0x48: {  	_ =	shalt  }
0x49: {  	_ =	shalt  }
0x4a: {  	_ =	shalt  }
0x4b: {  	_ =	shalt  }
0x4c: {  	_ =	shalt  }
0x4d: {  	_ =	shalt  }
0x4e: {  	_ =	shalt  }
0x4f: {  	_ =	shalt  }
0x50: {  	_ =	shalt  }
0x51: {  	_ =	shalt  }
0x52: {  	_ =	shalt  }
0x53: {  	_ =	shalt  }
0x54: {  	_ =	shalt  }
0x55: {  	_ =	shalt  }
0x56: {  	_ =	shalt  }
0x57: {  	_ =	shalt  }
0x58: {  	_ =	shalt  }
0x59: {  	_ =	shalt  }
0x5a: {  	_ =	shalt  }
0x5b: {  	_ =	shalt  }
0x5c: {  	_ =	shalt  }
0x5d: {  	_ =	shalt  }
0x5e: {  	_ =	shalt  }
0x5f: {  	_ =	shalt  }
0x60: {  	_ =	shalt  }
0x61: {  	_ =	shalt  }
0x62: {  	_ =	shalt  }
0x63: {  	_ =	shalt  }
0x64: {  	_ =	shalt  }
0x65: {  	_ =	shalt  }
0x66: {  	_ =	shalt  }
0x67: {  	_ =	shalt  }
0x68: {  	_ =	shalt  }
0x69: {  	_ =	shalt  }
0x6a: {  	_ =	shalt  }
0x6b: {  	_ =	shalt  }
0x6c: {  	_ =	shalt  }
0x6d: {  	_ =	shalt  }
0x6e: {  	_ =	shalt  }
0x6f: {  	_ =	shalt  }
0x70: {  	_ =	shalt  }
0x71: {  	_ =	shalt  }
0x72: {  	_ =	shalt  }
0x73: {  	_ =	shalt  }
0x74: {  	_ =	shalt  }
0x75: {  	_ =	shalt  }
0x76: {  	_ =	shalt  }
0x77: {  	_ =	shalt  }
0x78: {  	_ =	shalt  }
0x79: {  	_ =	shalt  }
0x7a: {  	_ =	shalt  }
0x7b: {  	_ =	shalt  }
0x7c: {  	_ =	shalt  }
0x7d: {  	_ =	shalt  }
0x7e: {  	_ =	shalt  }
0x7f: {  	_ =	shalt  }
0x80: {  	_ =	shalt  }
0x81: {  	_ =	shalt  }
0x82: {  	_ =	shalt  }
0x83: {  	_ =	shalt  }
0x84: {  	_ =	shalt  }
0x85: {  	_ =	shalt  }
0x86: {  	_ =	shalt  }
0x87: {  	_ =	shalt  }
.Lfunc_end0:
.L_simem_size_0:
called_computation_lowered:
.L_overlay_start_0:
0x88: {  	s2 =	sld [smem:$0x3FD9]  }
0x89: {  	s3 =	sld [smem:$0x3FFE];
	_ =	sdelay $0x1  }
0x8a: {  	s1 =	srdreg.scid  }
0x8b: {  	s0 =	sand.u32 $0x1, s1  }
0x8c: {  	s17 =	sshll.u32 s0, $0xA;
	s2 =	sadd.s32 s3, s2  }
0x8d: {  	s2 =	sadd.s32 s2, s17  }
0x8e: {  	[smem:$0x3FC2] =	sst s2  }
0x8f: {  	_ = 	snop  }
0x90: {  	s2 =	sld [smem:$0x3FC9]  }
0x91: {  	s18 =	sld [smem:$0x3FC8]  }
0x92: {  	s4 =	sld [smem:$0x3FD0];
	(tm) =	ssettm $0x1  }
0x93: {  	s5 =	sld [smem:$0x3FFB];
	_ =	sdelay $0x3  }
0x94: {  	_ =	strace s5  }
0x95: {  	s5 =	sld [smem:$0x3FFC];
	_ =	sdelay $0x3  }
0x96: {  	_ =	strace s5  }
0x97: {  	s5 =	sld [smem:$0x3FFD];
	_ =	sdelay $0x3  }
0x98: {  	_ =	strace s5  }
0x99: {  	_ =	strace $0x8FFFFFFF  }
0x9a: {  	s19 =	sld [smem:$0x3FDB];
	_ =	sdelay $0x1  }
0x9b: {  	s6 =	simm.s32 $_scs_section_size  }
0x9c: {  	s7 =	simm.s32 $_size__tile_overlayer_lowered;
	s8 =	simm.s32 $_tile_overlayer_lowered  }
0x9d: {  	s22 =	simm.s32 $0x1BFF;
	s21 =	sshll.u32 s8, $0x1;
	s5 =	sadd.s32 s6, s19  }
0x9e: {  	s9 =	simm.s32 $0x0;
	s20 =	sshll.u32 s7, $0x1;
	s7 =	sadd.s32 s21, s5  }
0x9f: {  	[timem:s9], [sflag:s22] =	dma.local [hbm:s7], s20  }
0xa0: {  	_ =	swait.ge [sflag:s22], s20  }
0xa1: {  	s6 =	ssub.s32 $0x0, s20;
	[sflag:s22] =	ssyncset.done $0x0  }
0xa2: {  	[sflag:s22] =	ssyncadd.s32 s6;
	_ =	sdelay $0x1  }
0xa3: {  	s23 =	simm.s32 $0x1B8B  }
0xa4: {  	_ =	swait.ge [sflag:s23], $0x1  }
0xa5: {  	[sflag:s23] =	ssyncset.done $0x0  }
0xa6: {  	s25 =	simm.s32 $0x1B8E;
	s24 =	sld [smem:$0x3FFE];
	[sflag:s23] =	ssyncadd.s32 $0xFFFFFFFF  }
0xa7: {  	s26 =	simm.s32 $execute0_lowered;
	[smem:$0x3FD2] =	sst s25  }
0xa8: {  	s7 =	sshll.u32 s26, $0x1;
	_ =	strace $0x80000046;
	[dreg:$0x1] =	wrdreg $0xFFFFFFFF  }
0xa9: {  	s28 =	simm.s32 $_size_execute0_lowered;
	s5 =	sadd.s32 s5, s7;
	[dreg:$0x0] =	wrdreg $0x0  }
0xaa: {  	s7 =	sshll.u32 s28, $0x1;
	[dreg:$0x2] =	wrdreg s5  }
0xab: {  	[dreg:$0x3] =	wrdreg s7  }
0xac: {  	[dreg:$0x4] =	wrdreg $0xC0  }
0xad: {  	_ =	task [dreg:s9], $0x5FFFF  }
0xae: {  	[dreg:$0x1] =	wrdreg $0xFFFFFFFF  }
0xaf: {  	[dreg:$0x0] =	wrdreg $0x60  }
0xb0: {  	[dreg:$0x2] =	wrdreg s2  }
0xb1: {  	[dreg:$0x3] =	wrdreg s18  }
0xb2: {  	[dreg:$0x4] =	wrdreg s24  }
0xb3: {  	[dreg:$0x5] =	wrdreg s4  }
0xb4: {  	[dreg:$0x6] =	wrdreg $0x9  }
0xb5: {  	_ =	task.clear_ibuf [dreg:s9], $0x7FFFF;
	_ =	strace $0x90000046  }
0xb6: {  	s29 =	simm.s32 $0x9;
	_ =	strace $0x80000048  }
0xb7: {  	_ =	swait.ge [sflag:s29], $0x1  }
0xb8: {  	[sflag:s29] =	ssyncadd.s32 $0xFFFFFFFF  }
0xb9: {  	_ =	strace $0x90000048  }
0xba: {  	_ =	sfence  }
0xbb: {  	s30 =	sld [smem:$0x0];
	_ =	sdelay $0x2  }
0xbc: {  	s31 =	sshll.u32 s1, $0xD;
	s1 =	sshrl.u32 s1, $0x2  }
0xbd: {  	s3 =	sand.u32 $0x4000, s31;
	s1 =	sadd.s32 s1, s30  }
0xbe: {  	s0 =	sor.u32 s3, s0;
	s1 =	sshll.u32 s1, $0x11  }
0xbf: {  	s0 =	sor.u32 s1, s0  }
0xc0: {  	s0 =	sadd.s32 $0x8F2B, s0  }
0xc1: {  	[sflag:s0] =	ssyncadd.remote.s32 $0x1  }
0xc2: {  	_ =	sfence.sel $0xFFFF  }
0xc3: {  	[dreg:$0x0] =	wrdreg $0xFFFFFFFF;
	(pc) =	sbr.abs _section_cstart, $3  }
0xc4: {  	[dreg:$0x1] =	wrdreg $0xFFFFFFFF  }
0xc5: {  	_ =	task.clear_ibuf [dreg:s9], $0x2FFFF;
	_ =	strace $0x9FFFFFFF  }
0xc6: {  	(tm) =	ssettm $0x7FFFFFFF  }
0xc7: {  	_ =	shalt  }
tec
execute0_lowered:
.L_overlay_start_1:
0x0: {  	(tag) =	ssettag $0x1  }
0x1: {  	s0 =	rddreg [dreg:$0x2]  }
0x2: {  	s3 =	rddreg [dreg:$0x3];
	s4 =	simm.s32 $0x0  }
0x3: {  	s1 =	srdreg.scid;
	s9 =	stileid.u32;
	s12 =	simm.s32 $0x1  }
0x4: {  	s13 =	simm.s32 $0x40;
	s14 =	simm.s32 $0x80;
	s15 =	simm.s32 $0x2  }
0x5: {  	s17 =	simm.s32 $0x2040;
	s18 =	simm.s32 $0x2840;
	s19 =	simm.s32 $0x3080  }
0x6: {  	s20 =	simm.s32 $0xB080;
	s16 =	simm.s32 $0xD080;
	s22 =	simm.s32 $0xF080  }
0x7: {  	s24 =	simm.s32 $0x9080;
	s26 =	simm.s32 $0x11080;
	s31 =	simm.s32 $0x13080  }
0x8: {  	[smem:$0x7FF] =	sst s4;
	s1 =	sand.u32 $0x1, s1;
	s6 =	sadd.s32 $0xF43800, s0  }
0x9: {  	s7 =	sadd.s32 $0x1400, s0;
	s8 =	sadd.s32 $0x9400, s0;
	s2 =	ssub.s32 $0x2, s1  }
0xa: {  	s29 =	sshll.u32 s9, $0xA;
	s9 =	sadd.s32 $0x109400, s0;
	s5 =	sshrl.u32 s2, $0x1  }
0xb: {  	_ =	strace $0x80000047;
	s1 =	sshll.u32 s1, $0x9;
	s2 =	ssub.s32 s2, s5  }
0xc: {  	v1 =	vlaneseq.u32;
	s10 =	sor.u32 s1, s29;
	s1 =	simm.s32 $0x5080;
	s30 =	smax.u32 s2, $0x1  }
0xd: {  	v0 =	vimm.s32 $0x0;
	v1 =	vmul.u32 $0x8, v1;
	s5 =	simm.s32 $0x0;
	s2 =	simm.s32 $0x7080;
	[dreg:$0x5] =	wrdreg s30  }
.LBB2_1:
0xe: {  	[dreg:$0x6] =	wrdreg s5;
	s0 =	simm.s32 $0x0  }
.LBB2_2:
0xf: {  	s11 =	sshll.u32 s0, $0x6  }
0x10: {  	s21 =	sand.u32 $0x1, s0;
	s5 =	sadd.s32 s10, s11  }
0x11: {  	p1 =	seq.s32 s21, $0x1;
	p0 =	seq.s32 s5, $0x0  }
0x12: {  	p0 =	por !p0, !p1  }
0x13: {  	s21 =	simm.s32 $0x1;
	p0 =	por !p0, !p0  }
0x14: {  	s23 =	sshrl.u32 s5, $0x7;
	s21 =	simm.s32 @!p0 $0x0  }
0x15: {  	s21 =	ssub.s32 s23, s21  }
0x16: {  	s11 =	sand.u32 $0x40, s11;
	s21 =	sshll.u32 s21, $0x9  }
0x17: {  	s11 =	sor.u32 s11, s21  }
0x18: {  	s30 =	rddreg [dreg:$0x0];
	s11 =	sshrl.u32 s11, $0x3  }
0x19: {  	s11 =	sadd.s32 s30, s11  }
0x1a: {  	s25 =	simm.s32 $0x0;
	s21 =	simm.s32 $0x400;
	s23 =	sadd.s32 $0x2000, s11  }
.LBB2_3:
0x1b: {  	[tilespmem:s25], [sflag:$0x2] =	stream.strided.gather [hbm4b:s11+s13], $0x100, s14, s13, $0x38;
	[tilespmem:$0x13480] =	vst v63  }
0x1c: {  	s25 =	smov.u32 s21;
	s11 =	smov.u32 s23;
	p0 =	sne.s32 s21, $0x7C00  }
.Ltmp0:
0x1d: {  	s21 =	sadd.s32 $0x400, s21;
	(pc) =	sbr.rel @p0 .LBB2_3-.Ltmp0, $2  }
0x1e: {  	_ =	sdelay $0x2  }
0x1f: {  	s23 =	sadd.s32 $0x2000, s23;
	s25 =	sshra.s32 s25, $0x2  }
0x20: {  	[tilespmem:s25], [sflag:$0x2] =	stream.strided.gather [hbm4b:s11+s13], $0x100, s14, s13, $0x38;
	[tilespmem:$0x13480] =	vst v63  }
0x21: {  	_ =	swait.ge [sflag:s15], $0x2000  }
0x22: {  	[sflag:s15] =	ssyncset.done $0x0  }
0x23: {  	[sflag:s15] =	ssyncadd.s32 $0xFFFFE000  }
0x24: {  	s25 =	sshrl.u32 s5, $0x3;
	s11 =	simm.s32 $0x0;
	s21 =	rddreg [dreg:$0x1]  }
0x25: {  	s23 =	simm.s32 $0x2000;
	s30 =	simm.s32 $0x0;
	s21 =	sadd.s32 s21, s25  }
0x26: {  	[tilespmem:s23], [sflag:$0x2] =	stream.linear.gather [hbm4b:s21+s11], $0x40, $0x38;
	[tilespmem:$0x13480] =	vst v63  }
0x27: {  	s28 =	simm.s32 $0x1;
	s29 =	sand.u32 $0x30, s11;
	_ =	swait.ge [sflag:s15], $0x40  }
0x28: {  	s25 =	simm.s32 $0x0;
	s21 =	sand.u32 $0x3FFFFF00, s30;
	[sflag:s15] =	ssyncset.done $0x0  }
0x29: {  	s23 =	simm.s32 $0x0;
	s21 =	sor.u32 s29, s21;
	[sflag:s15] =	ssyncadd.s32 $0xFFFFFFC0  }
.LBB2_5:
0x2a: {  	p0 =	sne.s32 s28, $0x7F;
	v2 =	vld [tilespmem:s21+$0x80]  }
0x2b: {  	v3 =	vld [tilespmem:s21+$0x40]  }
0x2c: {  	s30 =	sshrl.u32 s25, $0x2;
	v4 =	vmov s29;
	s25 =	smov.u32 s28  }
0x2d: {  	v4 =	vshll.u32 v4, $0x3;
	s29 =	sand.u32 $0x7, s30;
	s30 =	sand.u32 $0x600, s23  }
0x2e: {  	s29 =	sor.u32 s30, s29;
	v4 =	vor.u32 v1, v4  }
0x2f: {  	v4 =	vor.u32 s29, v4;
	v5 =	vshra.s32 v2, $0x1F;
	vm0 =	vlt.s32 v2, $0x1  }
0x30: {  	v8 =	vand.u32 $0x7, v2;
	v6 =	vshra.s32 v3, $0x1F;
	v7 =	vand.u32 $0x7, v3  }
0x31: {  	vm1 =	vlt.s32 v3, $0x1;
	v6 =	vshrl.u32 v6, $0x1D;
	vm2 =	vne.s32 v7, $0x0  }
0x32: {  	v5 =	vshrl.u32 v5, $0x1D;
	v3 =	vadd.s32 v6, v3;
	vm1 =	vmand vm1, vm2  }
0x33: {  	v3 =	vshrl.u32 v3, $0x3;
	v6 =	vsel vm1, $0xFFFFFFFF, v0;
	vm1 =	vne.s32 v8, $0x0  }
0x34: {  	v2 =	vadd.s32 v5, v2;
	v7 =	vld [tilespmem:s21+$0xC0];
	v3 =	vadd.s32 v6, v3;
	vm0 =	vmand vm0, vm1  }
.Ltmp1:
0x35: {  	v2 =	vshra.s32 v2, $0x3;
	v3 =	vmul.u32 $0x3E8, v3;
	v5 =	vsel vm0, $0xFFFFFFFF, v0;
	(pc) =	sbr.rel @p0 .LBB2_5-.Ltmp1, $4  }
0x36: {  	v2 =	vadd.s32 v5, v2  }
0x37: {  	s23 =	sadd.s32 $0x10, s23;
	s21 =	sshll.u32 s28, $0x6;
	v2 =	vadd.s32 v3, v2  }
0x38: {  	s29 =	sand.u32 $0x30, s23;
	s21 =	sand.u32 $0x3FFFFF00, s21;
	[tilespmem:v4+s17+$0x0] =	vst.idx.msk $0xffff, v2  }
0x39: {  	s28 =	sadd.s32 $0x1, s28;
	s21 =	sor.u32 s29, s21;
	[tilespmem:v4+s18+$0x0] =	vst.idx.msk $0xffff, v7  }
0x3a: {  	v2 =	vld [tilespmem:s21+$0x80]  }
0x3b: {  	v3 =	vld [tilespmem:s21+$0x40]  }
0x3c: {  	s25 =	sshrl.u32 s25, $0x2;
	v4 =	vmov s29  }
0x3d: {  	s23 =	sand.u32 $0x600, s23;
	v4 =	vshll.u32 v4, $0x3;
	s25 =	sand.u32 $0x7, s25  }
0x3e: {  	s23 =	sor.u32 s23, s25;
	v4 =	vor.u32 v1, v4  }
0x3f: {  	v4 =	vor.u32 s23, v4;
	v5 =	vshra.s32 v2, $0x1F;
	vm0 =	vlt.s32 v2, $0x1  }
0x40: {  	v6 =	vshra.s32 v3, $0x1F;
	v7 =	vand.u32 $0x7, v3;
	v8 =	vand.u32 $0x7, v2  }
0x41: {  	vm1 =	vlt.s32 v3, $0x1;
	v6 =	vshrl.u32 v6, $0x1D;
	vm2 =	vne.s32 v7, $0x0  }
0x42: {  	v5 =	vshrl.u32 v5, $0x1D;
	v3 =	vadd.s32 v6, v3;
	vm1 =	vmand vm1, vm2  }
0x43: {  	v3 =	vshrl.u32 v3, $0x3;
	v6 =	vsel vm1, $0xFFFFFFFF, v0;
	vm1 =	vne.s32 v8, $0x0  }
0x44: {  	v7 =	vld [tilespmem:s21+$0xC0];
	v2 =	vadd.s32 v5, v2;
	v3 =	vadd.s32 v6, v3;
	vm0 =	vmand vm0, vm1  }
0x45: {  	v2 =	vshra.s32 v2, $0x3;
	v3 =	vmul.u32 $0x3E8, v3;
	v5 =	vsel vm0, $0xFFFFFFFF, v0  }
0x46: {  	v2 =	vadd.s32 v5, v2  }
0x47: {  	v2 =	vadd.s32 v3, v2  }
0x48: {  	[tilespmem:v4+s17+$0x0] =	vst.idx.msk $0xffff, v2  }
0x49: {  	s21 =	simm.s32 $0x1000;
	[tilespmem:v4+s18+$0x0] =	vst.idx.msk $0xffff, v7  }
0x4a: {  	v3 =	vld [tilespmem:s21+$0xFFFFFA00]  }
0x4b: {  	v4 =	vld [tilespmem:s21+$0xFFFFF700]  }
0x4c: {  	v5 =	vld [tilespmem:s21+$0xFFFFFC00]  }
0x4d: {  	v6 =	vld [tilespmem:s21+$0xFFFFF800]  }
0x4e: {  	s23 =	simm.s32 $0x2000;
	v7 =	vld [tilespmem:s21+$0xFFFFF000]  }
0x4f: {  	v2 =	vld [tilespmem:s23+$0x0]  }
0x50: {  	v8 =	vld [tilespmem:s21+$0xFFFFF100]  }
0x51: {  	v10 =	vld [tilespmem:s21+$0xFFFFF200]  }
0x52: {  	v9 =	vld [tilespmem:s21+$0xFFFFFE00]  }
0x53: {  	vm3 =	vne.s32 v4, $0x0;
	vm1 =	vne.s32 v7, $0x0;
	vm2 =	vne.s32 v6, $0x0  }
0x54: {  	vm0 =	vne.s32 v3, $0x0;
	vm4 =	veq.s32 v7, v2;
	vm5 =	veq.s32 v6, v2  }
0x55: {  	vm6 =	veq.s32 v8, v2;
	v6 =	vld [tilespmem:s21+$0xFFFFF500];
	vm7 =	veq.s32 v4, v2;
	vm9 =	vne.s32 v8, $0x0  }
0x56: {  	v4 =	vld [tilespmem:s21+$0xFFFFF300];
	vm11 =	veq.s32 v10, v2;
	vm8 =	vmand vm4, vm1;
	vm1 =	veq.s32 v5, v2  }
0x57: {  	v7 =	vld [tilespmem:s21+$0xFFFFFB00];
	vm4 =	veq.s32 v9, v2;
	vm6 =	vmand vm6, vm9;
	vm9 =	vne.s32 v10, $0x0  }
0x58: {  	vm2 =	vmand vm5, vm2;
	vm7 =	vmand vm7, vm3;
	vm5 =	vmor vm8, vm6  }
0x59: {  	v10 =	vld [tilespmem:s21+$0xFFFFF600];
	vm10 =	vmneg vm8;
	vm8 =	vmand vm11, vm9;
	vm9 =	vmneg vm5  }
0x5a: {  	vm6 =	vmand vm6, vm10;
	vm5 =	vmor vm5, vm8;
	vm9 =	vmand vm8, vm9  }
0x5b: {  	v8 =	vld [tilespmem:s21+$0xFFFFF400];
	vm11 =	vmneg vm5;
	vm10 =	vne.s32 v6, $0x0;
	vm8 =	veq.s32 v6, v2  }
0x5c: {  	v6 =	vsel vm6, $0x1, v0;
	vm6 =	veq.s32 v4, v2;
	vm12 =	vne.s32 v7, $0x0  }
0x5d: {  	v6 =	vsel vm9, $0x2, v6;
	vm9 =	vne.s32 v4, $0x0;
	vm8 =	vmand vm8, vm10  }
0x5e: {  	v4 =	vld [tilespmem:s21+$0xFFFFF900];
	vm10 =	vne.s32 v10, $0x0;
	vm6 =	vmand vm6, vm9;
	vm9 =	veq.s32 v7, v2  }
0x5f: {  	vm11 =	vmand vm6, vm11;
	vm3 =	vmand vm9, vm12;
	vm5 =	vmor vm5, vm6  }
0x60: {  	vm6 =	vne.s32 v8, $0x0;
	vm9 =	veq.s32 v8, v2;
	vm12 =	veq.s32 v10, v2  }
0x61: {  	vm6 =	vmand vm9, vm6;
	vm9 =	vmneg vm5;
	v6 =	vsel vm11, $0x3, v6  }
0x62: {  	v7 =	vld [tilespmem:s21+$0x0];
	vm10 =	vmand vm12, vm10;
	vm5 =	vmor vm5, vm6;
	vm6 =	vmand vm6, vm9  }
0x63: {  	v10 =	vld [tilespmem:s21+$0x200];
	vm11 =	vmor vm5, vm8;
	vm12 =	veq.s32 v4, v2;
	vm5 =	vmneg vm5  }
0x64: {  	v6 =	vsel vm6, $0x4, v6;
	vm9 =	vmor vm11, vm10;
	vm5 =	vmand vm8, vm5  }
0x65: {  	v8 =	vld [tilespmem:s21+$0xFFFFFD00];
	vm8 =	veq.s32 v3, v2;
	vm11 =	vmneg vm11;
	vm6 =	vmneg vm9  }
0x66: {  	v6 =	vsel vm5, $0x5, v6;
	vm0 =	vmand vm8, vm0;
	vm8 =	vne.s32 v5, $0x0  }
0x67: {  	v3 =	vld [tilespmem:s21+$0xFFFFFF00];
	vm13 =	vmand vm7, vm6;
	vm7 =	vmor vm9, vm7;
	vm6 =	vne.s32 v9, $0x0  }
0x68: {  	vm9 =	veq.s32 v7, v2;
	vm8 =	vmand vm1, vm8;
	vm1 =	veq.s32 v10, v2  }
0x69: {  	vm5 =	vmand vm4, vm6;
	vm6 =	vmand vm10, vm11;
	vm10 =	vne.s32 v4, $0x0  }
0x6a: {  	v9 =	vld [tilespmem:s21+$0x100];
	vm4 =	vne.s32 v7, $0x0;
	vm11 =	veq.s32 v8, v2;
	vm10 =	vmand vm12, vm10  }
0x6b: {  	vm4 =	vmand vm9, vm4;
	vm9 =	vne.s32 v8, $0x0;
	v4 =	vsel vm6, $0x6, v6  }
0x6c: {  	vm12 =	veq.s32 v3, v2;
	vm6 =	vmand vm11, vm9;
	vm9 =	vmneg vm7  }
0x6d: {  	v4 =	vsel vm13, $0x7, v4;
	vm9 =	vmand vm2, vm9;
	vm2 =	vmor vm7, vm2  }
0x6e: {  	vm7 =	vne.s32 v3, $0x0;
	v4 =	vsel vm9, $0x8, v4;
	vm9 =	vne.s32 v10, $0x0  }
0x6f: {  	vm11 =	veq.s32 v9, v2;
	vm1 =	vmand vm1, vm9;
	vm9 =	vmneg vm2  }
0x70: {  	v5 =	vld [tilespmem:s21+$0x400];
	vm2 =	vmor vm2, vm10;
	vm9 =	vmand vm10, vm9;
	vm10 =	vne.s32 v9, $0x0  }
0x71: {  	v6 =	vld [tilespmem:s21+$0x300];
	v3 =	vsel vm9, $0x9, v4;
	vm9 =	vmneg vm2;
	vm2 =	vmor vm2, vm0  }
0x72: {  	vm0 =	vmand vm0, vm9;
	vm9 =	vmand vm12, vm7;
	vm7 =	vmand vm11, vm10  }
0x73: {  	vm10 =	vmor vm2, vm3;
	v3 =	vsel vm0, $0xA, v3;
	vm0 =	vmneg vm2  }
0x74: {  	vm0 =	vmand vm3, vm0;
	vm3 =	vmneg vm10  }
0x75: {  	v12 =	vld [tilespmem:s21+$0x600];
	vm2 =	vne.s32 v5, $0x0;
	vm3 =	vmand vm8, vm3;
	vm8 =	vmor vm10, vm8  }
0x76: {  	vm10 =	veq.s32 v5, v2;
	v4 =	vsel vm0, $0xB, v3;
	vm0 =	veq.s32 v6, v2  }
0x77: {  	vm2 =	vmand vm10, vm2;
	vm10 =	vne.s32 v6, $0x0;
	v4 =	vsel vm3, $0xC, v4  }
0x78: {  	v3 =	vld [tilespmem:s21+$0xF00];
	vm11 =	vmor vm8, vm6;
	vm8 =	vmneg vm8;
	vm3 =	vmand vm0, vm10  }
0x79: {  	vm0 =	vmneg vm11;
	vm6 =	vmand vm6, vm8;
	vm8 =	vmor vm11, vm5  }
0x7a: {  	vm10 =	vne.s32 v12, $0x0;
	vm0 =	vmand vm5, vm0;
	v4 =	vsel vm6, $0xD, v4  }
0x7b: {  	vm5 =	vmneg vm8;
	vm6 =	vmor vm8, vm9;
	v7 =	vsel vm0, $0xE, v4  }
0x7c: {  	v6 =	vld [tilespmem:s21+$0x500];
	vm8 =	vmneg vm6;
	vm5 =	vmand vm9, vm5;
	v4 =	vimm.s32 $0x0  }
0x7d: {  	vm6 =	vmor vm6, vm4;
	vm0 =	veq.s32 v3, $0x0;
	vm4 =	vmand vm4, vm8  }
0x7e: {  	v5 =	vld [tilespmem:s21+$0xC00];
	v7 =	vsel vm5, $0xF, v7;
	vm5 =	vmneg vm6;
	vm6 =	vmor vm6, vm7  }
0x7f: {  	v7 =	vsel vm4, $0x10, v7;
	vm4 =	vmneg vm6;
	vm6 =	vmor vm6, vm1  }
0x80: {  	v13 =	vld [tilespmem:s21+$0xA00];
	v4 =	vsel vm0, $0xFFFFFFFF, v4;
	vm4 =	vmand vm1, vm4;
	vm8 =	vmneg vm6  }
0x81: {  	[tilespmem:$0x1FFF0] =	vst v4;
	v4 =	vld [tilespmem:s21+$0xE00];
	vm1 =	vmand vm7, vm5;
	vm7 =	veq.s32 v6, v2;
	vm5 =	vmor vm6, vm3  }
0x82: {  	v11 =	vld [tilespmem:s21+$0x900];
	v7 =	vsel vm1, $0x11, v7;
	vm6 =	vmneg vm5;
	vm8 =	vmand vm3, vm8  }
0x83: {  	v10 =	vld [tilespmem:s21+$0xB00];
	vm3 =	vne.s32 v5, $0x0;
	v8 =	vsel vm4, $0x12, v7;
	vm4 =	vne.s32 v6, $0x0  }
0x84: {  	v7 =	vld [tilespmem:s21+$0x700];
	vm9 =	vmand vm2, vm6;
	vm6 =	vmor vm5, vm2;
	vm5 =	veq.s32 v12, v2  }
0x85: {  	v6 =	vld [tilespmem:s21+$0x800];
	v9 =	vsel vm8, $0x13, v8;
	vm2 =	vmand vm7, vm4;
	vm4 =	vne.s32 v13, $0x0  }
0x86: {  	s28 =	simm.s32 $0x3040;
	s29 =	simm.s32 $0x10;
	s25 =	simm.s32 $0x3040;
	v8 =	vld [tilespmem:s21+$0xD00];
	vm7 =	veq.s32 v13, v2;
	v9 =	vsel vm9, $0x14, v9;
	vm11 =	vne.s32 v4, $0x0  }
.LBB2_7:
0x87: {  	_ =	sdelay $0x1  }
0x88: {  	v12 =	vimm.s32 $0x0;
	v58 =	vimm.s32 $0x0  }
0x89: {  	vm15 =	veq.s32 v5, v2;
	v12 =	vsel vm11, $0xFFFFFFFF, v12;
	vm0 =	veq.s32 v6, v2  }
0x8a: {  	v5 =	vimm.s32 $0x0;
	[tilespmem:$0x1FF30] =	vst v12;
	vm1 =	veq.s32 v8, v2;
	v12 =	vsel vm0, $0xFFFFFFFF, v58  }
0x8b: {  	vm13 =	vmneg vm6;
	vm8 =	veq.s32 v4, v2;
	v5 =	vsel vm1, $0xFFFFFFFF, v5;
	[tilespmem:$0x1FF20] =	vst v12  }
0x8c: {  	vm5 =	vmand vm5, vm10;
	vm4 =	vmand vm7, vm4;
	vm11 =	veq.s32 v11, v2;
	[tilespmem:$0x1FF40] =	vst v5;
	v5 =	vld [tilespmem:$0x1FF20]  }
0x8d: {  	vm12 =	vne.s32 v11, $0x0;
	vm7 =	veq.s32 v7, v2;
	vm0 =	vmor vm6, vm2  }
0x8e: {  	vm1 =	vne.s32 v7, $0x0;
	vm11 =	vmand vm11, vm12;
	vm2 =	vmand vm2, vm13  }
0x8f: {  	vm6 =	vmneg vm0;
	vm0 =	vmor vm0, vm5;
	vm1 =	vmand vm7, vm1  }
0x90: {  	v4 =	vsel vm2, $0x15, v9;
	vm12 =	vmneg vm0;
	vm2 =	vmand vm5, vm6  }
0x91: {  	vm0 =	vmor vm0, vm1;
	vm5 =	vmand vm1, vm12;
	vm1 =	vnez.u8 v5;
	v5 =	vld [tilespmem:$0x1FF30];
	_ =	sdelay $0x1  }
0x92: {  	vm3 =	vmand vm15, vm3;
	vm14 =	veq.s32 v10, v2  }
0x93: {  	vm9 =	vne.s32 v8, $0x0;
	vm10 =	vne.s32 v10, $0x0;
	vm15 =	vne.s32 v6, $0x0  }
0x94: {  	vm7 =	vmand vm14, vm10;
	v4 =	vsel vm2, $0x16, v4;
	vm2 =	vmand vm1, vm15  }
0x95: {  	vm6 =	vmneg vm0;
	vm0 =	vmor vm0, vm2;
	vm1 =	vnez.u8 v5;
	v5 =	vld [tilespmem:$0x1FF40]  }
0x96: {  	v4 =	vsel vm5, $0x17, v4;
	vm2 =	vmand vm2, vm6;
	vm6 =	vmneg vm0  }
0x97: {  	vm0 =	vmor vm0, vm11;
	v4 =	vsel vm2, $0x18, v4;
	vm6 =	vmand vm11, vm6  }
0x98: {  	vm1 =	vmand vm8, vm1;
	vm8 =	vmneg vm0;
	vm0 =	vmor vm0, vm4  }
0x99: {  	v4 =	vsel vm6, $0x19, v4;
	vm4 =	vmand vm4, vm8;
	vm5 =	vmneg vm0  }
0x9a: {  	vm0 =	vmor vm0, vm7;
	vm5 =	vmand vm7, vm5;
	vm7 =	vnez.u8 v5  }
0x9b: {  	vm2 =	vmneg vm0;
	vm0 =	vmor vm0, vm3;
	vm7 =	vmand vm7, vm9  }
0x9c: {  	v4 =	vsel vm4, $0x1A, v4;
	vm6 =	vmneg vm0;
	vm0 =	vmor vm0, vm7  }
0x9d: {  	vm2 =	vmand vm3, vm2;
	vm4 =	vmand vm7, vm6;
	vm6 =	vmneg vm0  }
0x9e: {  	vm0 =	vmor vm0, vm1;
	vm3 =	vmand vm1, vm6;
	vm1 =	vne.s32 v3, v2;
	v3 =	vld [tilespmem:$0x1FFF0];
	_ =	sdelay $0x3  }
0x9f: {  	v4 =	vsel vm5, $0x1B, v4  }
0xa0: {  	v4 =	vsel vm2, $0x1C, v4;
	vm2 =	vnez.u8 v3  }
0xa1: {  	v2 =	vsel vm4, $0x1D, v4;
	vm1 =	vmor vm1, vm2  }
0xa2: {  	v2 =	vsel vm3, $0x1E, v2;
	vm0 =	vmor vm1, vm0  }
0xa3: {  	v3 =	vmov s11;
	v2 =	vnsel vm0, $0x1F, v2  }
0xa4: {  	v3 =	vshll.u32 v3, $0x3;
	v4 =	vshll.u32 v2, $0x6  }
0xa5: {  	v3 =	vor.u32 v1, v3;
	v4 =	vand.u32 $0x7FFFFE00, v4  }
0xa6: {  	v2 =	vand.u32 $0x7, v2;
	v3 =	vadd.s32 v3, v4  }
0xa7: {  	v2 =	vor.u32 v2, v3;
	_ =	sdelay $0x4  }
0xa8: {  	v2 =	vld.idx.msk [tilespmem:v2+s17+$0x0], $0xffff;
	_ =	sdelay $0x4  }
0xa9: {  	s21 =	sadd.s32 $0x10, s21;
	[tilespmem:s25+$0x0] =	vst v2  }
0xaa: {  	v6 =	vld [tilespmem:s21+$0x400]  }
0xab: {  	v7 =	vld [tilespmem:s21+$0xFFFFFA00]  }
0xac: {  	v8 =	vld [tilespmem:s21+$0xFFFFF700]  }
0xad: {  	v9 =	vld [tilespmem:s21+$0xFFFFF800]  }
0xae: {  	s23 =	sadd.s32 $0x10, s23;
	v10 =	vld [tilespmem:s21+$0xFFFFF000]  }
0xaf: {  	v2 =	vld [tilespmem:s23+$0x0]  }
0xb0: {  	v11 =	vld [tilespmem:s21+$0xFFFFF100]  }
0xb1: {  	v13 =	vld [tilespmem:s21+$0xFFFFF200]  }
0xb2: {  	v14 =	vimm.s32 $0x0;
	v60 =	vimm.s32 $0x0;
	v15 =	vimm.s32 $0x0;
	v3 =	vld [tilespmem:s21+$0xF00]  }
0xb3: {  	v4 =	vld [tilespmem:s21+$0x300];
	vm8 =	vne.s32 v8, $0x0;
	vm0 =	vne.s32 v6, $0x0;
	vm6 =	vne.s32 v9, $0x0  }
0xb4: {  	vm1 =	vne.s32 v7, $0x0;
	vm5 =	veq.s32 v10, v2;
	vm9 =	veq.s32 v9, v2  }
0xb5: {  	v5 =	vld [tilespmem:s21+$0xFFFFFC00];
	vm11 =	veq.s32 v11, v2;
	vm10 =	veq.s32 v8, v2;
	v8 =	vimm.s32 $0x0  }
0xb6: {  	vm12 =	vne.s32 v11, $0x0;
	vm14 =	veq.s32 v13, v2;
	v14 =	vsel vm0, $0xFFFFFFFF, v14  }
0xb7: {  	v59 =	vld [tilespmem:s21+$0xFFFFFE00];
	v15 =	vsel vm1, $0xFFFFFFFF, v15;
	vm1 =	veq.s32 v6, v2;
	v6 =	vimm.s32 $0x0  }
0xb8: {  	v61 =	vld [tilespmem:s21+$0xFFFFF900];
	vm0 =	veq.s32 v3, $0x0;
	v6 =	vsel vm1, $0xFFFFFFFF, v6;
	vm1 =	veq.s32 v4, v2  }
0xb9: {  	vm11 =	vmand vm11, vm12;
	vm12 =	vne.s32 v13, $0x0;
	[tilespmem:$0x1FFC0] =	vst v14;
	v8 =	vsel vm1, $0xFFFFFFFF, v8  }
0xba: {  	v9 =	vld [tilespmem:s21+$0xFFFFF600];
	v14 =	vsel vm0, $0xFFFFFFFF, v60;
	vm1 =	veq.s32 v5, v2;
	[tilespmem:$0x1FFE0] =	vst v8;
	v8 =	vimm.s32 $0x0  }
0xbb: {  	vm0 =	vne.s32 v10, $0x0;
	v10 =	vimm.s32 $0x0;
	[tilespmem:$0x1FFD0] =	vst v6;
	v8 =	vsel vm1, $0xFFFFFFFF, v8  }
0xbc: {  	v6 =	vld [tilespmem:s21+$0xFFFFF500];
	vm0 =	vmand vm5, vm0;
	vm1 =	veq.s32 v59, v2;
	[tilespmem:$0x1FF90] =	vst v8;
	v8 =	vimm.s32 $0x0  }
0xbd: {  	vm13 =	vmneg vm0;
	v8 =	vsel vm1, $0xFFFFFFFF, v8;
	vm1 =	veq.s32 v61, v2  }
0xbe: {  	vm0 =	vmor vm0, vm11;
	vm13 =	vmand vm11, vm13;
	[tilespmem:$0x1FF50] =	vst v8;
	v8 =	vld [tilespmem:s21+$0xFFFFF300];
	v10 =	vsel vm1, $0xFFFFFFFF, v10  }
0xbf: {  	vm11 =	vmand vm14, vm12;
	vm12 =	vmneg vm0;
	vm3 =	veq.s32 v9, v2;
	[tilespmem:$0x1FF60] =	vst v10;
	v10 =	vld [tilespmem:s21+$0xFFFFFB00]  }
0xc0: {  	vm12 =	vmand vm11, vm12;
	vm0 =	vmor vm0, vm11;
	vm11 =	vmand vm10, vm8  }
0xc1: {  	vm14 =	vne.s32 v6, $0x0;
	vm15 =	veq.s32 v6, v2;
	v6 =	vsel vm13, $0x1, v0  }
0xc2: {  	v11 =	vld [tilespmem:s21+$0xFFFFF400];
	vm1 =	vmneg vm0;
	v6 =	vsel vm12, $0x2, v6;
	vm14 =	vmand vm15, vm14  }
0xc3: {  	vm15 =	vne.s32 v9, $0x0;
	vm13 =	veq.s32 v8, v2;
	vm12 =	vne.s32 v8, $0x0  }
0xc4: {  	vm10 =	vmand vm13, vm12;
	vm8 =	veq.s32 v10, v2;
	vm12 =	vne.s32 v10, $0x0  }
0xc5: {  	v10 =	vimm.s32 $0x0;
	vm2 =	vmand vm10, vm1;
	vm1 =	vmand vm8, vm12  }
0xc6: {  	v10 =	vsel vm1, $0xFFFFFFFF, v10;
	vm1 =	veq.s32 v7, v2;
	v7 =	vimm.s32 $0x0  }
0xc7: {  	v9 =	vld [tilespmem:s21+$0xFFFFFF00];
	vm13 =	veq.s32 v11, v2;
	vm12 =	vne.s32 v11, $0x0;
	v7 =	vsel vm1, $0xFFFFFFFF, v7  }
0xc8: {  	vm0 =	vmor vm0, vm10;
	vm12 =	vmand vm13, vm12;
	[tilespmem:$0x1FF80] =	vst v7;
	v7 =	vld [tilespmem:s21+$0xFFFFFD00]  }
0xc9: {  	vm15 =	vmand vm3, vm15;
	vm1 =	vmneg vm0;
	vm0 =	vmor vm0, vm12  }
0xca: {  	v6 =	vsel vm2, $0x3, v6;
	vm1 =	vmand vm12, vm1;
	vm2 =	vmneg vm0  }
0xcb: {  	vm0 =	vmor vm0, vm14;
	v6 =	vsel vm1, $0x4, v6;
	vm1 =	vmand vm14, vm2  }
0xcc: {  	vm2 =	vmor vm0, vm15;
	vm5 =	vmneg vm0;
	vm0 =	veq.s32 v9, v2  }
0xcd: {  	vm8 =	veq.s32 v7, v2;
	vm12 =	vne.s32 v7, $0x0;
	v7 =	vimm.s32 $0x0  }
0xce: {  	v7 =	vsel vm0, $0xFFFFFFFF, v7  }
0xcf: {  	[tilespmem:$0x1FFB0] =	vst v7;
	v7 =	vld [tilespmem:$0x1FF50];
	_ =	sdelay $0x3  }
0xd0: {  	v8 =	vld [tilespmem:s21+$0x0]  }
0xd1: {  	v6 =	vsel vm1, $0x5, v6;
	vm1 =	vnez.u8 v7;
	v7 =	vld [tilespmem:$0x1FF60];
	_ =	sdelay $0x1  }
0xd2: {  	vm3 =	vmneg vm2  }
0xd3: {  	vm4 =	vmand vm9, vm6;
	vm6 =	vmand vm11, vm3;
	vm11 =	vmor vm2, vm11  }
0xd4: {  	vm9 =	veq.s32 v8, v2;
	vm5 =	vmand vm15, vm5;
	vm0 =	vmneg vm11  }
0xd5: {  	vm7 =	vmand vm4, vm0;
	vm0 =	vne.s32 v61, $0x0;
	vm15 =	vnez.u8 v7  }
0xd6: {  	[tilespmem:$0x1FF70] =	vst v15;
	vm2 =	vne.s32 v8, $0x0;
	v6 =	vsel vm5, $0x6, v6;
	vm15 =	vmand vm15, vm0  }
0xd7: {  	vm0 =	vmand vm9, vm2;
	vm2 =	vne.s32 v5, $0x0;
	v5 =	vsel vm6, $0x7, v6;
	v6 =	vld [tilespmem:$0x1FF70];
	_ =	sdelay $0x4  }
0xd8: {  	vm5 =	vnez.u8 v6;
	v6 =	vld [tilespmem:$0x1FF80];
	_ =	sdelay $0x3  }
0xd9: {  	v11 =	vld [tilespmem:s21+$0x200]  }
0xda: {  	vm6 =	vnez.u8 v6;
	v6 =	vld [tilespmem:$0x1FF90];
	_ =	sdelay $0x2  }
0xdb: {  	vm14 =	vne.s32 v59, $0x0  }
0xdc: {  	[tilespmem:$0x1FFA0] =	vst v10;
	vm3 =	veq.s32 v11, v2;
	vm14 =	vmand vm1, vm14  }
0xdd: {  	vm1 =	vne.s32 v11, $0x0;
	vm5 =	vmand vm6, vm5;
	vm6 =	vnez.u8 v6;
	v6 =	vld [tilespmem:$0x1FFA0]  }
0xde: {  	vm9 =	vmand vm8, vm12;
	vm2 =	vmand vm6, vm2;
	vm6 =	vmor vm11, vm4  }
0xdf: {  	vm4 =	vmand vm3, vm1;
	vm1 =	vmneg vm6;
	vm3 =	vmor vm6, vm15  }
0xe0: {  	v5 =	vsel vm7, $0x8, v5;
	vm1 =	vmand vm15, vm1;
	vm7 =	vmneg vm3  }
0xe1: {  	v10 =	vld [tilespmem:s21+$0x100];
	vm3 =	vmor vm3, vm5;
	v5 =	vsel vm1, $0x9, v5;
	vm1 =	vmand vm5, vm7  }
0xe2: {  	vm8 =	vnez.u8 v6;
	v6 =	vld [tilespmem:$0x1FFB0];
	v5 =	vsel vm1, $0xA, v5;
	vm1 =	vmneg vm3  }
0xe3: {  	vm1 =	vmand vm8, vm1  }
0xe4: {  	vm7 =	vmor vm3, vm8;
	vm3 =	vne.s32 v4, $0x0;
	v4 =	vsel vm1, $0xB, v5;
	v5 =	vld [tilespmem:$0x1FFC0];
	_ =	sdelay $0x1  }
0xe5: {  	vm10 =	vne.s32 v9, $0x0  }
0xe6: {  	vm13 =	veq.s32 v10, v2;
	vm6 =	vne.s32 v10, $0x0;
	vm5 =	vnez.u8 v6  }
0xe7: {  	vm11 =	vmneg vm7;
	vm7 =	vmor vm7, vm2;
	vm10 =	vmand vm5, vm10  }
0xe8: {  	vm5 =	vmand vm13, vm6;
	vm6 =	vmand vm2, vm11;
	vm2 =	vnez.u8 v5;
	v5 =	vld [tilespmem:$0x1FFD0];
	_ =	sdelay $0x4  }
0xe9: {  	vm8 =	vnez.u8 v5;
	v5 =	vld [tilespmem:$0x1FFE0];
	_ =	sdelay $0x2  }
0xea: {  	vm1 =	vmneg vm7  }
0xeb: {  	vm7 =	vmor vm7, vm9;
	vm1 =	vmand vm9, vm1;
	v6 =	vld [tilespmem:s21+$0x500]  }
0xec: {  	v63 =	vld [tilespmem:s21+$0x600];
	v4 =	vsel vm6, $0xC, v4;
	vm2 =	vmand vm8, vm2;
	vm6 =	vnez.u8 v5  }
0xed: {  	vm6 =	vmand vm6, vm3;
	vm3 =	vmneg vm7;
	vm7 =	vmor vm7, vm14  }
0xee: {  	v5 =	vsel vm1, $0xD, v4;
	vm8 =	vmneg vm7;
	vm7 =	vmor vm7, vm10  }
0xef: {  	v4 =	vld [tilespmem:s21+$0xE00];
	vm3 =	vmand vm14, vm3;
	vm1 =	vmneg vm7;
	vm7 =	vmor vm7, vm0  }
0xf0: {  	v7 =	vsel vm3, $0xE, v5;
	vm3 =	vmand vm10, vm8;
	vm8 =	vne.s32 v6, $0x0  }
0xf1: {  	vm10 =	vne.s32 v63, $0x0;
	vm0 =	vmand vm0, vm1;
	v7 =	vsel vm3, $0xF, v7  }
0xf2: {  	v5 =	vld [tilespmem:s21+$0xC00];
	vm1 =	vmneg vm7;
	vm3 =	vmor vm7, vm5;
	vm7 =	veq.s32 v6, v2  }
0xf3: {  	v8 =	vsel vm0, $0x10, v7;
	vm0 =	vmneg vm3;
	vm3 =	vmor vm3, vm4  }
0xf4: {  	p0 =	sne.s32 s29, $0x30;
	v62 =	vld [tilespmem:s21+$0xA00];
	vm1 =	vmand vm5, vm1;
	vm11 =	vne.s32 v4, $0x0;
	vm5 =	vmor vm3, vm6  }
.Ltmp2:
0xf5: {  	v11 =	vld [tilespmem:s21+$0x900];
	vm0 =	vmand vm4, vm0;
	v8 =	vsel vm1, $0x11, v8;
	vm1 =	vmneg vm5;
	(pc) =	sbr.rel @p0 .LBB2_7-.Ltmp2, $4  }
0xf6: {  	v10 =	vld [tilespmem:s21+$0xB00];
	vm4 =	vmneg vm3;
	v9 =	vsel vm0, $0x12, v8;
	vm0 =	vmand vm2, vm1  }
0xf7: {  	v6 =	vld [tilespmem:s21+$0x800];
	vm3 =	vne.s32 v5, $0x0;
	vm1 =	vmand vm6, vm4;
	vm6 =	vmor vm5, vm2  }
0xf8: {  	s28 =	sadd.s32 $0x10, s28;
	s30 =	smov.u32 s29;
	v7 =	vld [tilespmem:s21+$0x700];
	vm5 =	veq.s32 v63, v2;
	vm2 =	vmand vm7, vm8;
	v9 =	vsel vm1, $0x13, v9  }
0xf9: {  	s29 =	sadd.s32 $0x10, s29;
	s11 =	smov.u32 s30;
	s25 =	smov.u32 s28;
	[tilespmem:$0x1FFF0] =	vst v14;
	v8 =	vld [tilespmem:s21+$0xD00];
	vm4 =	vne.s32 v62, $0x0;
	vm7 =	veq.s32 v62, v2;
	v9 =	vsel vm0, $0x14, v9  }
0xfa: {  	vm0 =	veq.s32 v11, v2;
	vm1 =	vne.s32 v11, $0x0  }
0xfb: {  	vm8 =	vmneg vm6;
	vm5 =	vmand vm5, vm10;
	vm9 =	veq.s32 v5, v2  }
0xfc: {  	vm6 =	vmor vm6, vm2;
	vm4 =	vmand vm7, vm4;
	vm3 =	vmand vm9, vm3  }
0xfd: {  	vm9 =	veq.s32 v10, v2;
	vm0 =	vmand vm0, vm1;
	vm15 =	vne.s32 v10, $0x0  }
0xfe: {  	vm12 =	vmand vm2, vm8;
	vm7 =	vmand vm9, vm15;
	vm15 =	vmneg vm6  }
0xff: {  	vm6 =	vmor vm6, vm5;
	v61 =	vsel vm12, $0x15, v9;
	vm14 =	vne.s32 v7, $0x0  }
0x100: {  	vm13 =	veq.s32 v7, v2;
	vm12 =	vmneg vm6;
	vm5 =	vmand vm5, vm15  }
0x101: {  	vm15 =	veq.s32 v4, v2;
	vm1 =	vmand vm13, vm14;
	vm14 =	veq.s32 v6, v2  }
0x102: {  	vm13 =	vne.s32 v6, $0x0;
	v62 =	vsel vm5, $0x16, v61;
	vm8 =	vmand vm15, vm11  }
0x103: {  	vm2 =	vmand vm1, vm12;
	vm1 =	vmor vm6, vm1;
	vm14 =	vmand vm14, vm13  }
0x104: {  	vm12 =	vmor vm1, vm14;
	vm1 =	vmneg vm1;
	v4 =	vsel vm2, $0x17, v62  }
0x105: {  	vm13 =	vmor vm12, vm0;
	vm1 =	vmand vm14, vm1;
	vm5 =	vmneg vm12  }
0x106: {  	vm6 =	vmor vm13, vm4;
	vm0 =	vmand vm0, vm5;
	vm14 =	vmneg vm13  }
0x107: {  	v4 =	vsel vm1, $0x18, v4;
	vm12 =	vmand vm4, vm14;
	vm14 =	vmor vm6, vm7  }
0x108: {  	vm15 =	vmneg vm6;
	v4 =	vsel vm0, $0x19, v4;
	vm10 =	vmor vm14, vm3  }
0x109: {  	v4 =	vsel vm12, $0x1A, v4;
	vm12 =	vmneg vm14;
	vm14 =	vne.s32 v3, v2;
	v3 =	vld [tilespmem:$0x1FFF0]  }
0x10a: {  	vm9 =	vne.s32 v8, $0x0;
	vm13 =	vmand vm7, vm15;
	vm15 =	veq.s32 v8, v2  }
0x10b: {  	vm1 =	vmand vm15, vm9  }
0x10c: {  	vm11 =	vmneg vm10;
	v4 =	vsel vm13, $0x1B, v4;
	vm2 =	vmand vm3, vm12  }
0x10d: {  	vm0 =	vmor vm10, vm1;
	vm1 =	vmand vm1, vm11;
	v4 =	vsel vm2, $0x1C, v4  }
0x10e: {  	vm13 =	vmneg vm0;
	vm0 =	vmor vm0, vm8;
	vm15 =	vnez.u8 v3  }
0x10f: {  	v2 =	vsel vm1, $0x1D, v4;
	vm3 =	vmand vm8, vm13;
	vm1 =	vmor vm14, vm15  }
0x110: {  	v2 =	vsel vm3, $0x1E, v2;
	vm0 =	vmor vm1, vm0  }
0x111: {  	v3 =	vmov s11;
	v2 =	vnsel vm0, $0x1F, v2  }
0x112: {  	v3 =	vshll.u32 v3, $0x3;
	v63 =	vshll.u32 v2, $0x6  }
0x113: {  	v3 =	vor.u32 v1, v3;
	v4 =	vand.u32 $0x7FFFFE00, v63  }
0x114: {  	v2 =	vand.u32 $0x7, v2;
	v3 =	vadd.s32 v3, v4  }
0x115: {  	v2 =	vor.u32 v2, v3;
	_ =	sdelay $0x4  }
0x116: {  	v2 =	vld.idx.msk [tilespmem:v2+s17+$0x0], $0xffff;
	_ =	sdelay $0x4  }
0x117: {  	[tilespmem:s25+$0x0] =	vst v2  }
0x118: {  	[tilespmem:s19], [sflag:$0x1] =	stream.indirect.gather [hbm4b:s6+s14], $0x10, s17, s14, $0xb8;
	[tilespmem:$0x13480] =	vst v63  }
0x119: {  	_ = 	snop  }
0x11a: {  	[tilespmem:s20], [sflag:$0x1] =	stream.indirect.gather [hbm4b:s3+s14], $0x10, s18, s14, $0xb8;
	[tilespmem:$0x13480] =	vst v63  }
0x11b: {  	s28 =	simm.s32 $0x20C0;
	s21 =	simm.s32 $0x3880  }
0x11c: {  	[tilespmem:s21], [sflag:$0x1] =	stream.indirect.gather [hbm4b:s6+s14], $0x10, s28, s14, $0xb8;
	[tilespmem:$0x13480] =	vst v63  }
0x11d: {  	s29 =	simm.s32 $0x28C0;
	s30 =	simm.s32 $0xB880  }
0x11e: {  	[tilespmem:s30], [sflag:$0x1] =	stream.indirect.gather [hbm4b:s3+s14], $0x10, s29, s14, $0xb8;
	[tilespmem:$0x13480] =	vst v63  }
0x11f: {  	s23 =	simm.s32 $0x4080;
	s21 =	simm.s32 $0x2140  }
0x120: {  	[tilespmem:s23], [sflag:$0x1] =	stream.indirect.gather [hbm4b:s6+s14], $0x10, s21, s14, $0xb8;
	[tilespmem:$0x13480] =	vst v63  }
0x121: {  	s25 =	simm.s32 $0x2940;
	s28 =	simm.s32 $0xC080  }
0x122: {  	[tilespmem:s28], [sflag:$0x1] =	stream.indirect.gather [hbm4b:s3+s14], $0x10, s25, s14, $0xb8;
	[tilespmem:$0x13480] =	vst v63  }
0x123: {  	s29 =	simm.s32 $0x21C0;
	s30 =	simm.s32 $0x4880  }
0x124: {  	[tilespmem:s30], [sflag:$0x1] =	stream.indirect.gather [hbm4b:s6+s14], $0x10, s29, s14, $0xb8;
	[tilespmem:$0x13480] =	vst v63  }
0x125: {  	s21 =	simm.s32 $0x29C0;
	s23 =	simm.s32 $0xC880  }
0x126: {  	[tilespmem:s23], [sflag:$0x1] =	stream.indirect.gather [hbm4b:s3+s14], $0x10, s21, s14, $0xb8;
	[tilespmem:$0x13480] =	vst v63  }
0x127: {  	s25 =	simm.s32 $0x2240  }
0x128: {  	[tilespmem:s1], [sflag:$0x1] =	stream.indirect.gather [hbm4b:s6+s14], $0x10, s25, s14, $0xb8;
	[tilespmem:$0x13480] =	vst v63  }
0x129: {  	s28 =	simm.s32 $0x2A40  }
0x12a: {  	[tilespmem:s16], [sflag:$0x1] =	stream.indirect.gather [hbm4b:s3+s14], $0x10, s28, s14, $0xb8;
	[tilespmem:$0x13480] =	vst v63  }
0x12b: {  	s29 =	simm.s32 $0x22C0;
	s30 =	simm.s32 $0x5880  }
0x12c: {  	[tilespmem:s30], [sflag:$0x1] =	stream.indirect.gather [hbm4b:s6+s14], $0x10, s29, s14, $0xb8;
	[tilespmem:$0x13480] =	vst v63  }
0x12d: {  	s21 =	simm.s32 $0x2AC0;
	s23 =	simm.s32 $0xD880  }
0x12e: {  	[tilespmem:s23], [sflag:$0x1] =	stream.indirect.gather [hbm4b:s3+s14], $0x10, s21, s14, $0xb8;
	[tilespmem:$0x13480] =	vst v63  }
0x12f: {  	s25 =	simm.s32 $0x2340;
	s28 =	simm.s32 $0x6080  }
0x130: {  	[tilespmem:s28], [sflag:$0x1] =	stream.indirect.gather [hbm4b:s6+s14], $0x10, s25, s14, $0xb8;
	[tilespmem:$0x13480] =	vst v63  }
0x131: {  	s29 =	simm.s32 $0x2B40;
	s30 =	simm.s32 $0xE080  }
0x132: {  	[tilespmem:s30], [sflag:$0x1] =	stream.indirect.gather [hbm4b:s3+s14], $0x10, s29, s14, $0xb8;
	[tilespmem:$0x13480] =	vst v63  }
0x133: {  	s21 =	simm.s32 $0x23C0;
	s23 =	simm.s32 $0x6880  }
0x134: {  	[tilespmem:s23], [sflag:$0x1] =	stream.indirect.gather [hbm4b:s6+s14], $0x10, s21, s14, $0xb8;
	[tilespmem:$0x13480] =	vst v63  }
0x135: {  	s25 =	simm.s32 $0x2BC0;
	s28 =	simm.s32 $0xE880  }
0x136: {  	[tilespmem:s28], [sflag:$0x1] =	stream.indirect.gather [hbm4b:s3+s14], $0x10, s25, s14, $0xb8;
	[tilespmem:$0x13480] =	vst v63  }
0x137: {  	s29 =	simm.s32 $0x2440  }
0x138: {  	[tilespmem:s2], [sflag:$0x1] =	stream.indirect.gather [hbm4b:s6+s14], $0x10, s29, s14, $0xb8;
	[tilespmem:$0x13480] =	vst v63  }
0x139: {  	s30 =	simm.s32 $0x2C40  }
0x13a: {  	[tilespmem:s22], [sflag:$0x1] =	stream.indirect.gather [hbm4b:s3+s14], $0x10, s30, s14, $0xb8;
	[tilespmem:$0x13480] =	vst v63  }
0x13b: {  	s21 =	simm.s32 $0x24C0;
	s23 =	simm.s32 $0x7880  }
0x13c: {  	[tilespmem:s23], [sflag:$0x1] =	stream.indirect.gather [hbm4b:s6+s14], $0x10, s21, s14, $0xb8;
	[tilespmem:$0x13480] =	vst v63  }
0x13d: {  	s25 =	simm.s32 $0x2CC0;
	s28 =	simm.s32 $0xF880  }
0x13e: {  	[tilespmem:s28], [sflag:$0x1] =	stream.indirect.gather [hbm4b:s3+s14], $0x10, s25, s14, $0xb8;
	[tilespmem:$0x13480] =	vst v63  }
0x13f: {  	s29 =	simm.s32 $0x2540;
	s30 =	simm.s32 $0x8080  }
0x140: {  	[tilespmem:s30], [sflag:$0x1] =	stream.indirect.gather [hbm4b:s6+s14], $0x10, s29, s14, $0xb8;
	[tilespmem:$0x13480] =	vst v63  }
0x141: {  	s21 =	simm.s32 $0x2D40;
	s23 =	simm.s32 $0x10080  }
0x142: {  	[tilespmem:s23], [sflag:$0x1] =	stream.indirect.gather [hbm4b:s3+s14], $0x10, s21, s14, $0xb8;
	[tilespmem:$0x13480] =	vst v63  }
0x143: {  	s25 =	simm.s32 $0x25C0;
	s28 =	simm.s32 $0x8880  }
0x144: {  	[tilespmem:s28], [sflag:$0x1] =	stream.indirect.gather [hbm4b:s6+s14], $0x10, s25, s14, $0xb8;
	[tilespmem:$0x13480] =	vst v63  }
0x145: {  	s29 =	simm.s32 $0x2DC0;
	s30 =	simm.s32 $0x10880  }
0x146: {  	[tilespmem:s30], [sflag:$0x1] =	stream.indirect.gather [hbm4b:s3+s14], $0x10, s29, s14, $0xb8;
	[tilespmem:$0x13480] =	vst v63  }
0x147: {  	s21 =	simm.s32 $0x2640  }
0x148: {  	[tilespmem:s24], [sflag:$0x1] =	stream.indirect.gather [hbm4b:s6+s14], $0x10, s21, s14, $0xb8;
	[tilespmem:$0x13480] =	vst v63  }
0x149: {  	s23 =	simm.s32 $0x2E40  }
0x14a: {  	[tilespmem:s26], [sflag:$0x1] =	stream.indirect.gather [hbm4b:s3+s14], $0x10, s23, s14, $0xb8;
	[tilespmem:$0x13480] =	vst v63  }
0x14b: {  	s25 =	simm.s32 $0x26C0;
	s28 =	simm.s32 $0x9880  }
0x14c: {  	[tilespmem:s28], [sflag:$0x1] =	stream.indirect.gather [hbm4b:s6+s14], $0x10, s25, s14, $0xb8;
	[tilespmem:$0x13480] =	vst v63  }
0x14d: {  	s29 =	simm.s32 $0x2EC0;
	s30 =	simm.s32 $0x11880  }
0x14e: {  	[tilespmem:s30], [sflag:$0x1] =	stream.indirect.gather [hbm4b:s3+s14], $0x10, s29, s14, $0xb8;
	[tilespmem:$0x13480] =	vst v63  }
0x14f: {  	s21 =	simm.s32 $0x2740;
	s23 =	simm.s32 $0xA080  }
0x150: {  	[tilespmem:s23], [sflag:$0x1] =	stream.indirect.gather [hbm4b:s6+s14], $0x10, s21, s14, $0xb8;
	[tilespmem:$0x13480] =	vst v63  }
0x151: {  	s25 =	simm.s32 $0x2F40;
	s28 =	simm.s32 $0x12080  }
0x152: {  	[tilespmem:s28], [sflag:$0x1] =	stream.indirect.gather [hbm4b:s3+s14], $0x10, s25, s14, $0xb8;
	[tilespmem:$0x13480] =	vst v63  }
0x153: {  	s29 =	simm.s32 $0x27C0;
	s30 =	simm.s32 $0xA880  }
0x154: {  	[tilespmem:s30], [sflag:$0x1] =	stream.indirect.gather [hbm4b:s6+s14], $0x10, s29, s14, $0xb8;
	[tilespmem:$0x13480] =	vst v63  }
0x155: {  	s21 =	simm.s32 $0x2FC0;
	s23 =	simm.s32 $0x12880  }
0x156: {  	[tilespmem:s23], [sflag:$0x1] =	stream.indirect.gather [hbm4b:s3+s14], $0x10, s21, s14, $0xb8;
	[tilespmem:$0x13480] =	vst v63  }
0x157: {  	s25 =	simm.s32 $0x3040  }
0x158: {  	[tilespmem:s31], [sflag:$0x1] =	stream.indirect.gather [hbm4b:s6+s13], $0x10, s25, s13, $0xb8;
	[tilespmem:$0x13480] =	vst v63  }
0x159: {  	_ =	swait.ge [sflag:s12], $0x800  }
0x15a: {  	[sflag:s12] =	ssyncset.done $0x0  }
0x15b: {  	[sflag:s12] =	ssyncadd.s32 $0xFFFFF800  }
0x15c: {  	_ =	swait.ge [sflag:s12], $0x800  }
0x15d: {  	[sflag:s12] =	ssyncset.done $0x0  }
0x15e: {  	[sflag:s12] =	ssyncadd.s32 $0xFFFFF800  }
0x15f: {  	_ =	swait.ge [sflag:s12], $0x800  }
0x160: {  	[sflag:s12] =	ssyncset.done $0x0  }
0x161: {  	[sflag:s12] =	ssyncadd.s32 $0xFFFFF800  }
0x162: {  	_ =	swait.ge [sflag:s12], $0x800  }
0x163: {  	[sflag:s12] =	ssyncset.done $0x0  }
0x164: {  	[sflag:s12] =	ssyncadd.s32 $0xFFFFF800  }
0x165: {  	_ =	swait.ge [sflag:s12], $0x800  }
0x166: {  	[sflag:s12] =	ssyncset.done $0x0  }
0x167: {  	[sflag:s12] =	ssyncadd.s32 $0xFFFFF800  }
0x168: {  	_ =	swait.ge [sflag:s12], $0x800  }
0x169: {  	[sflag:s12] =	ssyncset.done $0x0  }
0x16a: {  	[sflag:s12] =	ssyncadd.s32 $0xFFFFF800  }
0x16b: {  	_ =	swait.ge [sflag:s12], $0x800  }
0x16c: {  	[sflag:s12] =	ssyncset.done $0x0  }
0x16d: {  	[sflag:s12] =	ssyncadd.s32 $0xFFFFF800  }
0x16e: {  	_ =	swait.ge [sflag:s12], $0x800  }
0x16f: {  	[sflag:s12] =	ssyncset.done $0x0  }
0x170: {  	[sflag:s12] =	ssyncadd.s32 $0xFFFFF800  }
0x171: {  	_ =	swait.ge [sflag:s12], $0x800  }
0x172: {  	[sflag:s12] =	ssyncset.done $0x0  }
0x173: {  	[sflag:s12] =	ssyncadd.s32 $0xFFFFF800  }
0x174: {  	_ =	swait.ge [sflag:s12], $0x800  }
0x175: {  	[sflag:s12] =	ssyncset.done $0x0  }
0x176: {  	[sflag:s12] =	ssyncadd.s32 $0xFFFFF800  }
0x177: {  	_ =	swait.ge [sflag:s12], $0x800  }
0x178: {  	[sflag:s12] =	ssyncset.done $0x0  }
0x179: {  	[sflag:s12] =	ssyncadd.s32 $0xFFFFF800  }
0x17a: {  	_ =	swait.ge [sflag:s12], $0x800  }
0x17b: {  	[sflag:s12] =	ssyncset.done $0x0  }
0x17c: {  	[sflag:s12] =	ssyncadd.s32 $0xFFFFF800  }
0x17d: {  	_ =	swait.ge [sflag:s12], $0x800  }
0x17e: {  	[sflag:s12] =	ssyncset.done $0x0  }
0x17f: {  	[sflag:s12] =	ssyncadd.s32 $0xFFFFF800  }
0x180: {  	_ =	swait.ge [sflag:s12], $0x800  }
0x181: {  	[sflag:s12] =	ssyncset.done $0x0  }
0x182: {  	[sflag:s12] =	ssyncadd.s32 $0xFFFFF800  }
0x183: {  	_ =	swait.ge [sflag:s12], $0x800  }
0x184: {  	[sflag:s12] =	ssyncset.done $0x0  }
0x185: {  	[sflag:s12] =	ssyncadd.s32 $0xFFFFF800  }
0x186: {  	_ =	swait.ge [sflag:s12], $0x800  }
0x187: {  	[sflag:s12] =	ssyncset.done $0x0  }
0x188: {  	[sflag:s12] =	ssyncadd.s32 $0xFFFFF800  }
0x189: {  	_ =	swait.ge [sflag:s12], $0x800  }
0x18a: {  	[sflag:s12] =	ssyncset.done $0x0  }
0x18b: {  	[sflag:s12] =	ssyncadd.s32 $0xFFFFF800  }
0x18c: {  	_ =	swait.ge [sflag:s12], $0x800  }
0x18d: {  	[sflag:s12] =	ssyncset.done $0x0  }
0x18e: {  	[sflag:s12] =	ssyncadd.s32 $0xFFFFF800  }
0x18f: {  	_ =	swait.ge [sflag:s12], $0x800  }
0x190: {  	[sflag:s12] =	ssyncset.done $0x0  }
0x191: {  	[sflag:s12] =	ssyncadd.s32 $0xFFFFF800  }
0x192: {  	_ =	swait.ge [sflag:s12], $0x800  }
0x193: {  	[sflag:s12] =	ssyncset.done $0x0  }
0x194: {  	[sflag:s12] =	ssyncadd.s32 $0xFFFFF800  }
0x195: {  	_ =	swait.ge [sflag:s12], $0x800  }
0x196: {  	[sflag:s12] =	ssyncset.done $0x0  }
0x197: {  	[sflag:s12] =	ssyncadd.s32 $0xFFFFF800  }
0x198: {  	_ =	swait.ge [sflag:s12], $0x800  }
0x199: {  	[sflag:s12] =	ssyncset.done $0x0  }
0x19a: {  	[sflag:s12] =	ssyncadd.s32 $0xFFFFF800  }
0x19b: {  	_ =	swait.ge [sflag:s12], $0x800  }
0x19c: {  	[sflag:s12] =	ssyncset.done $0x0  }
0x19d: {  	[sflag:s12] =	ssyncadd.s32 $0xFFFFF800  }
0x19e: {  	_ =	swait.ge [sflag:s12], $0x800  }
0x19f: {  	[sflag:s12] =	ssyncset.done $0x0  }
0x1a0: {  	[sflag:s12] =	ssyncadd.s32 $0xFFFFF800  }
0x1a1: {  	_ =	swait.ge [sflag:s12], $0x800  }
0x1a2: {  	[sflag:s12] =	ssyncset.done $0x0  }
0x1a3: {  	[sflag:s12] =	ssyncadd.s32 $0xFFFFF800  }
0x1a4: {  	_ =	swait.ge [sflag:s12], $0x800  }
0x1a5: {  	[sflag:s12] =	ssyncset.done $0x0  }
0x1a6: {  	[sflag:s12] =	ssyncadd.s32 $0xFFFFF800  }
0x1a7: {  	_ =	swait.ge [sflag:s12], $0x800  }
0x1a8: {  	[sflag:s12] =	ssyncset.done $0x0  }
0x1a9: {  	[sflag:s12] =	ssyncadd.s32 $0xFFFFF800  }
0x1aa: {  	_ =	swait.ge [sflag:s12], $0x800  }
0x1ab: {  	[sflag:s12] =	ssyncset.done $0x0  }
0x1ac: {  	[sflag:s12] =	ssyncadd.s32 $0xFFFFF800  }
0x1ad: {  	_ =	swait.ge [sflag:s12], $0x800  }
0x1ae: {  	[sflag:s12] =	ssyncset.done $0x0  }
0x1af: {  	[sflag:s12] =	ssyncadd.s32 $0xFFFFF800  }
0x1b0: {  	_ =	swait.ge [sflag:s12], $0x800  }
0x1b1: {  	[sflag:s12] =	ssyncset.done $0x0  }
0x1b2: {  	[sflag:s12] =	ssyncadd.s32 $0xFFFFF800  }
0x1b3: {  	_ =	swait.ge [sflag:s12], $0x800  }
0x1b4: {  	[sflag:s12] =	ssyncset.done $0x0  }
0x1b5: {  	[sflag:s12] =	ssyncadd.s32 $0xFFFFF800  }
0x1b6: {  	_ =	swait.ge [sflag:s12], $0x800  }
0x1b7: {  	[sflag:s12] =	ssyncset.done $0x0  }
0x1b8: {  	[sflag:s12] =	ssyncadd.s32 $0xFFFFF800  }
0x1b9: {  	_ =	swait.ge [sflag:s12], $0x400  }
0x1ba: {  	s11 =	sshll.u32 s5, $0x4;
	[sflag:s12] =	ssyncset.done $0x0  }
0x1bb: {  	s28 =	sadd.s32 s8, s11;
	[sflag:s12] =	ssyncadd.s32 $0xFFFFFC00  }
0x1bc: {  	[hbm4b:s28+s4] =	stream.linear.scatter [tilespmem:s19], [sflag:$0x2], $0x2000, $0x38;
	[tilespmem:$0x13480] =	vst v63  }
0x1bd: {  	_ =	swait.ge [sflag:s15], $0x2000  }
0x1be: {  	[sflag:s15] =	ssyncset.done $0x0  }
0x1bf: {  	s29 =	sadd.s32 s9, s11;
	[sflag:s15] =	ssyncadd.s32 $0xFFFFE000  }
0x1c0: {  	[hbm4b:s29+s4] =	stream.linear.scatter [tilespmem:s20], [sflag:$0x2], $0x2000, $0x38;
	[tilespmem:$0x13480] =	vst v63  }
0x1c1: {  	_ =	swait.ge [sflag:s15], $0x2000  }
0x1c2: {  	s30 =	sor.u32 $0x40000, s11;
	[sflag:s15] =	ssyncset.done $0x0  }
0x1c3: {  	s23 =	sadd.s32 s8, s30;
	[sflag:s15] =	ssyncadd.s32 $0xFFFFE000  }
0x1c4: {  	[hbm4b:s23+s4] =	stream.linear.scatter [tilespmem:s1], [sflag:$0x2], $0x2000, $0x38;
	[tilespmem:$0x13480] =	vst v63  }
0x1c5: {  	_ =	swait.ge [sflag:s15], $0x2000  }
0x1c6: {  	[sflag:s15] =	ssyncset.done $0x0  }
0x1c7: {  	s21 =	sadd.s32 s9, s30;
	[sflag:s15] =	ssyncadd.s32 $0xFFFFE000  }
0x1c8: {  	[hbm4b:s21+s4] =	stream.linear.scatter [tilespmem:s16], [sflag:$0x2], $0x2000, $0x38;
	[tilespmem:$0x13480] =	vst v63  }
0x1c9: {  	_ =	swait.ge [sflag:s15], $0x2000  }
0x1ca: {  	s25 =	sor.u32 $0x80000, s11;
	[sflag:s15] =	ssyncset.done $0x0  }
0x1cb: {  	s28 =	sadd.s32 s8, s25;
	[sflag:s15] =	ssyncadd.s32 $0xFFFFE000  }
0x1cc: {  	[hbm4b:s28+s4] =	stream.linear.scatter [tilespmem:s2], [sflag:$0x2], $0x2000, $0x38;
	[tilespmem:$0x13480] =	vst v63  }
0x1cd: {  	_ =	swait.ge [sflag:s15], $0x2000  }
0x1ce: {  	[sflag:s15] =	ssyncset.done $0x0  }
0x1cf: {  	s21 =	sadd.s32 s9, s25;
	[sflag:s15] =	ssyncadd.s32 $0xFFFFE000  }
0x1d0: {  	[hbm4b:s21+s4] =	stream.linear.scatter [tilespmem:s22], [sflag:$0x2], $0x2000, $0x38;
	[tilespmem:$0x13480] =	vst v63  }
0x1d1: {  	_ =	swait.ge [sflag:s15], $0x2000  }
0x1d2: {  	s11 =	sor.u32 $0xC0000, s11;
	[sflag:s15] =	ssyncset.done $0x0  }
0x1d3: {  	s29 =	sadd.s32 s8, s11;
	[sflag:s15] =	ssyncadd.s32 $0xFFFFE000  }
0x1d4: {  	[hbm4b:s29+s4] =	stream.linear.scatter [tilespmem:s24], [sflag:$0x2], $0x2000, $0x38;
	[tilespmem:$0x13480] =	vst v63  }
0x1d5: {  	_ =	swait.ge [sflag:s15], $0x2000  }
0x1d6: {  	[sflag:s15] =	ssyncset.done $0x0  }
0x1d7: {  	s11 =	sadd.s32 s9, s11;
	[sflag:s15] =	ssyncadd.s32 $0xFFFFE000  }
0x1d8: {  	[hbm4b:s11+s4] =	stream.linear.scatter [tilespmem:s26], [sflag:$0x2], $0x2000, $0x38;
	[tilespmem:$0x13480] =	vst v63  }
0x1d9: {  	s0 =	sadd.s32 $0x1, s0;
	_ =	swait.ge [sflag:s15], $0x2000  }
0x1da: {  	p0 =	sne.s32 s0, $0x8;
	s30 =	sshll.u32 s5, $0x1;
	[sflag:s15] =	ssyncset.done $0x0  }
.Ltmp3:
0x1db: {  	s5 =	sadd.s32 s7, s30;
	[sflag:s15] =	ssyncadd.s32 $0xFFFFE000;
	(pc) =	sbr.rel @p0 .LBB2_2-.Ltmp3, $4  }
0x1dc: {  	[hbm4b:s5+s4] =	stream.linear.scatter [tilespmem:s31], [sflag:$0x2], $0x400, $0x38;
	[tilespmem:$0x13480] =	vst v63  }
0x1dd: {  	_ =	swait.ge [sflag:s15], $0x400  }
0x1de: {  	[sflag:s15] =	ssyncset.done $0x0  }
0x1df: {  	[sflag:s15] =	ssyncadd.s32 $0xFFFFFC00  }
0x1e0: {  	s5 =	rddreg [dreg:$0x6]  }
0x1e1: {  	s0 =	rddreg [dreg:$0x5];
	s5 =	sadd.s32 $0x1, s5  }
0x1e2: {  	p0 =	sne.s32 s5, s0  }
.Ltmp4:
0x1e3: {  	_ = 	snop;
	(pc) =	sbr.rel @p0 .LBB2_1-.Ltmp4, $1  }
0x1e4: {  	_ =	sdelay $0x3  }
0x1e5: {  	_ =	sfence.sel $0x180000  }
0x1e6: {  	[bflag:$0x0] =	sbarrier.arrive $0xFFFF  }
0x1e7: {  	_ =	strace $0x90000047  }
0x1e8: {  	s0 =	stileid.u32;
	[bflag:$0x2] =	sbarrier.arrive $0xFFFF  }
0x1e9: {  	p0 =	sne.s32 s0, $0x0;
	s0 =	rddreg [dreg:$0x4]  }
0x1ea: {  	s0 =	sadd.s32 @!p0 $0x100000, s0  }
0x1eb: {  	[sflag:s0] =	ssyncadd.tile.s32 @!p0 $0x1;
	_ =	shalt  }
.Lfunc_end2:
_tile_overlayer_lowered:
.L_overlay_start_2:
0x1ec: {  	(tag) =	ssettag $0x2  }
0x1ed: {  	s0 =	rddreg [dreg:$0x0];
	s2 =	stileid.u32  }
0x1ee: {  	s1 =	rddreg [dreg:$0x1];
	p0 =	sne.s32 s2, $0x0  }
0x1ef: {  	s3 =	rddreg [dreg:$0x2];
	[bflag:$0x3] =	sbarrier.arrive $0xFFFF;
	s2 =	simm.s32 @!p0 $0x1C02  }
0x1f0: {  	[timem:s3], [sflag:s2] =	dma.local @!p0 [hbm:s0], s1  }
0x1f1: {  	s0 =	simm.s32 @!p0 $0x2  }
0x1f2: {  	_ =	swait.ge @!p0 [sflag:s0], s1  }
0x1f3: {  	s1 =	ssub.s32 @!p0 $0x0, s1;
	[sflag:s0] =	ssyncset.done @!p0 $0x0  }
0x1f4: {  	[sflag:s0] =	ssyncadd.s32 @!p0 s1  }
0x1f5: {  	[bflag:$0x3] =	sbarrier.arrive $0xFFFF  }
0x1f6: {  	_ =	shalt  }

</sc_bundles>
